<compile_context>
chip_gen: v7x
topology: tpu7x:2x2x1
jax: 0.10.2.dev20260603
libtpu: 0.0.44.dev20260713+nightly
codegen_flags: <defaults>
</compile_context>

<pallas_src>
import functools

import jax
import jax.numpy as jnp
from jax import lax
from jax.experimental import pallas as pl
from jax.experimental.pallas import tpu as pltpu
from jax.experimental.pallas import tpu_sc as plsc

B = 8
H = 512
W = 512
N = H * W
NTOT = B * N
NW = 32
WPS = NW // B
R_SC = 320
ROWS_W = R_SC // WPS
RCH = 40
NCH = ROWS_W // RCH
VPR = W // 16

_C0 = 0.0009251831215806305
_C1 = 0.9797525405883789
_C2 = -0.3935345709323883
_C3 = 0.10668430477380753
def _softplus_nc(xv):
    e = jnp.exp(-jnp.abs(xv))
    p = (jnp.float32(_C3) * e + jnp.float32(_C2)) * e + jnp.float32(_C1)
    return jnp.maximum(xv, jnp.float32(0.0)) + p * e


_MESH = plsc.VectorSubcoreMesh(core_axis_name="c", subcore_axis_name="s",
                               num_cores=2, num_subcores=16)


def _sc_sums_body(x_hbm, out_hbm, xb0, xb1, ob, sx0, sx1):
    c = lax.axis_index("c")
    s = lax.axis_index("s")
    wid = s * 2 + c
    samp = wid // WPS
    row0 = (wid % WPS) * ROWS_W
    xbufs = (xb0, xb1)
    sxs = (sx0, sx1)

    def start(ci):
        r = row0 + ci * RCH
        b = ci & 1
        return pltpu.async_copy(x_hbm.at[samp, 0, pl.ds(r, RCH), :],
                                xbufs[b], sxs[b])

    def compute_chunk(xb, acc0):
        def row_loop(ri, carry2):
            def vloop(i, al):
                xv = xb[ri, pl.ds(i * 16, 16)]
                return al + _softplus_nc(xv)

            return lax.fori_loop(0, VPR, vloop, carry2, unroll=8)

        return lax.fori_loop(0, RCH, row_loop, acc0)

    acc = jnp.zeros((16,), jnp.float32)
    h = start(0)
    for ci in range(NCH):
        hx = h
        if ci + 1 < NCH:
            h = start(ci + 1)
        hx.wait()
        acc = compute_chunk(xbufs[ci & 1], acc)
    ob[0, :] = acc
    pltpu.sync_copy(ob, out_hbm.at[wid])


RRCH = 32
RNCH = H // RRCH


def _key_u32(xv, tv):
    b = lax.bitcast_convert_type(xv, jnp.uint32)
    neg = (b >> jnp.uint32(31)) == jnp.uint32(1)
    key = jnp.where(neg, ~b, b | jnp.uint32(0x80000000))
    key = jnp.maximum(key, jnp.uint32(1))
    return jnp.where(tv == jnp.float32(1.0), jnp.uint32(0), key)


def _lane_sum(v):
    idx = lax.iota(jnp.int32, 16)
    for sh in (1, 2, 4, 8):
        rot = v.at[(idx + sh) & 15].get(mode="promise_in_bounds")
        v = v + rot
    return v


def _sc_topk_body(x_hbm, t_hbm, out_hbm, xb, tb, ob):
    c = lax.axis_index("c")
    s = lax.axis_index("s")
    wid = s * 2 + c
    samp = jnp.minimum(wid, B - 1)
    zi = jnp.zeros((16,), jnp.int32)
    zf = jnp.zeros((16,), jnp.float32)

    def count_pass(cand_incl):
        def chunk_loop(ci, acc):
            pltpu.sync_copy(x_hbm.at[samp, 0, pl.ds(ci * RRCH, RRCH), :], xb)
            pltpu.sync_copy(t_hbm.at[samp, 0, pl.ds(ci * RRCH, RRCH), :], tb)

            def row_loop(ri, a0):
                def vloop(i, a):
                    key = _key_u32(xb[ri, pl.ds(i * 16, 16)],
                                   tb[ri, pl.ds(i * 16, 16)])
                    return a + jnp.where(key >= cand_incl, jnp.int32(1),
                                         jnp.int32(0))

                return lax.fori_loop(0, VPR, vloop, a0, unroll=4)

            return lax.fori_loop(0, RRCH, row_loop, acc)

        acc = lax.fori_loop(0, RNCH, chunk_loop, zi)
        return _lane_sum(acc)

    def nw_chunk(ci, acc):
        pltpu.sync_copy(t_hbm.at[samp, 0, pl.ds(ci * RRCH, RRCH), :], tb)

        def row_loop(ri, a0):
            def vloop(i, a):
                return a + tb[ri, pl.ds(i * 16, 16)]

            return lax.fori_loop(0, VPR, vloop, a0, unroll=4)

        return lax.fori_loop(0, RRCH, row_loop, acc)

    nwv = lax.fori_loop(0, RNCH, nw_chunk, zf)
    n_white_f = _lane_sum(nwv)
    n_white = n_white_f.astype(jnp.int32)
    n_black = jnp.full((16,), N, jnp.int32) - n_white
    k = jnp.minimum(3 * n_white, n_black)

    def bit_step(j, prefix):
        bit = jnp.full((16,), 1, jnp.uint32) << (
            jnp.uint32(31) - j.astype(jnp.uint32))
        cand = prefix | bit
        cnt = count_pass(cand)
        return jnp.where(cnt >= k, cand, prefix)

    T = lax.fori_loop(0, 32, bit_step, jnp.zeros((16,), jnp.uint32))

    def fin_chunk(ci, carry):
        pltpu.sync_copy(x_hbm.at[samp, 0, pl.ds(ci * RRCH, RRCH), :], xb)
        pltpu.sync_copy(t_hbm.at[samp, 0, pl.ds(ci * RRCH, RRCH), :], tb)

        def row_loop(ri, c0):
            def vloop(i, cc):
                aw, abs_, abc = cc
                xv = xb[ri, pl.ds(i * 16, 16)]
                tv = tb[ri, pl.ds(i * 16, 16)]
                sp = _softplus_nc(xv) + jnp.float32(_C0)
                key = _key_u32(xv, tv)
                white = tv == jnp.float32(1.0)
                gt = key > T
                aw = aw + jnp.where(white, sp - xv, jnp.float32(0.0))
                abs_ = abs_ + jnp.where(gt, sp, jnp.float32(0.0))
                abc = abc + jnp.where(gt, jnp.float32(1.0), jnp.float32(0.0))
                return aw, abs_, abc

            return lax.fori_loop(0, VPR, vloop, c0, unroll=4)

        return lax.fori_loop(0, RRCH, row_loop, carry)

    aw, abs_, abc = lax.fori_loop(0, RNCH, fin_chunk, (zf, zf, zf))
    sum_white = _lane_sum(aw)
    sum_gt = _lane_sum(abs_)
    cnt_gt = _lane_sum(abc)

    tbits = jnp.where(T >= jnp.uint32(0x80000000), T & jnp.uint32(0x7FFFFFFF),
                      ~T)
    sp_tie = _softplus_nc(lax.bitcast_convert_type(tbits, jnp.float32)) + \
        jnp.float32(_C0)
    n_tie = k.astype(jnp.float32) - cnt_gt
    sum_black = sum_gt + jnp.where(k > 0, n_tie * sp_tie, jnp.float32(0.0))

    ob[0, :] = sum_white + sum_black
    ob[1, :] = n_white_f + k.astype(jnp.float32)
    ob[2, :] = zf
    ob[3, :] = zf
    pltpu.sync_copy(ob, out_hbm.at[wid])


def _tc_part_body(x_ref, t_ref, o_ref):
    xs = x_ref[0, 0]
    ts = t_ref[0, 0]
    tw = jnp.sum(ts)
    xw = jnp.sum(xs * ts)
    xhi = xs[R_SC:, :]
    sp = jnp.sum(jnp.maximum(xhi, 0.0) + jnp.log1p(jnp.exp(-jnp.abs(xhi))))
    o_ref[0] = jnp.stack([jnp.full((128,), tw, jnp.float32),
                          jnp.full((128,), xw, jnp.float32),
                          jnp.full((128,), sp, jnp.float32)])


_tc_part = pl.pallas_call(
    _tc_part_body,
    grid=(B,),
    in_specs=[
        pl.BlockSpec((1, 1, H, W), lambda b: (b, 0, 0, 0)),
        pl.BlockSpec((1, 1, H, W), lambda b: (b, 0, 0, 0)),
    ],
    out_specs=pl.BlockSpec((1, 3, 128), lambda b: (b, 0, 0)),
    out_shape=jax.ShapeDtypeStruct((B, 3, 128), jnp.float32),
)


def _build_kernels(interpret=False):
    sums = pl.kernel(
        _sc_sums_body,
        out_type=jax.ShapeDtypeStruct((NW, 1, 16), jnp.float32),
        mesh=_MESH,
        scratch_types=[
            pltpu.VMEM((RCH, W), jnp.float32),
            pltpu.VMEM((RCH, W), jnp.float32),
            pltpu.VMEM((1, 16), jnp.float32),
            pltpu.SemaphoreType.DMA,
            pltpu.SemaphoreType.DMA,
        ],
        interpret=interpret,
    )
    topk = pl.kernel(
        _sc_topk_body,
        out_type=jax.ShapeDtypeStruct((NW, 4, 16), jnp.float32),
        mesh=_MESH,
        scratch_types=[
            pltpu.VMEM((RRCH, W), jnp.float32),
            pltpu.VMEM((RRCH, W), jnp.float32),
            pltpu.VMEM((4, 16), jnp.float32),
        ],
        interpret=interpret,
    )
    return sums, topk


_sc_sums, _sc_topk = _build_kernels()


def kernel(input, target):
    parts = _sc_sums(input)
    tc = _tc_part(input, target)
    tw = tc[:, 0, 0]
    xw = jnp.sum(tc[:, 1, 0])
    sp_hi = jnp.sum(tc[:, 2, 0])
    sp_sum = jnp.sum(parts) + jnp.float32(B * R_SC * W * _C0) + sp_hi
    loss_sum = sp_sum - xw
    n_white = tw
    n_black = jnp.float32(N) - n_white
    common = loss_sum / jnp.float32(NTOT)

    def rare():
        out = _sc_topk(input, target)
        sums = out[:B, 0, 0]
        cnts = out[:B, 1, 0]
        return jnp.sum(sums) / jnp.sum(cnts)

    pred = jnp.all(3.0 * n_white >= n_black) & jnp.isfinite(xw)
    return lax.cond(pred, lambda: common, rare)

# --- scband reference (transcript-rebuilt; emitter-appended) ---
"""Pipeline reference for scband-topk-ce-68023692034065 (READ-ONLY COPY).

The authoritative reference and input builder live on the scoring server;
editing this copy changes nothing except your own understanding.
"""

import jax, jax.numpy as jnp
import numpy as np


def setup_inputs(seed: int = 0) -> dict:
    key = jax.random.key(seed)
    k1, k2 = jax.random.split(key)
    x = jax.random.normal(k1, (8, 1, 512, 512), dtype=jnp.float32)
    t = jax.random.randint(k2, (8, 1, 512, 512), 0, 2).astype(jnp.float32)
    return {"input": x, "target": t}


def reference(input, target):
    # topk_CE: BCEWithLogits (reduction='none'), then per-sample online hard
    # negative mining: keep all 'white' (target==1) losses and the top 3*n_white
    # 'black' (target==0) losses (sorted descending), mean over the concatenation.
    B = input.shape[0]
    x = input.reshape(B, -1)
    t = target.reshape(B, -1)
    N = x.shape[1]
    # numerically stable BCE-with-logits: log(1 + e^x) - x * t
    loss = jnp.logaddexp(jnp.float32(0.0), x) - x * t
    w_mask = (t == 1.0)
    n_white = jnp.sum(w_mask, axis=1)              # [B] int
    n_black = N - n_white                          # [B] int
    sum_white = jnp.sum(jnp.where(w_mask, loss, 0.0), axis=1)
    # pad white positions with very negative value so blacks sort first
    NEG = jnp.float32(-1e30)
    black_vals = jnp.where(w_mask, NEG, loss)
    sorted_b = -jnp.sort(-black_vals, axis=1)      # descending sort per sample
    ranks = jnp.arange(N)[None, :]
    k = jnp.minimum(3 * n_white, n_black)[:, None] # effective count of kept blacks
    take = ranks < k
    sum_black = jnp.sum(jnp.where(take, sorted_b, 0.0), axis=1)
    total_sum = jnp.sum(sum_white) + jnp.sum(sum_black)
    total_cnt = jnp.sum(n_white) + jnp.sum(jnp.minimum(3 * n_white, n_black))
    return total_sum / total_cnt.astype(jnp.float32)

if __name__ == "__main__":
    import jax
    _d = setup_inputs()
    print(jax.jit(kernel)(*tuple(_d.values())))

</pallas_src>

<mosaic_0001>
#map = affine_map<(d0, d1) -> (0, 0, 0, 0)>
#map1 = affine_map<(d0, d1) -> (0, 0, 0)>
module attributes {stable_mosaic.version = 14 : i64} {
  func.func @_sc_topk_body(%arg0: i32, %arg1: i32, %arg2: memref<8x1x512x512xf32, #tpu.memory_space<hbm>>, %arg3: memref<8x1x512x512xf32, #tpu.memory_space<hbm>>, %arg4: memref<32x4x16xf32, #tpu.memory_space<hbm>>, %arg5: memref<32x512xf32, #tpu.memory_space<vmem>>, %arg6: memref<32x512xf32, #tpu.memory_space<vmem>>, %arg7: memref<4x16xf32, #tpu.memory_space<vmem>>) attributes {dimension_semantics = [#tpu.dimension_semantics<core_parallel>, #tpu.dimension_semantics<subcore_parallel>], iteration_bounds = array<i64: 2, 16>, scalar_prefetch = 0 : i64, scratch_operands = 3 : i64, tpu.core_type = #tpu.core_type<sc_vector_subcore>, window_params = [{transform_indices = #map}, {transform_indices = #map}, {transform_indices = #map1}]} {
    %mul3A = arith.constant 2 : i32
    %mul3A_0 = arith.muli %arg1, %mul3A : i32
    %add3A = arith.addi %mul3A_0, %arg0 : i32
    %min3A = arith.constant 7 : i32
    %min3A_1 = arith.minsi %add3A, %min3A : i32
    %broadcast_in_dim3A = arith.constant 0 : i32
    %broadcast_in_dim3A_2 = vector.broadcast %broadcast_in_dim3A : i32 to vector<16xi32>
    %broadcast_in_dim3A_3 = arith.constant 0.000000e+00 : f32
    %broadcast_in_dim3A_4 = vector.broadcast %broadcast_in_dim3A_3 : f32 to vector<16xf32>
    %scan3A = arith.constant 0 : i32
    %scan3A_5 = arith.constant 16 : i32
    %scan3A_6 = arith.addi %scan3A, %scan3A_5 : i32
    %scan3A_7 = arith.constant 1 : i32
    %scan3A_8 = scf.for %scan3A_361 = %scan3A to %scan3A_6 step %scan3A_7 iter_args(%scan3A_362 = %broadcast_in_dim3A_4) -> (vector<16xf32>)  : i32 {
      %mul3A_363 = arith.constant 32 : i32
      %mul3A_364 = arith.muli %scan3A_361, %mul3A_363 : i32
      %run_scoped3A = arith.constant 0 : i32
      "tpu.region"() ({
        %run_scoped3A_371 = tpu.sem_alloc : memref<!tpu.dma_semaphore, #tpu.memory_space<semaphore_mem>>
        %dma_start3A = arith.constant 0 : i32
        %dma_start3A_372 = tpu.memref_slice %arg3[%min3A_1, %run_scoped3A, %mul3A_364, %dma_start3A] : memref<8x1x512x512xf32, #tpu.memory_space<hbm>> -> memref<1x1x32x512xf32, #tpu.memory_space<hbm>>
        %dma_start3A_373 = tpu.memref_squeeze %dma_start3A_372 : memref<1x1x32x512xf32, #tpu.memory_space<hbm>> -> memref<32x512xf32, #tpu.memory_space<hbm>>
        %dma_start3A_374 = arith.constant 0 : i32
        %dma_start3A_375 = tpu.memref_slice %arg3[%min3A_1, %run_scoped3A, %mul3A_364, %dma_start3A_374] : memref<8x1x512x512xf32, #tpu.memory_space<hbm>> -> memref<1x1x32x512xf32, #tpu.memory_space<hbm>>
        %dma_start3A_376 = tpu.memref_squeeze %dma_start3A_375 : memref<1x1x32x512xf32, #tpu.memory_space<hbm>> -> memref<32x512xf32, #tpu.memory_space<hbm>>
        tpu.enqueue_dma source(%dma_start3A_376 : memref<32x512xf32, #tpu.memory_space<hbm>>) target(%arg6 : memref<32x512xf32, #tpu.memory_space<vmem>>) target_semaphore(%run_scoped3A_371 : memref<!tpu.dma_semaphore, #tpu.memory_space<semaphore_mem>>)
        %dma_wait3A = arith.constant 0 : i32
        %dma_wait3A_377 = tpu.memref_slice %arg3[%min3A_1, %run_scoped3A, %mul3A_364, %dma_wait3A] : memref<8x1x512x512xf32, #tpu.memory_space<hbm>> -> memref<1x1x32x512xf32, #tpu.memory_space<hbm>>
        %dma_wait3A_378 = tpu.memref_squeeze %dma_wait3A_377 : memref<1x1x32x512xf32, #tpu.memory_space<hbm>> -> memref<32x512xf32, #tpu.memory_space<hbm>>
        %dma_wait3A_379 = arith.constant 0 : i32
        %dma_wait3A_380 = tpu.memref_slice %arg3[%min3A_1, %run_scoped3A, %mul3A_364, %dma_wait3A_379] : memref<8x1x512x512xf32, #tpu.memory_space<hbm>> -> memref<1x1x32x512xf32, #tpu.memory_space<hbm>>
        %dma_wait3A_381 = tpu.memref_squeeze %dma_wait3A_380 : memref<1x1x32x512xf32, #tpu.memory_space<hbm>> -> memref<32x512xf32, #tpu.memory_space<hbm>>
        tpu.wait_dma2 semaphore(%run_scoped3A_371 : memref<!tpu.dma_semaphore, #tpu.memory_space<semaphore_mem>>) src(%dma_wait3A_381 : memref<32x512xf32, #tpu.memory_space<hbm>>) dst(%arg6 : memref<32x512xf32, #tpu.memory_space<vmem>>)
        tpu.yield
      }) : () -> ()
      %scan3A_365 = arith.constant 0 : i32
      %scan3A_366 = arith.constant 32 : i32
      %scan3A_367 = arith.addi %scan3A_365, %scan3A_366 : i32
      %scan3A_368 = arith.constant 1 : i32
      %scan3A_369 = scf.for %scan3A_371 = %scan3A_365 to %scan3A_367 step %scan3A_368 iter_args(%scan3A_372 = %scan3A_362) -> (vector<16xf32>)  : i32 {
        %scan3A_373 = arith.constant 0 : i32
        %scan3A_374 = arith.constant 32 : i32
        %scan3A_375 = arith.addi %scan3A_373, %scan3A_374 : i32
        %scan3A_376 = arith.constant 4 : i32
        %scan3A_377 = scf.for %scan3A_379 = %scan3A_373 to %scan3A_375 step %scan3A_376 iter_args(%scan3A_380 = %scan3A_372) -> (vector<16xf32>)  : i32 {
          %mul3A_381 = arith.constant 16 : i32
          %mul3A_382 = arith.muli %scan3A_379, %mul3A_381 : i32
          %get3A = arith.index_cast %scan3A_371 : i32 to index
          %get3A_383 = arith.index_cast %mul3A_382 : i32 to index
          %get3A_384 = tpu.vector_load %arg6[%get3A, %get3A_383] {strides = array<i32>} : memref<32x512xf32, #tpu.memory_space<vmem>>, vector<1x16xf32>,
          %get3A_385 = vector.shape_cast %get3A_384 : vector<1x16xf32> to vector<16xf32>
          %add3A_386 = arith.addf %scan3A_380, %get3A_385 : vector<16xf32>
          %scan3A_387 = arith.constant 1 : i32
          %scan3A_388 = arith.addi %scan3A_379, %scan3A_387 : i32
          %mul3A_389 = arith.constant 16 : i32
          %mul3A_390 = arith.muli %scan3A_388, %mul3A_389 : i32
          %get3A_391 = arith.index_cast %scan3A_371 : i32 to index
          %get3A_392 = arith.index_cast %mul3A_390 : i32 to index
          %get3A_393 = tpu.vector_load %arg6[%get3A_391, %get3A_392] {strides = array<i32>} : memref<32x512xf32, #tpu.memory_space<vmem>>, vector<1x16xf32>,
          %get3A_394 = vector.shape_cast %get3A_393 : vector<1x16xf32> to vector<16xf32>
          %add3A_395 = arith.addf %add3A_386, %get3A_394 : vector<16xf32>
          %scan3A_396 = arith.constant 2 : i32
          %scan3A_397 = arith.addi %scan3A_379, %scan3A_396 : i32
          %mul3A_398 = arith.constant 16 : i32
          %mul3A_399 = arith.muli %scan3A_397, %mul3A_398 : i32
          %get3A_400 = arith.index_cast %scan3A_371 : i32 to index
          %get3A_401 = arith.index_cast %mul3A_399 : i32 to index
          %get3A_402 = tpu.vector_load %arg6[%get3A_400, %get3A_401] {strides = array<i32>} : memref<32x512xf32, #tpu.memory_space<vmem>>, vector<1x16xf32>,
          %get3A_403 = vector.shape_cast %get3A_402 : vector<1x16xf32> to vector<16xf32>
          %add3A_404 = arith.addf %add3A_395, %get3A_403 : vector<16xf32>
          %scan3A_405 = arith.constant 3 : i32
          %scan3A_406 = arith.addi %scan3A_379, %scan3A_405 : i32
          %mul3A_407 = arith.constant 16 : i32
          %mul3A_408 = arith.muli %scan3A_406, %mul3A_407 : i32
          %get3A_409 = arith.index_cast %scan3A_371 : i32 to index
          %get3A_410 = arith.index_cast %mul3A_408 : i32 to index
          %get3A_411 = tpu.vector_load %arg6[%get3A_409, %get3A_410] {strides = array<i32>} : memref<32x512xf32, #tpu.memory_space<vmem>>, vector<1x16xf32>,
          %get3A_412 = vector.shape_cast %get3A_411 : vector<1x16xf32> to vector<16xf32>
          %add3A_413 = arith.addf %add3A_404, %get3A_412 : vector<16xf32>
          scf.yield %add3A_413 : vector<16xf32>
        }
        %scan3A_378 = arith.constant 32 : i32
        scf.yield %scan3A_377 : vector<16xf32>
      }
      %scan3A_370 = arith.constant 32 : i32
      scf.yield %scan3A_369 : vector<16xf32>
    }
    %scan3A_9 = arith.constant 16 : i32
    %iota3A = tpu.iota {dimensions = array<i32: 0>} : vector<16xi32>
    %add3A_10 = arith.constant 1 : i32
    %add3A_11 = vector.broadcast %add3A_10 : i32 to vector<16xi32>
    %add3A_12 = arith.addi %iota3A, %add3A_11 : vector<16xi32>
    %and3A = arith.constant 15 : i32
    %and3A_13 = vector.broadcast %and3A : i32 to vector<16xi32>
    %and3A_14 = arith.andi %add3A_12, %and3A_13 : vector<16xi32>
    %lt3A = arith.constant 0 : i32
    %lt3A_15 = vector.broadcast %lt3A : i32 to vector<16xi32>
    %lt3A_16 = arith.cmpi slt, %and3A_14, %lt3A_15 : vector<16xi32>
    %add3A_17 = arith.constant 16 : i32
    %add3A_18 = vector.broadcast %add3A_17 : i32 to vector<16xi32>
    %add3A_19 = arith.addi %and3A_14, %add3A_18 : vector<16xi32>
    %select_n3A = arith.select %lt3A_16, %add3A_19, %and3A_14 : vector<16xi1>, vector<16xi32>
    %broadcast_in_dim3A_20 = vector.shape_cast %select_n3A : vector<16xi32> to vector<16x1xi32>
    %gather3A = vector.shape_cast %broadcast_in_dim3A_20 : vector<16x1xi32> to vector<16xi32>
    %gather3A_21 = tpu.dynamic_gather %scan3A_8[%gather3A] in [0] : vector<16xf32>, vector<16xi32> -> vector<16xf32>
    %add3A_22 = arith.addf %scan3A_8, %gather3A_21 : vector<16xf32>
    %add3A_23 = arith.constant 2 : i32
    %add3A_24 = vector.broadcast %add3A_23 : i32 to vector<16xi32>
    %add3A_25 = arith.addi %iota3A, %add3A_24 : vector<16xi32>
    %and3A_26 = arith.constant 15 : i32
    %and3A_27 = vector.broadcast %and3A_26 : i32 to vector<16xi32>
    %and3A_28 = arith.andi %add3A_25, %and3A_27 : vector<16xi32>
    %lt3A_29 = arith.constant 0 : i32
    %lt3A_30 = vector.broadcast %lt3A_29 : i32 to vector<16xi32>
    %lt3A_31 = arith.cmpi slt, %and3A_28, %lt3A_30 : vector<16xi32>
    %add3A_32 = arith.constant 16 : i32
    %add3A_33 = vector.broadcast %add3A_32 : i32 to vector<16xi32>
    %add3A_34 = arith.addi %and3A_28, %add3A_33 : vector<16xi32>
    %select_n3A_35 = arith.select %lt3A_31, %add3A_34, %and3A_28 : vector<16xi1>, vector<16xi32>
    %broadcast_in_dim3A_36 = vector.shape_cast %select_n3A_35 : vector<16xi32> to vector<16x1xi32>
    %gather3A_37 = vector.shape_cast %broadcast_in_dim3A_36 : vector<16x1xi32> to vector<16xi32>
    %gather3A_38 = tpu.dynamic_gather %add3A_22[%gather3A_37] in [0] : vector<16xf32>, vector<16xi32> -> vector<16xf32>
    %add3A_39 = arith.addf %add3A_22, %gather3A_38 : vector<16xf32>
    %add3A_40 = arith.constant 4 : i32
    %add3A_41 = vector.broadcast %add3A_40 : i32 to vector<16xi32>
    %add3A_42 = arith.addi %iota3A, %add3A_41 : vector<16xi32>
    %and3A_43 = arith.constant 15 : i32
    %and3A_44 = vector.broadcast %and3A_43 : i32 to vector<16xi32>
    %and3A_45 = arith.andi %add3A_42, %and3A_44 : vector<16xi32>
    %lt3A_46 = arith.constant 0 : i32
    %lt3A_47 = vector.broadcast %lt3A_46 : i32 to vector<16xi32>
    %lt3A_48 = arith.cmpi slt, %and3A_45, %lt3A_47 : vector<16xi32>
    %add3A_49 = arith.constant 16 : i32
    %add3A_50 = vector.broadcast %add3A_49 : i32 to vector<16xi32>
    %add3A_51 = arith.addi %and3A_45, %add3A_50 : vector<16xi32>
    %select_n3A_52 = arith.select %lt3A_48, %add3A_51, %and3A_45 : vector<16xi1>, vector<16xi32>
    %broadcast_in_dim3A_53 = vector.shape_cast %select_n3A_52 : vector<16xi32> to vector<16x1xi32>
    %gather3A_54 = vector.shape_cast %broadcast_in_dim3A_53 : vector<16x1xi32> to vector<16xi32>
    %gather3A_55 = tpu.dynamic_gather %add3A_39[%gather3A_54] in [0] : vector<16xf32>, vector<16xi32> -> vector<16xf32>
    %add3A_56 = arith.addf %add3A_39, %gather3A_55 : vector<16xf32>
    %add3A_57 = arith.constant 8 : i32
    %add3A_58 = vector.broadcast %add3A_57 : i32 to vector<16xi32>
    %add3A_59 = arith.addi %iota3A, %add3A_58 : vector<16xi32>
    %and3A_60 = arith.constant 15 : i32
    %and3A_61 = vector.broadcast %and3A_60 : i32 to vector<16xi32>
    %and3A_62 = arith.andi %add3A_59, %and3A_61 : vector<16xi32>
    %lt3A_63 = arith.constant 0 : i32
    %lt3A_64 = vector.broadcast %lt3A_63 : i32 to vector<16xi32>
    %lt3A_65 = arith.cmpi slt, %and3A_62, %lt3A_64 : vector<16xi32>
    %add3A_66 = arith.constant 16 : i32
    %add3A_67 = vector.broadcast %add3A_66 : i32 to vector<16xi32>
    %add3A_68 = arith.addi %and3A_62, %add3A_67 : vector<16xi32>
    %select_n3A_69 = arith.select %lt3A_65, %add3A_68, %and3A_62 : vector<16xi1>, vector<16xi32>
    %broadcast_in_dim3A_70 = vector.shape_cast %select_n3A_69 : vector<16xi32> to vector<16x1xi32>
    %gather3A_71 = vector.shape_cast %broadcast_in_dim3A_70 : vector<16x1xi32> to vector<16xi32>
    %gather3A_72 = tpu.dynamic_gather %add3A_56[%gather3A_71] in [0] : vector<16xf32>, vector<16xi32> -> vector<16xf32>
    %add3A_73 = arith.addf %add3A_56, %gather3A_72 : vector<16xf32>
    %convert_element_type3A = arith.fptosi %add3A_73 : vector<16xf32> to vector<16xi32>
    %broadcast_in_dim3A_74 = arith.constant 262144 : i32
    %broadcast_in_dim3A_75 = vector.broadcast %broadcast_in_dim3A_74 : i32 to vector<16xi32>
    %sub3A = arith.subi %broadcast_in_dim3A_75, %convert_element_type3A : vector<16xi32>
    %mul3A_76 = arith.constant 3 : i32
    %mul3A_77 = vector.broadcast %mul3A_76 : i32 to vector<16xi32>
    %mul3A_78 = arith.muli %mul3A_77, %convert_element_type3A : vector<16xi32>
    %min3A_79 = arith.minsi %mul3A_78, %sub3A : vector<16xi32>
    %broadcast_in_dim3A_80 = arith.constant 0 : i32
    %broadcast_in_dim3A_81 = vector.broadcast %broadcast_in_dim3A_80 : i32 to vector<16xi32>
    %scan3A_82 = arith.constant 0 : i32
    %scan3A_83 = arith.constant 32 : i32
    %scan3A_84 = arith.addi %scan3A_82, %scan3A_83 : i32
    %scan3A_85 = arith.constant 1 : i32
    %scan3A_86 = scf.for %scan3A_361 = %scan3A_82 to %scan3A_84 step %scan3A_85 iter_args(%scan3A_362 = %broadcast_in_dim3A_81) -> (vector<16xi32>)  : i32 {
      %broadcast_in_dim3A_363 = arith.constant 1 : i32
      %broadcast_in_dim3A_364 = vector.broadcast %broadcast_in_dim3A_363 : i32 to vector<16xi32>
      %sub3A_365 = arith.constant 31 : i32
      %sub3A_366 = arith.subi %sub3A_365, %scan3A_361 : i32
      %shift_left3A = vector.broadcast %sub3A_366 : i32 to vector<16xi32>
      %shift_left3A_367 = arith.shli %broadcast_in_dim3A_364, %shift_left3A : vector<16xi32>
      %or3A = arith.ori %scan3A_362, %shift_left3A_367 : vector<16xi32>
      %scan3A_368 = arith.constant 0 : i32
      %scan3A_369 = arith.constant 16 : i32
      %scan3A_370 = arith.addi %scan3A_368, %scan3A_369 : i32
      %scan3A_371 = arith.constant 1 : i32
      %scan3A_372 = scf.for %scan3A_445 = %scan3A_368 to %scan3A_370 step %scan3A_371 iter_args(%scan3A_446 = %broadcast_in_dim3A_2) -> (vector<16xi32>)  : i32 {
        %mul3A_447 = arith.constant 32 : i32
        %mul3A_448 = arith.muli %scan3A_445, %mul3A_447 : i32
        %run_scoped3A = arith.constant 0 : i32
        "tpu.region"() ({
          %run_scoped3A_458 = tpu.sem_alloc : memref<!tpu.dma_semaphore, #tpu.memory_space<semaphore_mem>>
          %dma_start3A = arith.constant 0 : i32
          %dma_start3A_459 = tpu.memref_slice %arg2[%min3A_1, %run_scoped3A, %mul3A_448, %dma_start3A] : memref<8x1x512x512xf32, #tpu.memory_space<hbm>> -> memref<1x1x32x512xf32, #tpu.memory_space<hbm>>
          %dma_start3A_460 = tpu.memref_squeeze %dma_start3A_459 : memref<1x1x32x512xf32, #tpu.memory_space<hbm>> -> memref<32x512xf32, #tpu.memory_space<hbm>>
          %dma_start3A_461 = arith.constant 0 : i32
          %dma_start3A_462 = tpu.memref_slice %arg2[%min3A_1, %run_scoped3A, %mul3A_448, %dma_start3A_461] : memref<8x1x512x512xf32, #tpu.memory_space<hbm>> -> memref<1x1x32x512xf32, #tpu.memory_space<hbm>>
          %dma_start3A_463 = tpu.memref_squeeze %dma_start3A_462 : memref<1x1x32x512xf32, #tpu.memory_space<hbm>> -> memref<32x512xf32, #tpu.memory_space<hbm>>
          tpu.enqueue_dma source(%dma_start3A_463 : memref<32x512xf32, #tpu.memory_space<hbm>>) target(%arg5 : memref<32x512xf32, #tpu.memory_space<vmem>>) target_semaphore(%run_scoped3A_458 : memref<!tpu.dma_semaphore, #tpu.memory_space<semaphore_mem>>)
          %dma_wait3A = arith.constant 0 : i32
          %dma_wait3A_464 = tpu.memref_slice %arg2[%min3A_1, %run_scoped3A, %mul3A_448, %dma_wait3A] : memref<8x1x512x512xf32, #tpu.memory_space<hbm>> -> memref<1x1x32x512xf32, #tpu.memory_space<hbm>>
          %dma_wait3A_465 = tpu.memref_squeeze %dma_wait3A_464 : memref<1x1x32x512xf32, #tpu.memory_space<hbm>> -> memref<32x512xf32, #tpu.memory_space<hbm>>
          %dma_wait3A_466 = arith.constant 0 : i32
          %dma_wait3A_467 = tpu.memref_slice %arg2[%min3A_1, %run_scoped3A, %mul3A_448, %dma_wait3A_466] : memref<8x1x512x512xf32, #tpu.memory_space<hbm>> -> memref<1x1x32x512xf32, #tpu.memory_space<hbm>>
          %dma_wait3A_468 = tpu.memref_squeeze %dma_wait3A_467 : memref<1x1x32x512xf32, #tpu.memory_space<hbm>> -> memref<32x512xf32, #tpu.memory_space<hbm>>
          tpu.wait_dma2 semaphore(%run_scoped3A_458 : memref<!tpu.dma_semaphore, #tpu.memory_space<semaphore_mem>>) src(%dma_wait3A_468 : memref<32x512xf32, #tpu.memory_space<hbm>>) dst(%arg5 : memref<32x512xf32, #tpu.memory_space<vmem>>)
          tpu.yield
        }) : () -> ()
        %mul3A_449 = arith.constant 32 : i32
        %mul3A_450 = arith.muli %scan3A_445, %mul3A_449 : i32
        %run_scoped3A_451 = arith.constant 0 : i32
        "tpu.region"() ({
          %run_scoped3A_458 = tpu.sem_alloc : memref<!tpu.dma_semaphore, #tpu.memory_space<semaphore_mem>>
          %dma_start3A = arith.constant 0 : i32
          %dma_start3A_459 = tpu.memref_slice %arg3[%min3A_1, %run_scoped3A_451, %mul3A_450, %dma_start3A] : memref<8x1x512x512xf32, #tpu.memory_space<hbm>> -> memref<1x1x32x512xf32, #tpu.memory_space<hbm>>
          %dma_start3A_460 = tpu.memref_squeeze %dma_start3A_459 : memref<1x1x32x512xf32, #tpu.memory_space<hbm>> -> memref<32x512xf32, #tpu.memory_space<hbm>>
          %dma_start3A_461 = arith.constant 0 : i32
          %dma_start3A_462 = tpu.memref_slice %arg3[%min3A_1, %run_scoped3A_451, %mul3A_450, %dma_start3A_461] : memref<8x1x512x512xf32, #tpu.memory_space<hbm>> -> memref<1x1x32x512xf32, #tpu.memory_space<hbm>>
          %dma_start3A_463 = tpu.memref_squeeze %dma_start3A_462 : memref<1x1x32x512xf32, #tpu.memory_space<hbm>> -> memref<32x512xf32, #tpu.memory_space<hbm>>
          tpu.enqueue_dma source(%dma_start3A_463 : memref<32x512xf32, #tpu.memory_space<hbm>>) target(%arg6 : memref<32x512xf32, #tpu.memory_space<vmem>>) target_semaphore(%run_scoped3A_458 : memref<!tpu.dma_semaphore, #tpu.memory_space<semaphore_mem>>)
          %dma_wait3A = arith.constant 0 : i32
          %dma_wait3A_464 = tpu.memref_slice %arg3[%min3A_1, %run_scoped3A_451, %mul3A_450, %dma_wait3A] : memref<8x1x512x512xf32, #tpu.memory_space<hbm>> -> memref<1x1x32x512xf32, #tpu.memory_space<hbm>>
          %dma_wait3A_465 = tpu.memref_squeeze %dma_wait3A_464 : memref<1x1x32x512xf32, #tpu.memory_space<hbm>> -> memref<32x512xf32, #tpu.memory_space<hbm>>
          %dma_wait3A_466 = arith.constant 0 : i32
          %dma_wait3A_467 = tpu.memref_slice %arg3[%min3A_1, %run_scoped3A_451, %mul3A_450, %dma_wait3A_466] : memref<8x1x512x512xf32, #tpu.memory_space<hbm>> -> memref<1x1x32x512xf32, #tpu.memory_space<hbm>>
          %dma_wait3A_468 = tpu.memref_squeeze %dma_wait3A_467 : memref<1x1x32x512xf32, #tpu.memory_space<hbm>> -> memref<32x512xf32, #tpu.memory_space<hbm>>
          tpu.wait_dma2 semaphore(%run_scoped3A_458 : memref<!tpu.dma_semaphore, #tpu.memory_space<semaphore_mem>>) src(%dma_wait3A_468 : memref<32x512xf32, #tpu.memory_space<hbm>>) dst(%arg6 : memref<32x512xf32, #tpu.memory_space<vmem>>)
          tpu.yield
        }) : () -> ()
        %scan3A_452 = arith.constant 0 : i32
        %scan3A_453 = arith.constant 32 : i32
        %scan3A_454 = arith.addi %scan3A_452, %scan3A_453 : i32
        %scan3A_455 = arith.constant 1 : i32
        %scan3A_456 = scf.for %scan3A_458 = %scan3A_452 to %scan3A_454 step %scan3A_455 iter_args(%scan3A_459 = %scan3A_446) -> (vector<16xi32>)  : i32 {
          %scan3A_460 = arith.constant 0 : i32
          %scan3A_461 = arith.constant 32 : i32
          %scan3A_462 = arith.addi %scan3A_460, %scan3A_461 : i32
          %scan3A_463 = arith.constant 4 : i32
          %scan3A_464 = scf.for %scan3A_466 = %scan3A_460 to %scan3A_462 step %scan3A_463 iter_args(%scan3A_467 = %scan3A_459) -> (vector<16xi32>)  : i32 {
            %mul3A_468 = arith.constant 16 : i32
            %mul3A_469 = arith.muli %scan3A_466, %mul3A_468 : i32
            %get3A = arith.index_cast %scan3A_458 : i32 to index
            %get3A_470 = arith.index_cast %mul3A_469 : i32 to index
            %get3A_471 = tpu.vector_load %arg5[%get3A, %get3A_470] {strides = array<i32>} : memref<32x512xf32, #tpu.memory_space<vmem>>, vector<1x16xf32>,
            %get3A_472 = vector.shape_cast %get3A_471 : vector<1x16xf32> to vector<16xf32>
            %mul3A_473 = arith.constant 16 : i32
            %mul3A_474 = arith.muli %scan3A_466, %mul3A_473 : i32
            %get3A_475 = arith.index_cast %scan3A_458 : i32 to index
            %get3A_476 = arith.index_cast %mul3A_474 : i32 to index
            %get3A_477 = tpu.vector_load %arg6[%get3A_475, %get3A_476] {strides = array<i32>} : memref<32x512xf32, #tpu.memory_space<vmem>>, vector<1x16xf32>,
            %get3A_478 = vector.shape_cast %get3A_477 : vector<1x16xf32> to vector<16xf32>
            %bitcast_convert_type3A_479 = tpu.bitcast %get3A_472 : vector<16xf32> -> vector<16xi32>
            %shift_right_logical3A = arith.constant 31 : i32
            %shift_right_logical3A_480 = vector.broadcast %shift_right_logical3A : i32 to vector<16xi32>
            %shift_right_logical3A_481 = arith.shrui %bitcast_convert_type3A_479, %shift_right_logical3A_480 : vector<16xi32>
            %eq3A = arith.constant 1 : i32
            %eq3A_482 = vector.broadcast %eq3A : i32 to vector<16xi32>
            %eq3A_483 = arith.cmpi eq, %shift_right_logical3A_481, %eq3A_482 : vector<16xi32>
            %not3A_484 = arith.constant dense<-1> : vector<16xi32>
            %not3A_485 = arith.xori %bitcast_convert_type3A_479, %not3A_484 : vector<16xi32>
            %or3A_486 = arith.constant -2147483648 : i32
            %or3A_487 = vector.broadcast %or3A_486 : i32 to vector<16xi32>
            %or3A_488 = arith.ori %bitcast_convert_type3A_479, %or3A_487 : vector<16xi32>
            %select_n3A_489 = arith.select %eq3A_483, %not3A_485, %or3A_488 : vector<16xi1>, vector<16xi32>
            %max3A_490 = arith.constant 1 : i32
            %max3A_491 = vector.broadcast %max3A_490 : i32 to vector<16xi32>
            %max3A_492 = arith.maxui %select_n3A_489, %max3A_491 : vector<16xi32>
            %eq3A_493 = arith.constant 1.000000e+00 : f32
            %eq3A_494 = vector.broadcast %eq3A_493 : f32 to vector<16xf32>
            %eq3A_495 = arith.cmpf oeq, %get3A_478, %eq3A_494 : vector<16xf32>
            %jit3A_496 = arith.constant 0 : i32
            %broadcast_in_dim3A_497 = vector.broadcast %jit3A_496 : i32 to vector<16xi32>
            %select_n3A_498 = arith.select %eq3A_495, %broadcast_in_dim3A_497, %max3A_492 : vector<16xi1>, vector<16xi32>
            %ge3A_499 = arith.cmpi uge, %select_n3A_498, %or3A : vector<16xi32>
            %jit3A_500 = arith.constant 1 : i32
            %jit3A_501 = arith.constant 0 : i32
            %broadcast_in_dim3A_502 = vector.broadcast %jit3A_500 : i32 to vector<16xi32>
            %broadcast_in_dim3A_503 = vector.broadcast %jit3A_501 : i32 to vector<16xi32>
            %select_n3A_504 = arith.select %ge3A_499, %broadcast_in_dim3A_502, %broadcast_in_dim3A_503 : vector<16xi1>, vector<16xi32>
            %add3A_505 = arith.addi %scan3A_467, %select_n3A_504 : vector<16xi32>
            %scan3A_506 = arith.constant 1 : i32
            %scan3A_507 = arith.addi %scan3A_466, %scan3A_506 : i32
            %mul3A_508 = arith.constant 16 : i32
            %mul3A_509 = arith.muli %scan3A_507, %mul3A_508 : i32
            %get3A_510 = arith.index_cast %scan3A_458 : i32 to index
            %get3A_511 = arith.index_cast %mul3A_509 : i32 to index
            %get3A_512 = tpu.vector_load %arg5[%get3A_510, %get3A_511] {strides = array<i32>} : memref<32x512xf32, #tpu.memory_space<vmem>>, vector<1x16xf32>,
            %get3A_513 = vector.shape_cast %get3A_512 : vector<1x16xf32> to vector<16xf32>
            %mul3A_514 = arith.constant 16 : i32
            %mul3A_515 = arith.muli %scan3A_507, %mul3A_514 : i32
            %get3A_516 = arith.index_cast %scan3A_458 : i32 to index
            %get3A_517 = arith.index_cast %mul3A_515 : i32 to index
            %get3A_518 = tpu.vector_load %arg6[%get3A_516, %get3A_517] {strides = array<i32>} : memref<32x512xf32, #tpu.memory_space<vmem>>, vector<1x16xf32>,
            %get3A_519 = vector.shape_cast %get3A_518 : vector<1x16xf32> to vector<16xf32>
            %bitcast_convert_type3A_520 = tpu.bitcast %get3A_513 : vector<16xf32> -> vector<16xi32>
            %shift_right_logical3A_521 = arith.constant 31 : i32
            %shift_right_logical3A_522 = vector.broadcast %shift_right_logical3A_521 : i32 to vector<16xi32>
            %shift_right_logical3A_523 = arith.shrui %bitcast_convert_type3A_520, %shift_right_logical3A_522 : vector<16xi32>
            %eq3A_524 = arith.constant 1 : i32
            %eq3A_525 = vector.broadcast %eq3A_524 : i32 to vector<16xi32>
            %eq3A_526 = arith.cmpi eq, %shift_right_logical3A_523, %eq3A_525 : vector<16xi32>
            %not3A_527 = arith.constant dense<-1> : vector<16xi32>
            %not3A_528 = arith.xori %bitcast_convert_type3A_520, %not3A_527 : vector<16xi32>
            %or3A_529 = arith.constant -2147483648 : i32
            %or3A_530 = vector.broadcast %or3A_529 : i32 to vector<16xi32>
            %or3A_531 = arith.ori %bitcast_convert_type3A_520, %or3A_530 : vector<16xi32>
            %select_n3A_532 = arith.select %eq3A_526, %not3A_528, %or3A_531 : vector<16xi1>, vector<16xi32>
            %max3A_533 = arith.constant 1 : i32
            %max3A_534 = vector.broadcast %max3A_533 : i32 to vector<16xi32>
            %max3A_535 = arith.maxui %select_n3A_532, %max3A_534 : vector<16xi32>
            %eq3A_536 = arith.constant 1.000000e+00 : f32
            %eq3A_537 = vector.broadcast %eq3A_536 : f32 to vector<16xf32>
            %eq3A_538 = arith.cmpf oeq, %get3A_519, %eq3A_537 : vector<16xf32>
            %jit3A_539 = arith.constant 0 : i32
            %broadcast_in_dim3A_540 = vector.broadcast %jit3A_539 : i32 to vector<16xi32>
            %select_n3A_541 = arith.select %eq3A_538, %broadcast_in_dim3A_540, %max3A_535 : vector<16xi1>, vector<16xi32>
            %ge3A_542 = arith.cmpi uge, %select_n3A_541, %or3A : vector<16xi32>
            %jit3A_543 = arith.constant 1 : i32
            %jit3A_544 = arith.constant 0 : i32
            %broadcast_in_dim3A_545 = vector.broadcast %jit3A_543 : i32 to vector<16xi32>
            %broadcast_in_dim3A_546 = vector.broadcast %jit3A_544 : i32 to vector<16xi32>
            %select_n3A_547 = arith.select %ge3A_542, %broadcast_in_dim3A_545, %broadcast_in_dim3A_546 : vector<16xi1>, vector<16xi32>
            %add3A_548 = arith.addi %add3A_505, %select_n3A_547 : vector<16xi32>
            %scan3A_549 = arith.constant 2 : i32
            %scan3A_550 = arith.addi %scan3A_466, %scan3A_549 : i32
            %mul3A_551 = arith.constant 16 : i32
            %mul3A_552 = arith.muli %scan3A_550, %mul3A_551 : i32
            %get3A_553 = arith.index_cast %scan3A_458 : i32 to index
            %get3A_554 = arith.index_cast %mul3A_552 : i32 to index
            %get3A_555 = tpu.vector_load %arg5[%get3A_553, %get3A_554] {strides = array<i32>} : memref<32x512xf32, #tpu.memory_space<vmem>>, vector<1x16xf32>,
            %get3A_556 = vector.shape_cast %get3A_555 : vector<1x16xf32> to vector<16xf32>
            %mul3A_557 = arith.constant 16 : i32
            %mul3A_558 = arith.muli %scan3A_550, %mul3A_557 : i32
            %get3A_559 = arith.index_cast %scan3A_458 : i32 to index
            %get3A_560 = arith.index_cast %mul3A_558 : i32 to index
            %get3A_561 = tpu.vector_load %arg6[%get3A_559, %get3A_560] {strides = array<i32>} : memref<32x512xf32, #tpu.memory_space<vmem>>, vector<1x16xf32>,
            %get3A_562 = vector.shape_cast %get3A_561 : vector<1x16xf32> to vector<16xf32>
            %bitcast_convert_type3A_563 = tpu.bitcast %get3A_556 : vector<16xf32> -> vector<16xi32>
            %shift_right_logical3A_564 = arith.constant 31 : i32
            %shift_right_logical3A_565 = vector.broadcast %shift_right_logical3A_564 : i32 to vector<16xi32>
            %shift_right_logical3A_566 = arith.shrui %bitcast_convert_type3A_563, %shift_right_logical3A_565 : vector<16xi32>
            %eq3A_567 = arith.constant 1 : i32
            %eq3A_568 = vector.broadcast %eq3A_567 : i32 to vector<16xi32>
            %eq3A_569 = arith.cmpi eq, %shift_right_logical3A_566, %eq3A_568 : vector<16xi32>
            %not3A_570 = arith.constant dense<-1> : vector<16xi32>
            %not3A_571 = arith.xori %bitcast_convert_type3A_563, %not3A_570 : vector<16xi32>
            %or3A_572 = arith.constant -2147483648 : i32
            %or3A_573 = vector.broadcast %or3A_572 : i32 to vector<16xi32>
            %or3A_574 = arith.ori %bitcast_convert_type3A_563, %or3A_573 : vector<16xi32>
            %select_n3A_575 = arith.select %eq3A_569, %not3A_571, %or3A_574 : vector<16xi1>, vector<16xi32>
            %max3A_576 = arith.constant 1 : i32
            %max3A_577 = vector.broadcast %max3A_576 : i32 to vector<16xi32>
            %max3A_578 = arith.maxui %select_n3A_575, %max3A_577 : vector<16xi32>
            %eq3A_579 = arith.constant 1.000000e+00 : f32
            %eq3A_580 = vector.broadcast %eq3A_579 : f32 to vector<16xf32>
            %eq3A_581 = arith.cmpf oeq, %get3A_562, %eq3A_580 : vector<16xf32>
            %jit3A_582 = arith.constant 0 : i32
            %broadcast_in_dim3A_583 = vector.broadcast %jit3A_582 : i32 to vector<16xi32>
            %select_n3A_584 = arith.select %eq3A_581, %broadcast_in_dim3A_583, %max3A_578 : vector<16xi1>, vector<16xi32>
            %ge3A_585 = arith.cmpi uge, %select_n3A_584, %or3A : vector<16xi32>
            %jit3A_586 = arith.constant 1 : i32
            %jit3A_587 = arith.constant 0 : i32
            %broadcast_in_dim3A_588 = vector.broadcast %jit3A_586 : i32 to vector<16xi32>
            %broadcast_in_dim3A_589 = vector.broadcast %jit3A_587 : i32 to vector<16xi32>
            %select_n3A_590 = arith.select %ge3A_585, %broadcast_in_dim3A_588, %broadcast_in_dim3A_589 : vector<16xi1>, vector<16xi32>
            %add3A_591 = arith.addi %add3A_548, %select_n3A_590 : vector<16xi32>
            %scan3A_592 = arith.constant 3 : i32
            %scan3A_593 = arith.addi %scan3A_466, %scan3A_592 : i32
            %mul3A_594 = arith.constant 16 : i32
            %mul3A_595 = arith.muli %scan3A_593, %mul3A_594 : i32
            %get3A_596 = arith.index_cast %scan3A_458 : i32 to index
            %get3A_597 = arith.index_cast %mul3A_595 : i32 to index
            %get3A_598 = tpu.vector_load %arg5[%get3A_596, %get3A_597] {strides = array<i32>} : memref<32x512xf32, #tpu.memory_space<vmem>>, vector<1x16xf32>,
            %get3A_599 = vector.shape_cast %get3A_598 : vector<1x16xf32> to vector<16xf32>
            %mul3A_600 = arith.constant 16 : i32
            %mul3A_601 = arith.muli %scan3A_593, %mul3A_600 : i32
            %get3A_602 = arith.index_cast %scan3A_458 : i32 to index
            %get3A_603 = arith.index_cast %mul3A_601 : i32 to index
            %get3A_604 = tpu.vector_load %arg6[%get3A_602, %get3A_603] {strides = array<i32>} : memref<32x512xf32, #tpu.memory_space<vmem>>, vector<1x16xf32>,
            %get3A_605 = vector.shape_cast %get3A_604 : vector<1x16xf32> to vector<16xf32>
            %bitcast_convert_type3A_606 = tpu.bitcast %get3A_599 : vector<16xf32> -> vector<16xi32>
            %shift_right_logical3A_607 = arith.constant 31 : i32
            %shift_right_logical3A_608 = vector.broadcast %shift_right_logical3A_607 : i32 to vector<16xi32>
            %shift_right_logical3A_609 = arith.shrui %bitcast_convert_type3A_606, %shift_right_logical3A_608 : vector<16xi32>
            %eq3A_610 = arith.constant 1 : i32
            %eq3A_611 = vector.broadcast %eq3A_610 : i32 to vector<16xi32>
            %eq3A_612 = arith.cmpi eq, %shift_right_logical3A_609, %eq3A_611 : vector<16xi32>
            %not3A_613 = arith.constant dense<-1> : vector<16xi32>
            %not3A_614 = arith.xori %bitcast_convert_type3A_606, %not3A_613 : vector<16xi32>
            %or3A_615 = arith.constant -2147483648 : i32
            %or3A_616 = vector.broadcast %or3A_615 : i32 to vector<16xi32>
            %or3A_617 = arith.ori %bitcast_convert_type3A_606, %or3A_616 : vector<16xi32>
            %select_n3A_618 = arith.select %eq3A_612, %not3A_614, %or3A_617 : vector<16xi1>, vector<16xi32>
            %max3A_619 = arith.constant 1 : i32
            %max3A_620 = vector.broadcast %max3A_619 : i32 to vector<16xi32>
            %max3A_621 = arith.maxui %select_n3A_618, %max3A_620 : vector<16xi32>
            %eq3A_622 = arith.constant 1.000000e+00 : f32
            %eq3A_623 = vector.broadcast %eq3A_622 : f32 to vector<16xf32>
            %eq3A_624 = arith.cmpf oeq, %get3A_605, %eq3A_623 : vector<16xf32>
            %jit3A_625 = arith.constant 0 : i32
            %broadcast_in_dim3A_626 = vector.broadcast %jit3A_625 : i32 to vector<16xi32>
            %select_n3A_627 = arith.select %eq3A_624, %broadcast_in_dim3A_626, %max3A_621 : vector<16xi1>, vector<16xi32>
            %ge3A_628 = arith.cmpi uge, %select_n3A_627, %or3A : vector<16xi32>
            %jit3A_629 = arith.constant 1 : i32
            %jit3A_630 = arith.constant 0 : i32
            %broadcast_in_dim3A_631 = vector.broadcast %jit3A_629 : i32 to vector<16xi32>
            %broadcast_in_dim3A_632 = vector.broadcast %jit3A_630 : i32 to vector<16xi32>
            %select_n3A_633 = arith.select %ge3A_628, %broadcast_in_dim3A_631, %broadcast_in_dim3A_632 : vector<16xi1>, vector<16xi32>
            %add3A_634 = arith.addi %add3A_591, %select_n3A_633 : vector<16xi32>
            scf.yield %add3A_634 : vector<16xi32>
          }
          %scan3A_465 = arith.constant 32 : i32
          scf.yield %scan3A_464 : vector<16xi32>
        }
        %scan3A_457 = arith.constant 32 : i32
        scf.yield %scan3A_456 : vector<16xi32>
      }
      %scan3A_373 = arith.constant 16 : i32
      %iota3A_374 = tpu.iota {dimensions = array<i32: 0>} : vector<16xi32>
      %add3A_375 = arith.constant 1 : i32
      %add3A_376 = vector.broadcast %add3A_375 : i32 to vector<16xi32>
      %add3A_377 = arith.addi %iota3A_374, %add3A_376 : vector<16xi32>
      %and3A_378 = arith.constant 15 : i32
      %and3A_379 = vector.broadcast %and3A_378 : i32 to vector<16xi32>
      %and3A_380 = arith.andi %add3A_377, %and3A_379 : vector<16xi32>
      %lt3A_381 = arith.constant 0 : i32
      %lt3A_382 = vector.broadcast %lt3A_381 : i32 to vector<16xi32>
      %lt3A_383 = arith.cmpi slt, %and3A_380, %lt3A_382 : vector<16xi32>
      %add3A_384 = arith.constant 16 : i32
      %add3A_385 = vector.broadcast %add3A_384 : i32 to vector<16xi32>
      %add3A_386 = arith.addi %and3A_380, %add3A_385 : vector<16xi32>
      %select_n3A_387 = arith.select %lt3A_383, %add3A_386, %and3A_380 : vector<16xi1>, vector<16xi32>
      %broadcast_in_dim3A_388 = vector.shape_cast %select_n3A_387 : vector<16xi32> to vector<16x1xi32>
      %gather3A_389 = vector.shape_cast %broadcast_in_dim3A_388 : vector<16x1xi32> to vector<16xi32>
      %gather3A_390 = tpu.dynamic_gather %scan3A_372[%gather3A_389] in [0] : vector<16xi32>, vector<16xi32> -> vector<16xi32>
      %add3A_391 = arith.addi %scan3A_372, %gather3A_390 : vector<16xi32>
      %add3A_392 = arith.constant 2 : i32
      %add3A_393 = vector.broadcast %add3A_392 : i32 to vector<16xi32>
      %add3A_394 = arith.addi %iota3A_374, %add3A_393 : vector<16xi32>
      %and3A_395 = arith.constant 15 : i32
      %and3A_396 = vector.broadcast %and3A_395 : i32 to vector<16xi32>
      %and3A_397 = arith.andi %add3A_394, %and3A_396 : vector<16xi32>
      %lt3A_398 = arith.constant 0 : i32
      %lt3A_399 = vector.broadcast %lt3A_398 : i32 to vector<16xi32>
      %lt3A_400 = arith.cmpi slt, %and3A_397, %lt3A_399 : vector<16xi32>
      %add3A_401 = arith.constant 16 : i32
      %add3A_402 = vector.broadcast %add3A_401 : i32 to vector<16xi32>
      %add3A_403 = arith.addi %and3A_397, %add3A_402 : vector<16xi32>
      %select_n3A_404 = arith.select %lt3A_400, %add3A_403, %and3A_397 : vector<16xi1>, vector<16xi32>
      %broadcast_in_dim3A_405 = vector.shape_cast %select_n3A_404 : vector<16xi32> to vector<16x1xi32>
      %gather3A_406 = vector.shape_cast %broadcast_in_dim3A_405 : vector<16x1xi32> to vector<16xi32>
      %gather3A_407 = tpu.dynamic_gather %add3A_391[%gather3A_406] in [0] : vector<16xi32>, vector<16xi32> -> vector<16xi32>
      %add3A_408 = arith.addi %add3A_391, %gather3A_407 : vector<16xi32>
      %add3A_409 = arith.constant 4 : i32
      %add3A_410 = vector.broadcast %add3A_409 : i32 to vector<16xi32>
      %add3A_411 = arith.addi %iota3A_374, %add3A_410 : vector<16xi32>
      %and3A_412 = arith.constant 15 : i32
      %and3A_413 = vector.broadcast %and3A_412 : i32 to vector<16xi32>
      %and3A_414 = arith.andi %add3A_411, %and3A_413 : vector<16xi32>
      %lt3A_415 = arith.constant 0 : i32
      %lt3A_416 = vector.broadcast %lt3A_415 : i32 to vector<16xi32>
      %lt3A_417 = arith.cmpi slt, %and3A_414, %lt3A_416 : vector<16xi32>
      %add3A_418 = arith.constant 16 : i32
      %add3A_419 = vector.broadcast %add3A_418 : i32 to vector<16xi32>
      %add3A_420 = arith.addi %and3A_414, %add3A_419 : vector<16xi32>
      %select_n3A_421 = arith.select %lt3A_417, %add3A_420, %and3A_414 : vector<16xi1>, vector<16xi32>
      %broadcast_in_dim3A_422 = vector.shape_cast %select_n3A_421 : vector<16xi32> to vector<16x1xi32>
      %gather3A_423 = vector.shape_cast %broadcast_in_dim3A_422 : vector<16x1xi32> to vector<16xi32>
      %gather3A_424 = tpu.dynamic_gather %add3A_408[%gather3A_423] in [0] : vector<16xi32>, vector<16xi32> -> vector<16xi32>
      %add3A_425 = arith.addi %add3A_408, %gather3A_424 : vector<16xi32>
      %add3A_426 = arith.constant 8 : i32
      %add3A_427 = vector.broadcast %add3A_426 : i32 to vector<16xi32>
      %add3A_428 = arith.addi %iota3A_374, %add3A_427 : vector<16xi32>
      %and3A_429 = arith.constant 15 : i32
      %and3A_430 = vector.broadcast %and3A_429 : i32 to vector<16xi32>
      %and3A_431 = arith.andi %add3A_428, %and3A_430 : vector<16xi32>
      %lt3A_432 = arith.constant 0 : i32
      %lt3A_433 = vector.broadcast %lt3A_432 : i32 to vector<16xi32>
      %lt3A_434 = arith.cmpi slt, %and3A_431, %lt3A_433 : vector<16xi32>
      %add3A_435 = arith.constant 16 : i32
      %add3A_436 = vector.broadcast %add3A_435 : i32 to vector<16xi32>
      %add3A_437 = arith.addi %and3A_431, %add3A_436 : vector<16xi32>
      %select_n3A_438 = arith.select %lt3A_434, %add3A_437, %and3A_431 : vector<16xi1>, vector<16xi32>
      %broadcast_in_dim3A_439 = vector.shape_cast %select_n3A_438 : vector<16xi32> to vector<16x1xi32>
      %gather3A_440 = vector.shape_cast %broadcast_in_dim3A_439 : vector<16x1xi32> to vector<16xi32>
      %gather3A_441 = tpu.dynamic_gather %add3A_425[%gather3A_440] in [0] : vector<16xi32>, vector<16xi32> -> vector<16xi32>
      %add3A_442 = arith.addi %add3A_425, %gather3A_441 : vector<16xi32>
      %ge3A_443 = arith.cmpi sge, %add3A_442, %min3A_79 : vector<16xi32>
      %select_n3A_444 = arith.select %ge3A_443, %or3A, %scan3A_362 : vector<16xi1>, vector<16xi32>
      scf.yield %select_n3A_444 : vector<16xi32>
    }
    %scan3A_87 = arith.constant 32 : i32
    %scan3A_88 = arith.constant 0 : i32
    %scan3A_89 = arith.constant 16 : i32
    %scan3A_90 = arith.addi %scan3A_88, %scan3A_89 : i32
    %scan3A_91 = arith.constant 1 : i32
    %scan3A_92:3 = scf.for %scan3A_361 = %scan3A_88 to %scan3A_90 step %scan3A_91 iter_args(%scan3A_362 = %broadcast_in_dim3A_4, %scan3A_363 = %broadcast_in_dim3A_4, %scan3A_364 = %broadcast_in_dim3A_4) -> (vector<16xf32>, vector<16xf32>, vector<16xf32>)  : i32 {
      %mul3A_365 = arith.constant 32 : i32
      %mul3A_366 = arith.muli %scan3A_361, %mul3A_365 : i32
      %run_scoped3A = arith.constant 0 : i32
      "tpu.region"() ({
        %run_scoped3A_376 = tpu.sem_alloc : memref<!tpu.dma_semaphore, #tpu.memory_space<semaphore_mem>>
        %dma_start3A = arith.constant 0 : i32
        %dma_start3A_377 = tpu.memref_slice %arg2[%min3A_1, %run_scoped3A, %mul3A_366, %dma_start3A] : memref<8x1x512x512xf32, #tpu.memory_space<hbm>> -> memref<1x1x32x512xf32, #tpu.memory_space<hbm>>
        %dma_start3A_378 = tpu.memref_squeeze %dma_start3A_377 : memref<1x1x32x512xf32, #tpu.memory_space<hbm>> -> memref<32x512xf32, #tpu.memory_space<hbm>>
        %dma_start3A_379 = arith.constant 0 : i32
        %dma_start3A_380 = tpu.memref_slice %arg2[%min3A_1, %run_scoped3A, %mul3A_366, %dma_start3A_379] : memref<8x1x512x512xf32, #tpu.memory_space<hbm>> -> memref<1x1x32x512xf32, #tpu.memory_space<hbm>>
        %dma_start3A_381 = tpu.memref_squeeze %dma_start3A_380 : memref<1x1x32x512xf32, #tpu.memory_space<hbm>> -> memref<32x512xf32, #tpu.memory_space<hbm>>
        tpu.enqueue_dma source(%dma_start3A_381 : memref<32x512xf32, #tpu.memory_space<hbm>>) target(%arg5 : memref<32x512xf32, #tpu.memory_space<vmem>>) target_semaphore(%run_scoped3A_376 : memref<!tpu.dma_semaphore, #tpu.memory_space<semaphore_mem>>)
        %dma_wait3A = arith.constant 0 : i32
        %dma_wait3A_382 = tpu.memref_slice %arg2[%min3A_1, %run_scoped3A, %mul3A_366, %dma_wait3A] : memref<8x1x512x512xf32, #tpu.memory_space<hbm>> -> memref<1x1x32x512xf32, #tpu.memory_space<hbm>>
        %dma_wait3A_383 = tpu.memref_squeeze %dma_wait3A_382 : memref<1x1x32x512xf32, #tpu.memory_space<hbm>> -> memref<32x512xf32, #tpu.memory_space<hbm>>
        %dma_wait3A_384 = arith.constant 0 : i32
        %dma_wait3A_385 = tpu.memref_slice %arg2[%min3A_1, %run_scoped3A, %mul3A_366, %dma_wait3A_384] : memref<8x1x512x512xf32, #tpu.memory_space<hbm>> -> memref<1x1x32x512xf32, #tpu.memory_space<hbm>>
        %dma_wait3A_386 = tpu.memref_squeeze %dma_wait3A_385 : memref<1x1x32x512xf32, #tpu.memory_space<hbm>> -> memref<32x512xf32, #tpu.memory_space<hbm>>
        tpu.wait_dma2 semaphore(%run_scoped3A_376 : memref<!tpu.dma_semaphore, #tpu.memory_space<semaphore_mem>>) src(%dma_wait3A_386 : memref<32x512xf32, #tpu.memory_space<hbm>>) dst(%arg5 : memref<32x512xf32, #tpu.memory_space<vmem>>)
        tpu.yield
      }) : () -> ()
      %mul3A_367 = arith.constant 32 : i32
      %mul3A_368 = arith.muli %scan3A_361, %mul3A_367 : i32
      %run_scoped3A_369 = arith.constant 0 : i32
      "tpu.region"() ({
        %run_scoped3A_376 = tpu.sem_alloc : memref<!tpu.dma_semaphore, #tpu.memory_space<semaphore_mem>>
        %dma_start3A = arith.constant 0 : i32
        %dma_start3A_377 = tpu.memref_slice %arg3[%min3A_1, %run_scoped3A_369, %mul3A_368, %dma_start3A] : memref<8x1x512x512xf32, #tpu.memory_space<hbm>> -> memref<1x1x32x512xf32, #tpu.memory_space<hbm>>
        %dma_start3A_378 = tpu.memref_squeeze %dma_start3A_377 : memref<1x1x32x512xf32, #tpu.memory_space<hbm>> -> memref<32x512xf32, #tpu.memory_space<hbm>>
        %dma_start3A_379 = arith.constant 0 : i32
        %dma_start3A_380 = tpu.memref_slice %arg3[%min3A_1, %run_scoped3A_369, %mul3A_368, %dma_start3A_379] : memref<8x1x512x512xf32, #tpu.memory_space<hbm>> -> memref<1x1x32x512xf32, #tpu.memory_space<hbm>>
        %dma_start3A_381 = tpu.memref_squeeze %dma_start3A_380 : memref<1x1x32x512xf32, #tpu.memory_space<hbm>> -> memref<32x512xf32, #tpu.memory_space<hbm>>
        tpu.enqueue_dma source(%dma_start3A_381 : memref<32x512xf32, #tpu.memory_space<hbm>>) target(%arg6 : memref<32x512xf32, #tpu.memory_space<vmem>>) target_semaphore(%run_scoped3A_376 : memref<!tpu.dma_semaphore, #tpu.memory_space<semaphore_mem>>)
        %dma_wait3A = arith.constant 0 : i32
        %dma_wait3A_382 = tpu.memref_slice %arg3[%min3A_1, %run_scoped3A_369, %mul3A_368, %dma_wait3A] : memref<8x1x512x512xf32, #tpu.memory_space<hbm>> -> memref<1x1x32x512xf32, #tpu.memory_space<hbm>>
        %dma_wait3A_383 = tpu.memref_squeeze %dma_wait3A_382 : memref<1x1x32x512xf32, #tpu.memory_space<hbm>> -> memref<32x512xf32, #tpu.memory_space<hbm>>
        %dma_wait3A_384 = arith.constant 0 : i32
        %dma_wait3A_385 = tpu.memref_slice %arg3[%min3A_1, %run_scoped3A_369, %mul3A_368, %dma_wait3A_384] : memref<8x1x512x512xf32, #tpu.memory_space<hbm>> -> memref<1x1x32x512xf32, #tpu.memory_space<hbm>>
        %dma_wait3A_386 = tpu.memref_squeeze %dma_wait3A_385 : memref<1x1x32x512xf32, #tpu.memory_space<hbm>> -> memref<32x512xf32, #tpu.memory_space<hbm>>
        tpu.wait_dma2 semaphore(%run_scoped3A_376 : memref<!tpu.dma_semaphore, #tpu.memory_space<semaphore_mem>>) src(%dma_wait3A_386 : memref<32x512xf32, #tpu.memory_space<hbm>>) dst(%arg6 : memref<32x512xf32, #tpu.memory_space<vmem>>)
        tpu.yield
      }) : () -> ()
      %scan3A_370 = arith.constant 0 : i32
      %scan3A_371 = arith.constant 32 : i32
      %scan3A_372 = arith.addi %scan3A_370, %scan3A_371 : i32
      %scan3A_373 = arith.constant 1 : i32
      %scan3A_374:3 = scf.for %scan3A_376 = %scan3A_370 to %scan3A_372 step %scan3A_373 iter_args(%scan3A_377 = %scan3A_362, %scan3A_378 = %scan3A_363, %scan3A_379 = %scan3A_364) -> (vector<16xf32>, vector<16xf32>, vector<16xf32>)  : i32 {
        %scan3A_380 = arith.constant 0 : i32
        %scan3A_381 = arith.constant 32 : i32
        %scan3A_382 = arith.addi %scan3A_380, %scan3A_381 : i32
        %scan3A_383 = arith.constant 4 : i32
        %scan3A_384:3 = scf.for %scan3A_386 = %scan3A_380 to %scan3A_382 step %scan3A_383 iter_args(%scan3A_387 = %scan3A_377, %scan3A_388 = %scan3A_378, %scan3A_389 = %scan3A_379) -> (vector<16xf32>, vector<16xf32>, vector<16xf32>)  : i32 {
          %mul3A_390 = arith.constant 16 : i32
          %mul3A_391 = arith.muli %scan3A_386, %mul3A_390 : i32
          %get3A = arith.index_cast %scan3A_376 : i32 to index
          %get3A_392 = arith.index_cast %mul3A_391 : i32 to index
          %get3A_393 = tpu.vector_load %arg5[%get3A, %get3A_392] {strides = array<i32>} : memref<32x512xf32, #tpu.memory_space<vmem>>, vector<1x16xf32>,
          %get3A_394 = vector.shape_cast %get3A_393 : vector<1x16xf32> to vector<16xf32>
          %mul3A_395 = arith.constant 16 : i32
          %mul3A_396 = arith.muli %scan3A_386, %mul3A_395 : i32
          %get3A_397 = arith.index_cast %scan3A_376 : i32 to index
          %get3A_398 = arith.index_cast %mul3A_396 : i32 to index
          %get3A_399 = tpu.vector_load %arg6[%get3A_397, %get3A_398] {strides = array<i32>} : memref<32x512xf32, #tpu.memory_space<vmem>>, vector<1x16xf32>,
          %get3A_400 = vector.shape_cast %get3A_399 : vector<1x16xf32> to vector<16xf32>
          %abs3A_401 = math.absf %get3A_394 : vector<16xf32>
          %neg3A_402 = arith.constant 0.000000e+00 : f32
          %neg3A_403 = vector.broadcast %neg3A_402 : f32 to vector<16xf32>
          %neg3A_404 = arith.subf %neg3A_403, %abs3A_401 : vector<16xf32>
          %exp3A_405 = math.exp %neg3A_404 : vector<16xf32>
          %mul3A_406 = arith.constant 0.106684305 : f32
          %mul3A_407 = vector.broadcast %mul3A_406 : f32 to vector<16xf32>
          %mul3A_408 = arith.mulf %mul3A_407, %exp3A_405 : vector<16xf32>
          %add3A_409 = arith.constant -0.393534571 : f32
          %add3A_410 = vector.broadcast %add3A_409 : f32 to vector<16xf32>
          %add3A_411 = arith.addf %mul3A_408, %add3A_410 : vector<16xf32>
          %mul3A_412 = arith.mulf %add3A_411, %exp3A_405 : vector<16xf32>
          %add3A_413 = arith.constant 0.97975254 : f32
          %add3A_414 = vector.broadcast %add3A_413 : f32 to vector<16xf32>
          %add3A_415 = arith.addf %mul3A_412, %add3A_414 : vector<16xf32>
          %max3A_416 = arith.constant 0.000000e+00 : f32
          %max3A_417 = vector.broadcast %max3A_416 : f32 to vector<16xf32>
          %max3A_418 = arith.maximumf %get3A_394, %max3A_417 : vector<16xf32>
          %mul3A_419 = arith.mulf %add3A_415, %exp3A_405 : vector<16xf32>
          %add3A_420 = arith.addf %max3A_418, %mul3A_419 : vector<16xf32>
          %add3A_421 = arith.constant 9.25183122E-4 : f32
          %add3A_422 = vector.broadcast %add3A_421 : f32 to vector<16xf32>
          %add3A_423 = arith.addf %add3A_420, %add3A_422 : vector<16xf32>
          %bitcast_convert_type3A_424 = tpu.bitcast %get3A_394 : vector<16xf32> -> vector<16xi32>
          %shift_right_logical3A = arith.constant 31 : i32
          %shift_right_logical3A_425 = vector.broadcast %shift_right_logical3A : i32 to vector<16xi32>
          %shift_right_logical3A_426 = arith.shrui %bitcast_convert_type3A_424, %shift_right_logical3A_425 : vector<16xi32>
          %eq3A = arith.constant 1 : i32
          %eq3A_427 = vector.broadcast %eq3A : i32 to vector<16xi32>
          %eq3A_428 = arith.cmpi eq, %shift_right_logical3A_426, %eq3A_427 : vector<16xi32>
          %not3A_429 = arith.constant dense<-1> : vector<16xi32>
          %not3A_430 = arith.xori %bitcast_convert_type3A_424, %not3A_429 : vector<16xi32>
          %or3A = arith.constant -2147483648 : i32
          %or3A_431 = vector.broadcast %or3A : i32 to vector<16xi32>
          %or3A_432 = arith.ori %bitcast_convert_type3A_424, %or3A_431 : vector<16xi32>
          %select_n3A_433 = arith.select %eq3A_428, %not3A_430, %or3A_432 : vector<16xi1>, vector<16xi32>
          %max3A_434 = arith.constant 1 : i32
          %max3A_435 = vector.broadcast %max3A_434 : i32 to vector<16xi32>
          %max3A_436 = arith.maxui %select_n3A_433, %max3A_435 : vector<16xi32>
          %eq3A_437 = arith.constant 1.000000e+00 : f32
          %eq3A_438 = vector.broadcast %eq3A_437 : f32 to vector<16xf32>
          %eq3A_439 = arith.cmpf oeq, %get3A_400, %eq3A_438 : vector<16xf32>
          %jit3A_440 = arith.constant 0 : i32
          %broadcast_in_dim3A_441 = vector.broadcast %jit3A_440 : i32 to vector<16xi32>
          %select_n3A_442 = arith.select %eq3A_439, %broadcast_in_dim3A_441, %max3A_436 : vector<16xi1>, vector<16xi32>
          %eq3A_443 = arith.constant 1.000000e+00 : f32
          %eq3A_444 = vector.broadcast %eq3A_443 : f32 to vector<16xf32>
          %eq3A_445 = arith.cmpf oeq, %get3A_400, %eq3A_444 : vector<16xf32>
          %gt3A_446 = arith.cmpi ugt, %select_n3A_442, %scan3A_86 : vector<16xi32>
          %sub3A_447 = arith.subf %add3A_423, %get3A_394 : vector<16xf32>
          %jit3A_448 = arith.constant 0.000000e+00 : f32
          %broadcast_in_dim3A_449 = vector.broadcast %jit3A_448 : f32 to vector<16xf32>
          %select_n3A_450 = arith.select %eq3A_445, %sub3A_447, %broadcast_in_dim3A_449 : vector<16xi1>, vector<16xf32>
          %add3A_451 = arith.addf %scan3A_387, %select_n3A_450 : vector<16xf32>
          %jit3A_452 = arith.constant 0.000000e+00 : f32
          %broadcast_in_dim3A_453 = vector.broadcast %jit3A_452 : f32 to vector<16xf32>
          %select_n3A_454 = arith.select %gt3A_446, %add3A_423, %broadcast_in_dim3A_453 : vector<16xi1>, vector<16xf32>
          %add3A_455 = arith.addf %scan3A_388, %select_n3A_454 : vector<16xf32>
          %jit3A_456 = arith.constant 1.000000e+00 : f32
          %jit3A_457 = arith.constant 0.000000e+00 : f32
          %broadcast_in_dim3A_458 = vector.broadcast %jit3A_456 : f32 to vector<16xf32>
          %broadcast_in_dim3A_459 = vector.broadcast %jit3A_457 : f32 to vector<16xf32>
          %select_n3A_460 = arith.select %gt3A_446, %broadcast_in_dim3A_458, %broadcast_in_dim3A_459 : vector<16xi1>, vector<16xf32>
          %add3A_461 = arith.addf %scan3A_389, %select_n3A_460 : vector<16xf32>
          %scan3A_462 = arith.constant 1 : i32
          %scan3A_463 = arith.addi %scan3A_386, %scan3A_462 : i32
          %mul3A_464 = arith.constant 16 : i32
          %mul3A_465 = arith.muli %scan3A_463, %mul3A_464 : i32
          %get3A_466 = arith.index_cast %scan3A_376 : i32 to index
          %get3A_467 = arith.index_cast %mul3A_465 : i32 to index
          %get3A_468 = tpu.vector_load %arg5[%get3A_466, %get3A_467] {strides = array<i32>} : memref<32x512xf32, #tpu.memory_space<vmem>>, vector<1x16xf32>,
          %get3A_469 = vector.shape_cast %get3A_468 : vector<1x16xf32> to vector<16xf32>
          %mul3A_470 = arith.constant 16 : i32
          %mul3A_471 = arith.muli %scan3A_463, %mul3A_470 : i32
          %get3A_472 = arith.index_cast %scan3A_376 : i32 to index
          %get3A_473 = arith.index_cast %mul3A_471 : i32 to index
          %get3A_474 = tpu.vector_load %arg6[%get3A_472, %get3A_473] {strides = array<i32>} : memref<32x512xf32, #tpu.memory_space<vmem>>, vector<1x16xf32>,
          %get3A_475 = vector.shape_cast %get3A_474 : vector<1x16xf32> to vector<16xf32>
          %abs3A_476 = math.absf %get3A_469 : vector<16xf32>
          %neg3A_477 = arith.constant 0.000000e+00 : f32
          %neg3A_478 = vector.broadcast %neg3A_477 : f32 to vector<16xf32>
          %neg3A_479 = arith.subf %neg3A_478, %abs3A_476 : vector<16xf32>
          %exp3A_480 = math.exp %neg3A_479 : vector<16xf32>
          %mul3A_481 = arith.constant 0.106684305 : f32
          %mul3A_482 = vector.broadcast %mul3A_481 : f32 to vector<16xf32>
          %mul3A_483 = arith.mulf %mul3A_482, %exp3A_480 : vector<16xf32>
          %add3A_484 = arith.constant -0.393534571 : f32
          %add3A_485 = vector.broadcast %add3A_484 : f32 to vector<16xf32>
          %add3A_486 = arith.addf %mul3A_483, %add3A_485 : vector<16xf32>
          %mul3A_487 = arith.mulf %add3A_486, %exp3A_480 : vector<16xf32>
          %add3A_488 = arith.constant 0.97975254 : f32
          %add3A_489 = vector.broadcast %add3A_488 : f32 to vector<16xf32>
          %add3A_490 = arith.addf %mul3A_487, %add3A_489 : vector<16xf32>
          %max3A_491 = arith.constant 0.000000e+00 : f32
          %max3A_492 = vector.broadcast %max3A_491 : f32 to vector<16xf32>
          %max3A_493 = arith.maximumf %get3A_469, %max3A_492 : vector<16xf32>
          %mul3A_494 = arith.mulf %add3A_490, %exp3A_480 : vector<16xf32>
          %add3A_495 = arith.addf %max3A_493, %mul3A_494 : vector<16xf32>
          %add3A_496 = arith.constant 9.25183122E-4 : f32
          %add3A_497 = vector.broadcast %add3A_496 : f32 to vector<16xf32>
          %add3A_498 = arith.addf %add3A_495, %add3A_497 : vector<16xf32>
          %bitcast_convert_type3A_499 = tpu.bitcast %get3A_469 : vector<16xf32> -> vector<16xi32>
          %shift_right_logical3A_500 = arith.constant 31 : i32
          %shift_right_logical3A_501 = vector.broadcast %shift_right_logical3A_500 : i32 to vector<16xi32>
          %shift_right_logical3A_502 = arith.shrui %bitcast_convert_type3A_499, %shift_right_logical3A_501 : vector<16xi32>
          %eq3A_503 = arith.constant 1 : i32
          %eq3A_504 = vector.broadcast %eq3A_503 : i32 to vector<16xi32>
          %eq3A_505 = arith.cmpi eq, %shift_right_logical3A_502, %eq3A_504 : vector<16xi32>
          %not3A_506 = arith.constant dense<-1> : vector<16xi32>
          %not3A_507 = arith.xori %bitcast_convert_type3A_499, %not3A_506 : vector<16xi32>
          %or3A_508 = arith.constant -2147483648 : i32
          %or3A_509 = vector.broadcast %or3A_508 : i32 to vector<16xi32>
          %or3A_510 = arith.ori %bitcast_convert_type3A_499, %or3A_509 : vector<16xi32>
          %select_n3A_511 = arith.select %eq3A_505, %not3A_507, %or3A_510 : vector<16xi1>, vector<16xi32>
          %max3A_512 = arith.constant 1 : i32
          %max3A_513 = vector.broadcast %max3A_512 : i32 to vector<16xi32>
          %max3A_514 = arith.maxui %select_n3A_511, %max3A_513 : vector<16xi32>
          %eq3A_515 = arith.constant 1.000000e+00 : f32
          %eq3A_516 = vector.broadcast %eq3A_515 : f32 to vector<16xf32>
          %eq3A_517 = arith.cmpf oeq, %get3A_475, %eq3A_516 : vector<16xf32>
          %jit3A_518 = arith.constant 0 : i32
          %broadcast_in_dim3A_519 = vector.broadcast %jit3A_518 : i32 to vector<16xi32>
          %select_n3A_520 = arith.select %eq3A_517, %broadcast_in_dim3A_519, %max3A_514 : vector<16xi1>, vector<16xi32>
          %eq3A_521 = arith.constant 1.000000e+00 : f32
          %eq3A_522 = vector.broadcast %eq3A_521 : f32 to vector<16xf32>
          %eq3A_523 = arith.cmpf oeq, %get3A_475, %eq3A_522 : vector<16xf32>
          %gt3A_524 = arith.cmpi ugt, %select_n3A_520, %scan3A_86 : vector<16xi32>
          %sub3A_525 = arith.subf %add3A_498, %get3A_469 : vector<16xf32>
          %jit3A_526 = arith.constant 0.000000e+00 : f32
          %broadcast_in_dim3A_527 = vector.broadcast %jit3A_526 : f32 to vector<16xf32>
          %select_n3A_528 = arith.select %eq3A_523, %sub3A_525, %broadcast_in_dim3A_527 : vector<16xi1>, vector<16xf32>
          %add3A_529 = arith.addf %add3A_451, %select_n3A_528 : vector<16xf32>
          %jit3A_530 = arith.constant 0.000000e+00 : f32
          %broadcast_in_dim3A_531 = vector.broadcast %jit3A_530 : f32 to vector<16xf32>
          %select_n3A_532 = arith.select %gt3A_524, %add3A_498, %broadcast_in_dim3A_531 : vector<16xi1>, vector<16xf32>
          %add3A_533 = arith.addf %add3A_455, %select_n3A_532 : vector<16xf32>
          %jit3A_534 = arith.constant 1.000000e+00 : f32
          %jit3A_535 = arith.constant 0.000000e+00 : f32
          %broadcast_in_dim3A_536 = vector.broadcast %jit3A_534 : f32 to vector<16xf32>
          %broadcast_in_dim3A_537 = vector.broadcast %jit3A_535 : f32 to vector<16xf32>
          %select_n3A_538 = arith.select %gt3A_524, %broadcast_in_dim3A_536, %broadcast_in_dim3A_537 : vector<16xi1>, vector<16xf32>
          %add3A_539 = arith.addf %add3A_461, %select_n3A_538 : vector<16xf32>
          %scan3A_540 = arith.constant 2 : i32
          %scan3A_541 = arith.addi %scan3A_386, %scan3A_540 : i32
          %mul3A_542 = arith.constant 16 : i32
          %mul3A_543 = arith.muli %scan3A_541, %mul3A_542 : i32
          %get3A_544 = arith.index_cast %scan3A_376 : i32 to index
          %get3A_545 = arith.index_cast %mul3A_543 : i32 to index
          %get3A_546 = tpu.vector_load %arg5[%get3A_544, %get3A_545] {strides = array<i32>} : memref<32x512xf32, #tpu.memory_space<vmem>>, vector<1x16xf32>,
          %get3A_547 = vector.shape_cast %get3A_546 : vector<1x16xf32> to vector<16xf32>
          %mul3A_548 = arith.constant 16 : i32
          %mul3A_549 = arith.muli %scan3A_541, %mul3A_548 : i32
          %get3A_550 = arith.index_cast %scan3A_376 : i32 to index
          %get3A_551 = arith.index_cast %mul3A_549 : i32 to index
          %get3A_552 = tpu.vector_load %arg6[%get3A_550, %get3A_551] {strides = array<i32>} : memref<32x512xf32, #tpu.memory_space<vmem>>, vector<1x16xf32>,
          %get3A_553 = vector.shape_cast %get3A_552 : vector<1x16xf32> to vector<16xf32>
          %abs3A_554 = math.absf %get3A_547 : vector<16xf32>
          %neg3A_555 = arith.constant 0.000000e+00 : f32
          %neg3A_556 = vector.broadcast %neg3A_555 : f32 to vector<16xf32>
          %neg3A_557 = arith.subf %neg3A_556, %abs3A_554 : vector<16xf32>
          %exp3A_558 = math.exp %neg3A_557 : vector<16xf32>
          %mul3A_559 = arith.constant 0.106684305 : f32
          %mul3A_560 = vector.broadcast %mul3A_559 : f32 to vector<16xf32>
          %mul3A_561 = arith.mulf %mul3A_560, %exp3A_558 : vector<16xf32>
          %add3A_562 = arith.constant -0.393534571 : f32
          %add3A_563 = vector.broadcast %add3A_562 : f32 to vector<16xf32>
          %add3A_564 = arith.addf %mul3A_561, %add3A_563 : vector<16xf32>
          %mul3A_565 = arith.mulf %add3A_564, %exp3A_558 : vector<16xf32>
          %add3A_566 = arith.constant 0.97975254 : f32
          %add3A_567 = vector.broadcast %add3A_566 : f32 to vector<16xf32>
          %add3A_568 = arith.addf %mul3A_565, %add3A_567 : vector<16xf32>
          %max3A_569 = arith.constant 0.000000e+00 : f32
          %max3A_570 = vector.broadcast %max3A_569 : f32 to vector<16xf32>
          %max3A_571 = arith.maximumf %get3A_547, %max3A_570 : vector<16xf32>
          %mul3A_572 = arith.mulf %add3A_568, %exp3A_558 : vector<16xf32>
          %add3A_573 = arith.addf %max3A_571, %mul3A_572 : vector<16xf32>
          %add3A_574 = arith.constant 9.25183122E-4 : f32
          %add3A_575 = vector.broadcast %add3A_574 : f32 to vector<16xf32>
          %add3A_576 = arith.addf %add3A_573, %add3A_575 : vector<16xf32>
          %bitcast_convert_type3A_577 = tpu.bitcast %get3A_547 : vector<16xf32> -> vector<16xi32>
          %shift_right_logical3A_578 = arith.constant 31 : i32
          %shift_right_logical3A_579 = vector.broadcast %shift_right_logical3A_578 : i32 to vector<16xi32>
          %shift_right_logical3A_580 = arith.shrui %bitcast_convert_type3A_577, %shift_right_logical3A_579 : vector<16xi32>
          %eq3A_581 = arith.constant 1 : i32
          %eq3A_582 = vector.broadcast %eq3A_581 : i32 to vector<16xi32>
          %eq3A_583 = arith.cmpi eq, %shift_right_logical3A_580, %eq3A_582 : vector<16xi32>
          %not3A_584 = arith.constant dense<-1> : vector<16xi32>
          %not3A_585 = arith.xori %bitcast_convert_type3A_577, %not3A_584 : vector<16xi32>
          %or3A_586 = arith.constant -2147483648 : i32
          %or3A_587 = vector.broadcast %or3A_586 : i32 to vector<16xi32>
          %or3A_588 = arith.ori %bitcast_convert_type3A_577, %or3A_587 : vector<16xi32>
          %select_n3A_589 = arith.select %eq3A_583, %not3A_585, %or3A_588 : vector<16xi1>, vector<16xi32>
          %max3A_590 = arith.constant 1 : i32
          %max3A_591 = vector.broadcast %max3A_590 : i32 to vector<16xi32>
          %max3A_592 = arith.maxui %select_n3A_589, %max3A_591 : vector<16xi32>
          %eq3A_593 = arith.constant 1.000000e+00 : f32
          %eq3A_594 = vector.broadcast %eq3A_593 : f32 to vector<16xf32>
          %eq3A_595 = arith.cmpf oeq, %get3A_553, %eq3A_594 : vector<16xf32>
          %jit3A_596 = arith.constant 0 : i32
          %broadcast_in_dim3A_597 = vector.broadcast %jit3A_596 : i32 to vector<16xi32>
          %select_n3A_598 = arith.select %eq3A_595, %broadcast_in_dim3A_597, %max3A_592 : vector<16xi1>, vector<16xi32>
          %eq3A_599 = arith.constant 1.000000e+00 : f32
          %eq3A_600 = vector.broadcast %eq3A_599 : f32 to vector<16xf32>
          %eq3A_601 = arith.cmpf oeq, %get3A_553, %eq3A_600 : vector<16xf32>
          %gt3A_602 = arith.cmpi ugt, %select_n3A_598, %scan3A_86 : vector<16xi32>
          %sub3A_603 = arith.subf %add3A_576, %get3A_547 : vector<16xf32>
          %jit3A_604 = arith.constant 0.000000e+00 : f32
          %broadcast_in_dim3A_605 = vector.broadcast %jit3A_604 : f32 to vector<16xf32>
          %select_n3A_606 = arith.select %eq3A_601, %sub3A_603, %broadcast_in_dim3A_605 : vector<16xi1>, vector<16xf32>
          %add3A_607 = arith.addf %add3A_529, %select_n3A_606 : vector<16xf32>
          %jit3A_608 = arith.constant 0.000000e+00 : f32
          %broadcast_in_dim3A_609 = vector.broadcast %jit3A_608 : f32 to vector<16xf32>
          %select_n3A_610 = arith.select %gt3A_602, %add3A_576, %broadcast_in_dim3A_609 : vector<16xi1>, vector<16xf32>
          %add3A_611 = arith.addf %add3A_533, %select_n3A_610 : vector<16xf32>
          %jit3A_612 = arith.constant 1.000000e+00 : f32
          %jit3A_613 = arith.constant 0.000000e+00 : f32
          %broadcast_in_dim3A_614 = vector.broadcast %jit3A_612 : f32 to vector<16xf32>
          %broadcast_in_dim3A_615 = vector.broadcast %jit3A_613 : f32 to vector<16xf32>
          %select_n3A_616 = arith.select %gt3A_602, %broadcast_in_dim3A_614, %broadcast_in_dim3A_615 : vector<16xi1>, vector<16xf32>
          %add3A_617 = arith.addf %add3A_539, %select_n3A_616 : vector<16xf32>
          %scan3A_618 = arith.constant 3 : i32
          %scan3A_619 = arith.addi %scan3A_386, %scan3A_618 : i32
          %mul3A_620 = arith.constant 16 : i32
          %mul3A_621 = arith.muli %scan3A_619, %mul3A_620 : i32
          %get3A_622 = arith.index_cast %scan3A_376 : i32 to index
          %get3A_623 = arith.index_cast %mul3A_621 : i32 to index
          %get3A_624 = tpu.vector_load %arg5[%get3A_622, %get3A_623] {strides = array<i32>} : memref<32x512xf32, #tpu.memory_space<vmem>>, vector<1x16xf32>,
          %get3A_625 = vector.shape_cast %get3A_624 : vector<1x16xf32> to vector<16xf32>
          %mul3A_626 = arith.constant 16 : i32
          %mul3A_627 = arith.muli %scan3A_619, %mul3A_626 : i32
          %get3A_628 = arith.index_cast %scan3A_376 : i32 to index
          %get3A_629 = arith.index_cast %mul3A_627 : i32 to index
          %get3A_630 = tpu.vector_load %arg6[%get3A_628, %get3A_629] {strides = array<i32>} : memref<32x512xf32, #tpu.memory_space<vmem>>, vector<1x16xf32>,
          %get3A_631 = vector.shape_cast %get3A_630 : vector<1x16xf32> to vector<16xf32>
          %abs3A_632 = math.absf %get3A_625 : vector<16xf32>
          %neg3A_633 = arith.constant 0.000000e+00 : f32
          %neg3A_634 = vector.broadcast %neg3A_633 : f32 to vector<16xf32>
          %neg3A_635 = arith.subf %neg3A_634, %abs3A_632 : vector<16xf32>
          %exp3A_636 = math.exp %neg3A_635 : vector<16xf32>
          %mul3A_637 = arith.constant 0.106684305 : f32
          %mul3A_638 = vector.broadcast %mul3A_637 : f32 to vector<16xf32>
          %mul3A_639 = arith.mulf %mul3A_638, %exp3A_636 : vector<16xf32>
          %add3A_640 = arith.constant -0.393534571 : f32
          %add3A_641 = vector.broadcast %add3A_640 : f32 to vector<16xf32>
          %add3A_642 = arith.addf %mul3A_639, %add3A_641 : vector<16xf32>
          %mul3A_643 = arith.mulf %add3A_642, %exp3A_636 : vector<16xf32>
          %add3A_644 = arith.constant 0.97975254 : f32
          %add3A_645 = vector.broadcast %add3A_644 : f32 to vector<16xf32>
          %add3A_646 = arith.addf %mul3A_643, %add3A_645 : vector<16xf32>
          %max3A_647 = arith.constant 0.000000e+00 : f32
          %max3A_648 = vector.broadcast %max3A_647 : f32 to vector<16xf32>
          %max3A_649 = arith.maximumf %get3A_625, %max3A_648 : vector<16xf32>
          %mul3A_650 = arith.mulf %add3A_646, %exp3A_636 : vector<16xf32>
          %add3A_651 = arith.addf %max3A_649, %mul3A_650 : vector<16xf32>
          %add3A_652 = arith.constant 9.25183122E-4 : f32
          %add3A_653 = vector.broadcast %add3A_652 : f32 to vector<16xf32>
          %add3A_654 = arith.addf %add3A_651, %add3A_653 : vector<16xf32>
          %bitcast_convert_type3A_655 = tpu.bitcast %get3A_625 : vector<16xf32> -> vector<16xi32>
          %shift_right_logical3A_656 = arith.constant 31 : i32
          %shift_right_logical3A_657 = vector.broadcast %shift_right_logical3A_656 : i32 to vector<16xi32>
          %shift_right_logical3A_658 = arith.shrui %bitcast_convert_type3A_655, %shift_right_logical3A_657 : vector<16xi32>
          %eq3A_659 = arith.constant 1 : i32
          %eq3A_660 = vector.broadcast %eq3A_659 : i32 to vector<16xi32>
          %eq3A_661 = arith.cmpi eq, %shift_right_logical3A_658, %eq3A_660 : vector<16xi32>
          %not3A_662 = arith.constant dense<-1> : vector<16xi32>
          %not3A_663 = arith.xori %bitcast_convert_type3A_655, %not3A_662 : vector<16xi32>
          %or3A_664 = arith.constant -2147483648 : i32
          %or3A_665 = vector.broadcast %or3A_664 : i32 to vector<16xi32>
          %or3A_666 = arith.ori %bitcast_convert_type3A_655, %or3A_665 : vector<16xi32>
          %select_n3A_667 = arith.select %eq3A_661, %not3A_663, %or3A_666 : vector<16xi1>, vector<16xi32>
          %max3A_668 = arith.constant 1 : i32
          %max3A_669 = vector.broadcast %max3A_668 : i32 to vector<16xi32>
          %max3A_670 = arith.maxui %select_n3A_667, %max3A_669 : vector<16xi32>
          %eq3A_671 = arith.constant 1.000000e+00 : f32
          %eq3A_672 = vector.broadcast %eq3A_671 : f32 to vector<16xf32>
          %eq3A_673 = arith.cmpf oeq, %get3A_631, %eq3A_672 : vector<16xf32>
          %jit3A_674 = arith.constant 0 : i32
          %broadcast_in_dim3A_675 = vector.broadcast %jit3A_674 : i32 to vector<16xi32>
          %select_n3A_676 = arith.select %eq3A_673, %broadcast_in_dim3A_675, %max3A_670 : vector<16xi1>, vector<16xi32>
          %eq3A_677 = arith.constant 1.000000e+00 : f32
          %eq3A_678 = vector.broadcast %eq3A_677 : f32 to vector<16xf32>
          %eq3A_679 = arith.cmpf oeq, %get3A_631, %eq3A_678 : vector<16xf32>
          %gt3A_680 = arith.cmpi ugt, %select_n3A_676, %scan3A_86 : vector<16xi32>
          %sub3A_681 = arith.subf %add3A_654, %get3A_625 : vector<16xf32>
          %jit3A_682 = arith.constant 0.000000e+00 : f32
          %broadcast_in_dim3A_683 = vector.broadcast %jit3A_682 : f32 to vector<16xf32>
          %select_n3A_684 = arith.select %eq3A_679, %sub3A_681, %broadcast_in_dim3A_683 : vector<16xi1>, vector<16xf32>
          %add3A_685 = arith.addf %add3A_607, %select_n3A_684 : vector<16xf32>
          %jit3A_686 = arith.constant 0.000000e+00 : f32
          %broadcast_in_dim3A_687 = vector.broadcast %jit3A_686 : f32 to vector<16xf32>
          %select_n3A_688 = arith.select %gt3A_680, %add3A_654, %broadcast_in_dim3A_687 : vector<16xi1>, vector<16xf32>
          %add3A_689 = arith.addf %add3A_611, %select_n3A_688 : vector<16xf32>
          %jit3A_690 = arith.constant 1.000000e+00 : f32
          %jit3A_691 = arith.constant 0.000000e+00 : f32
          %broadcast_in_dim3A_692 = vector.broadcast %jit3A_690 : f32 to vector<16xf32>
          %broadcast_in_dim3A_693 = vector.broadcast %jit3A_691 : f32 to vector<16xf32>
          %select_n3A_694 = arith.select %gt3A_680, %broadcast_in_dim3A_692, %broadcast_in_dim3A_693 : vector<16xi1>, vector<16xf32>
          %add3A_695 = arith.addf %add3A_617, %select_n3A_694 : vector<16xf32>
          scf.yield %add3A_685, %add3A_689, %add3A_695 : vector<16xf32>, vector<16xf32>, vector<16xf32>
        }
        %scan3A_385 = arith.constant 32 : i32
        scf.yield %scan3A_384#0, %scan3A_384#1, %scan3A_384#2 : vector<16xf32>, vector<16xf32>, vector<16xf32>
      }
      %scan3A_375 = arith.constant 32 : i32
      scf.yield %scan3A_374#0, %scan3A_374#1, %scan3A_374#2 : vector<16xf32>, vector<16xf32>, vector<16xf32>
    }
    %scan3A_93 = arith.constant 16 : i32
    %iota3A_94 = tpu.iota {dimensions = array<i32: 0>} : vector<16xi32>
    %add3A_95 = arith.constant 1 : i32
    %add3A_96 = vector.broadcast %add3A_95 : i32 to vector<16xi32>
    %add3A_97 = arith.addi %iota3A_94, %add3A_96 : vector<16xi32>
    %and3A_98 = arith.constant 15 : i32
    %and3A_99 = vector.broadcast %and3A_98 : i32 to vector<16xi32>
    %and3A_100 = arith.andi %add3A_97, %and3A_99 : vector<16xi32>
    %lt3A_101 = arith.constant 0 : i32
    %lt3A_102 = vector.broadcast %lt3A_101 : i32 to vector<16xi32>
    %lt3A_103 = arith.cmpi slt, %and3A_100, %lt3A_102 : vector<16xi32>
    %add3A_104 = arith.constant 16 : i32
    %add3A_105 = vector.broadcast %add3A_104 : i32 to vector<16xi32>
    %add3A_106 = arith.addi %and3A_100, %add3A_105 : vector<16xi32>
    %select_n3A_107 = arith.select %lt3A_103, %add3A_106, %and3A_100 : vector<16xi1>, vector<16xi32>
    %broadcast_in_dim3A_108 = vector.shape_cast %select_n3A_107 : vector<16xi32> to vector<16x1xi32>
    %gather3A_109 = vector.shape_cast %broadcast_in_dim3A_108 : vector<16x1xi32> to vector<16xi32>
    %gather3A_110 = tpu.dynamic_gather %scan3A_92#0[%gather3A_109] in [0] : vector<16xf32>, vector<16xi32> -> vector<16xf32>
    %add3A_111 = arith.addf %scan3A_92#0, %gather3A_110 : vector<16xf32>
    %add3A_112 = arith.constant 2 : i32
    %add3A_113 = vector.broadcast %add3A_112 : i32 to vector<16xi32>
    %add3A_114 = arith.addi %iota3A_94, %add3A_113 : vector<16xi32>
    %and3A_115 = arith.constant 15 : i32
    %and3A_116 = vector.broadcast %and3A_115 : i32 to vector<16xi32>
    %and3A_117 = arith.andi %add3A_114, %and3A_116 : vector<16xi32>
    %lt3A_118 = arith.constant 0 : i32
    %lt3A_119 = vector.broadcast %lt3A_118 : i32 to vector<16xi32>
    %lt3A_120 = arith.cmpi slt, %and3A_117, %lt3A_119 : vector<16xi32>
    %add3A_121 = arith.constant 16 : i32
    %add3A_122 = vector.broadcast %add3A_121 : i32 to vector<16xi32>
    %add3A_123 = arith.addi %and3A_117, %add3A_122 : vector<16xi32>
    %select_n3A_124 = arith.select %lt3A_120, %add3A_123, %and3A_117 : vector<16xi1>, vector<16xi32>
    %broadcast_in_dim3A_125 = vector.shape_cast %select_n3A_124 : vector<16xi32> to vector<16x1xi32>
    %gather3A_126 = vector.shape_cast %broadcast_in_dim3A_125 : vector<16x1xi32> to vector<16xi32>
    %gather3A_127 = tpu.dynamic_gather %add3A_111[%gather3A_126] in [0] : vector<16xf32>, vector<16xi32> -> vector<16xf32>
    %add3A_128 = arith.addf %add3A_111, %gather3A_127 : vector<16xf32>
    %add3A_129 = arith.constant 4 : i32
    %add3A_130 = vector.broadcast %add3A_129 : i32 to vector<16xi32>
    %add3A_131 = arith.addi %iota3A_94, %add3A_130 : vector<16xi32>
    %and3A_132 = arith.constant 15 : i32
    %and3A_133 = vector.broadcast %and3A_132 : i32 to vector<16xi32>
    %and3A_134 = arith.andi %add3A_131, %and3A_133 : vector<16xi32>
    %lt3A_135 = arith.constant 0 : i32
    %lt3A_136 = vector.broadcast %lt3A_135 : i32 to vector<16xi32>
    %lt3A_137 = arith.cmpi slt, %and3A_134, %lt3A_136 : vector<16xi32>
    %add3A_138 = arith.constant 16 : i32
    %add3A_139 = vector.broadcast %add3A_138 : i32 to vector<16xi32>
    %add3A_140 = arith.addi %and3A_134, %add3A_139 : vector<16xi32>
    %select_n3A_141 = arith.select %lt3A_137, %add3A_140, %and3A_134 : vector<16xi1>, vector<16xi32>
    %broadcast_in_dim3A_142 = vector.shape_cast %select_n3A_141 : vector<16xi32> to vector<16x1xi32>
    %gather3A_143 = vector.shape_cast %broadcast_in_dim3A_142 : vector<16x1xi32> to vector<16xi32>
    %gather3A_144 = tpu.dynamic_gather %add3A_128[%gather3A_143] in [0] : vector<16xf32>, vector<16xi32> -> vector<16xf32>
    %add3A_145 = arith.addf %add3A_128, %gather3A_144 : vector<16xf32>
    %add3A_146 = arith.constant 8 : i32
    %add3A_147 = vector.broadcast %add3A_146 : i32 to vector<16xi32>
    %add3A_148 = arith.addi %iota3A_94, %add3A_147 : vector<16xi32>
    %and3A_149 = arith.constant 15 : i32
    %and3A_150 = vector.broadcast %and3A_149 : i32 to vector<16xi32>
    %and3A_151 = arith.andi %add3A_148, %and3A_150 : vector<16xi32>
    %lt3A_152 = arith.constant 0 : i32
    %lt3A_153 = vector.broadcast %lt3A_152 : i32 to vector<16xi32>
    %lt3A_154 = arith.cmpi slt, %and3A_151, %lt3A_153 : vector<16xi32>
    %add3A_155 = arith.constant 16 : i32
    %add3A_156 = vector.broadcast %add3A_155 : i32 to vector<16xi32>
    %add3A_157 = arith.addi %and3A_151, %add3A_156 : vector<16xi32>
    %select_n3A_158 = arith.select %lt3A_154, %add3A_157, %and3A_151 : vector<16xi1>, vector<16xi32>
    %broadcast_in_dim3A_159 = vector.shape_cast %select_n3A_158 : vector<16xi32> to vector<16x1xi32>
    %gather3A_160 = vector.shape_cast %broadcast_in_dim3A_159 : vector<16x1xi32> to vector<16xi32>
    %gather3A_161 = tpu.dynamic_gather %add3A_145[%gather3A_160] in [0] : vector<16xf32>, vector<16xi32> -> vector<16xf32>
    %add3A_162 = arith.addf %add3A_145, %gather3A_161 : vector<16xf32>
    %iota3A_163 = tpu.iota {dimensions = array<i32: 0>} : vector<16xi32>
    %add3A_164 = arith.constant 1 : i32
    %add3A_165 = vector.broadcast %add3A_164 : i32 to vector<16xi32>
    %add3A_166 = arith.addi %iota3A_163, %add3A_165 : vector<16xi32>
    %and3A_167 = arith.constant 15 : i32
    %and3A_168 = vector.broadcast %and3A_167 : i32 to vector<16xi32>
    %and3A_169 = arith.andi %add3A_166, %and3A_168 : vector<16xi32>
    %lt3A_170 = arith.constant 0 : i32
    %lt3A_171 = vector.broadcast %lt3A_170 : i32 to vector<16xi32>
    %lt3A_172 = arith.cmpi slt, %and3A_169, %lt3A_171 : vector<16xi32>
    %add3A_173 = arith.constant 16 : i32
    %add3A_174 = vector.broadcast %add3A_173 : i32 to vector<16xi32>
    %add3A_175 = arith.addi %and3A_169, %add3A_174 : vector<16xi32>
    %select_n3A_176 = arith.select %lt3A_172, %add3A_175, %and3A_169 : vector<16xi1>, vector<16xi32>
    %broadcast_in_dim3A_177 = vector.shape_cast %select_n3A_176 : vector<16xi32> to vector<16x1xi32>
    %gather3A_178 = vector.shape_cast %broadcast_in_dim3A_177 : vector<16x1xi32> to vector<16xi32>
    %gather3A_179 = tpu.dynamic_gather %scan3A_92#1[%gather3A_178] in [0] : vector<16xf32>, vector<16xi32> -> vector<16xf32>
    %add3A_180 = arith.addf %scan3A_92#1, %gather3A_179 : vector<16xf32>
    %add3A_181 = arith.constant 2 : i32
    %add3A_182 = vector.broadcast %add3A_181 : i32 to vector<16xi32>
    %add3A_183 = arith.addi %iota3A_163, %add3A_182 : vector<16xi32>
    %and3A_184 = arith.constant 15 : i32
    %and3A_185 = vector.broadcast %and3A_184 : i32 to vector<16xi32>
    %and3A_186 = arith.andi %add3A_183, %and3A_185 : vector<16xi32>
    %lt3A_187 = arith.constant 0 : i32
    %lt3A_188 = vector.broadcast %lt3A_187 : i32 to vector<16xi32>
    %lt3A_189 = arith.cmpi slt, %and3A_186, %lt3A_188 : vector<16xi32>
    %add3A_190 = arith.constant 16 : i32
    %add3A_191 = vector.broadcast %add3A_190 : i32 to vector<16xi32>
    %add3A_192 = arith.addi %and3A_186, %add3A_191 : vector<16xi32>
    %select_n3A_193 = arith.select %lt3A_189, %add3A_192, %and3A_186 : vector<16xi1>, vector<16xi32>
    %broadcast_in_dim3A_194 = vector.shape_cast %select_n3A_193 : vector<16xi32> to vector<16x1xi32>
    %gather3A_195 = vector.shape_cast %broadcast_in_dim3A_194 : vector<16x1xi32> to vector<16xi32>
    %gather3A_196 = tpu.dynamic_gather %add3A_180[%gather3A_195] in [0] : vector<16xf32>, vector<16xi32> -> vector<16xf32>
    %add3A_197 = arith.addf %add3A_180, %gather3A_196 : vector<16xf32>
    %add3A_198 = arith.constant 4 : i32
    %add3A_199 = vector.broadcast %add3A_198 : i32 to vector<16xi32>
    %add3A_200 = arith.addi %iota3A_163, %add3A_199 : vector<16xi32>
    %and3A_201 = arith.constant 15 : i32
    %and3A_202 = vector.broadcast %and3A_201 : i32 to vector<16xi32>
    %and3A_203 = arith.andi %add3A_200, %and3A_202 : vector<16xi32>
    %lt3A_204 = arith.constant 0 : i32
    %lt3A_205 = vector.broadcast %lt3A_204 : i32 to vector<16xi32>
    %lt3A_206 = arith.cmpi slt, %and3A_203, %lt3A_205 : vector<16xi32>
    %add3A_207 = arith.constant 16 : i32
    %add3A_208 = vector.broadcast %add3A_207 : i32 to vector<16xi32>
    %add3A_209 = arith.addi %and3A_203, %add3A_208 : vector<16xi32>
    %select_n3A_210 = arith.select %lt3A_206, %add3A_209, %and3A_203 : vector<16xi1>, vector<16xi32>
    %broadcast_in_dim3A_211 = vector.shape_cast %select_n3A_210 : vector<16xi32> to vector<16x1xi32>
    %gather3A_212 = vector.shape_cast %broadcast_in_dim3A_211 : vector<16x1xi32> to vector<16xi32>
    %gather3A_213 = tpu.dynamic_gather %add3A_197[%gather3A_212] in [0] : vector<16xf32>, vector<16xi32> -> vector<16xf32>
    %add3A_214 = arith.addf %add3A_197, %gather3A_213 : vector<16xf32>
    %add3A_215 = arith.constant 8 : i32
    %add3A_216 = vector.broadcast %add3A_215 : i32 to vector<16xi32>
    %add3A_217 = arith.addi %iota3A_163, %add3A_216 : vector<16xi32>
    %and3A_218 = arith.constant 15 : i32
    %and3A_219 = vector.broadcast %and3A_218 : i32 to vector<16xi32>
    %and3A_220 = arith.andi %add3A_217, %and3A_219 : vector<16xi32>
    %lt3A_221 = arith.constant 0 : i32
    %lt3A_222 = vector.broadcast %lt3A_221 : i32 to vector<16xi32>
    %lt3A_223 = arith.cmpi slt, %and3A_220, %lt3A_222 : vector<16xi32>
    %add3A_224 = arith.constant 16 : i32
    %add3A_225 = vector.broadcast %add3A_224 : i32 to vector<16xi32>
    %add3A_226 = arith.addi %and3A_220, %add3A_225 : vector<16xi32>
    %select_n3A_227 = arith.select %lt3A_223, %add3A_226, %and3A_220 : vector<16xi1>, vector<16xi32>
    %broadcast_in_dim3A_228 = vector.shape_cast %select_n3A_227 : vector<16xi32> to vector<16x1xi32>
    %gather3A_229 = vector.shape_cast %broadcast_in_dim3A_228 : vector<16x1xi32> to vector<16xi32>
    %gather3A_230 = tpu.dynamic_gather %add3A_214[%gather3A_229] in [0] : vector<16xf32>, vector<16xi32> -> vector<16xf32>
    %add3A_231 = arith.addf %add3A_214, %gather3A_230 : vector<16xf32>
    %iota3A_232 = tpu.iota {dimensions = array<i32: 0>} : vector<16xi32>
    %add3A_233 = arith.constant 1 : i32
    %add3A_234 = vector.broadcast %add3A_233 : i32 to vector<16xi32>
    %add3A_235 = arith.addi %iota3A_232, %add3A_234 : vector<16xi32>
    %and3A_236 = arith.constant 15 : i32
    %and3A_237 = vector.broadcast %and3A_236 : i32 to vector<16xi32>
    %and3A_238 = arith.andi %add3A_235, %and3A_237 : vector<16xi32>
    %lt3A_239 = arith.constant 0 : i32
    %lt3A_240 = vector.broadcast %lt3A_239 : i32 to vector<16xi32>
    %lt3A_241 = arith.cmpi slt, %and3A_238, %lt3A_240 : vector<16xi32>
    %add3A_242 = arith.constant 16 : i32
    %add3A_243 = vector.broadcast %add3A_242 : i32 to vector<16xi32>
    %add3A_244 = arith.addi %and3A_238, %add3A_243 : vector<16xi32>
    %select_n3A_245 = arith.select %lt3A_241, %add3A_244, %and3A_238 : vector<16xi1>, vector<16xi32>
    %broadcast_in_dim3A_246 = vector.shape_cast %select_n3A_245 : vector<16xi32> to vector<16x1xi32>
    %gather3A_247 = vector.shape_cast %broadcast_in_dim3A_246 : vector<16x1xi32> to vector<16xi32>
    %gather3A_248 = tpu.dynamic_gather %scan3A_92#2[%gather3A_247] in [0] : vector<16xf32>, vector<16xi32> -> vector<16xf32>
    %add3A_249 = arith.addf %scan3A_92#2, %gather3A_248 : vector<16xf32>
    %add3A_250 = arith.constant 2 : i32
    %add3A_251 = vector.broadcast %add3A_250 : i32 to vector<16xi32>
    %add3A_252 = arith.addi %iota3A_232, %add3A_251 : vector<16xi32>
    %and3A_253 = arith.constant 15 : i32
    %and3A_254 = vector.broadcast %and3A_253 : i32 to vector<16xi32>
    %and3A_255 = arith.andi %add3A_252, %and3A_254 : vector<16xi32>
    %lt3A_256 = arith.constant 0 : i32
    %lt3A_257 = vector.broadcast %lt3A_256 : i32 to vector<16xi32>
    %lt3A_258 = arith.cmpi slt, %and3A_255, %lt3A_257 : vector<16xi32>
    %add3A_259 = arith.constant 16 : i32
    %add3A_260 = vector.broadcast %add3A_259 : i32 to vector<16xi32>
    %add3A_261 = arith.addi %and3A_255, %add3A_260 : vector<16xi32>
    %select_n3A_262 = arith.select %lt3A_258, %add3A_261, %and3A_255 : vector<16xi1>, vector<16xi32>
    %broadcast_in_dim3A_263 = vector.shape_cast %select_n3A_262 : vector<16xi32> to vector<16x1xi32>
    %gather3A_264 = vector.shape_cast %broadcast_in_dim3A_263 : vector<16x1xi32> to vector<16xi32>
    %gather3A_265 = tpu.dynamic_gather %add3A_249[%gather3A_264] in [0] : vector<16xf32>, vector<16xi32> -> vector<16xf32>
    %add3A_266 = arith.addf %add3A_249, %gather3A_265 : vector<16xf32>
    %add3A_267 = arith.constant 4 : i32
    %add3A_268 = vector.broadcast %add3A_267 : i32 to vector<16xi32>
    %add3A_269 = arith.addi %iota3A_232, %add3A_268 : vector<16xi32>
    %and3A_270 = arith.constant 15 : i32
    %and3A_271 = vector.broadcast %and3A_270 : i32 to vector<16xi32>
    %and3A_272 = arith.andi %add3A_269, %and3A_271 : vector<16xi32>
    %lt3A_273 = arith.constant 0 : i32
    %lt3A_274 = vector.broadcast %lt3A_273 : i32 to vector<16xi32>
    %lt3A_275 = arith.cmpi slt, %and3A_272, %lt3A_274 : vector<16xi32>
    %add3A_276 = arith.constant 16 : i32
    %add3A_277 = vector.broadcast %add3A_276 : i32 to vector<16xi32>
    %add3A_278 = arith.addi %and3A_272, %add3A_277 : vector<16xi32>
    %select_n3A_279 = arith.select %lt3A_275, %add3A_278, %and3A_272 : vector<16xi1>, vector<16xi32>
    %broadcast_in_dim3A_280 = vector.shape_cast %select_n3A_279 : vector<16xi32> to vector<16x1xi32>
    %gather3A_281 = vector.shape_cast %broadcast_in_dim3A_280 : vector<16x1xi32> to vector<16xi32>
    %gather3A_282 = tpu.dynamic_gather %add3A_266[%gather3A_281] in [0] : vector<16xf32>, vector<16xi32> -> vector<16xf32>
    %add3A_283 = arith.addf %add3A_266, %gather3A_282 : vector<16xf32>
    %add3A_284 = arith.constant 8 : i32
    %add3A_285 = vector.broadcast %add3A_284 : i32 to vector<16xi32>
    %add3A_286 = arith.addi %iota3A_232, %add3A_285 : vector<16xi32>
    %and3A_287 = arith.constant 15 : i32
    %and3A_288 = vector.broadcast %and3A_287 : i32 to vector<16xi32>
    %and3A_289 = arith.andi %add3A_286, %and3A_288 : vector<16xi32>
    %lt3A_290 = arith.constant 0 : i32
    %lt3A_291 = vector.broadcast %lt3A_290 : i32 to vector<16xi32>
    %lt3A_292 = arith.cmpi slt, %and3A_289, %lt3A_291 : vector<16xi32>
    %add3A_293 = arith.constant 16 : i32
    %add3A_294 = vector.broadcast %add3A_293 : i32 to vector<16xi32>
    %add3A_295 = arith.addi %and3A_289, %add3A_294 : vector<16xi32>
    %select_n3A_296 = arith.select %lt3A_292, %add3A_295, %and3A_289 : vector<16xi1>, vector<16xi32>
    %broadcast_in_dim3A_297 = vector.shape_cast %select_n3A_296 : vector<16xi32> to vector<16x1xi32>
    %gather3A_298 = vector.shape_cast %broadcast_in_dim3A_297 : vector<16x1xi32> to vector<16xi32>
    %gather3A_299 = tpu.dynamic_gather %add3A_283[%gather3A_298] in [0] : vector<16xf32>, vector<16xi32> -> vector<16xf32>
    %add3A_300 = arith.addf %add3A_283, %gather3A_299 : vector<16xf32>
    %ge3A = arith.constant -2147483648 : i32
    %ge3A_301 = vector.broadcast %ge3A : i32 to vector<16xi32>
    %ge3A_302 = arith.cmpi uge, %scan3A_86, %ge3A_301 : vector<16xi32>
    %and3A_303 = arith.constant 2147483647 : i32
    %and3A_304 = vector.broadcast %and3A_303 : i32 to vector<16xi32>
    %and3A_305 = arith.andi %scan3A_86, %and3A_304 : vector<16xi32>
    %not3A = arith.constant dense<-1> : vector<16xi32>
    %not3A_306 = arith.xori %scan3A_86, %not3A : vector<16xi32>
    %select_n3A_307 = arith.select %ge3A_302, %and3A_305, %not3A_306 : vector<16xi1>, vector<16xi32>
    %bitcast_convert_type3A = tpu.bitcast %select_n3A_307 : vector<16xi32> -> vector<16xf32>
    %abs3A = math.absf %bitcast_convert_type3A : vector<16xf32>
    %neg3A = arith.constant 0.000000e+00 : f32
    %neg3A_308 = vector.broadcast %neg3A : f32 to vector<16xf32>
    %neg3A_309 = arith.subf %neg3A_308, %abs3A : vector<16xf32>
    %exp3A = math.exp %neg3A_309 : vector<16xf32>
    %mul3A_310 = arith.constant 0.106684305 : f32
    %mul3A_311 = vector.broadcast %mul3A_310 : f32 to vector<16xf32>
    %mul3A_312 = arith.mulf %mul3A_311, %exp3A : vector<16xf32>
    %add3A_313 = arith.constant -0.393534571 : f32
    %add3A_314 = vector.broadcast %add3A_313 : f32 to vector<16xf32>
    %add3A_315 = arith.addf %mul3A_312, %add3A_314 : vector<16xf32>
    %mul3A_316 = arith.mulf %add3A_315, %exp3A : vector<16xf32>
    %add3A_317 = arith.constant 0.97975254 : f32
    %add3A_318 = vector.broadcast %add3A_317 : f32 to vector<16xf32>
    %add3A_319 = arith.addf %mul3A_316, %add3A_318 : vector<16xf32>
    %max3A = arith.constant 0.000000e+00 : f32
    %max3A_320 = vector.broadcast %max3A : f32 to vector<16xf32>
    %max3A_321 = arith.maximumf %bitcast_convert_type3A, %max3A_320 : vector<16xf32>
    %mul3A_322 = arith.mulf %add3A_319, %exp3A : vector<16xf32>
    %add3A_323 = arith.addf %max3A_321, %mul3A_322 : vector<16xf32>
    %add3A_324 = arith.constant 9.25183122E-4 : f32
    %add3A_325 = vector.broadcast %add3A_324 : f32 to vector<16xf32>
    %add3A_326 = arith.addf %add3A_323, %add3A_325 : vector<16xf32>
    %convert_element_type3A_327 = arith.sitofp %min3A_79 : vector<16xi32> to vector<16xf32>
    %sub3A_328 = arith.subf %convert_element_type3A_327, %add3A_300 : vector<16xf32>
    %gt3A = arith.constant 0 : i32
    %gt3A_329 = vector.broadcast %gt3A : i32 to vector<16xi32>
    %gt3A_330 = arith.cmpi sgt, %min3A_79, %gt3A_329 : vector<16xi32>
    %mul3A_331 = arith.mulf %sub3A_328, %add3A_326 : vector<16xf32>
    %jit3A = arith.constant 0.000000e+00 : f32
    %broadcast_in_dim3A_332 = vector.broadcast %jit3A : f32 to vector<16xf32>
    %select_n3A_333 = arith.select %gt3A_330, %mul3A_331, %broadcast_in_dim3A_332 : vector<16xi1>, vector<16xf32>
    %add3A_334 = arith.addf %add3A_231, %select_n3A_333 : vector<16xf32>
    %add3A_335 = arith.addf %add3A_162, %add3A_334 : vector<16xf32>
    %swap3A = arith.constant 0 : i32
    %swap3A_336 = arith.index_cast %swap3A : i32 to index
    %swap3A_337 = arith.constant 0 : index
    %swap3A_338 = tpu.vector_load %arg7[%swap3A_336, %swap3A_337] {strides = array<i32>} : memref<4x16xf32, #tpu.memory_space<vmem>>, vector<1x16xf32>,
    %swap3A_339 = vector.shape_cast %swap3A_338 : vector<1x16xf32> to vector<16xf32>
    %swap3A_340 = vector.shape_cast %add3A_335 : vector<16xf32> to vector<1x16xf32>
    tpu.vector_store %arg7[%swap3A_336, %swap3A_337], %swap3A_340 {strides = array<i32>} : memref<4x16xf32, #tpu.memory_space<vmem>>, vector<1x16xf32>,
    %convert_element_type3A_341 = arith.sitofp %min3A_79 : vector<16xi32> to vector<16xf32>
    %add3A_342 = arith.addf %add3A_73, %convert_element_type3A_341 : vector<16xf32>
    %swap3A_343 = arith.constant 1 : i32
    %swap3A_344 = arith.index_cast %swap3A_343 : i32 to index
    %swap3A_345 = arith.constant 0 : index
    %swap3A_346 = tpu.vector_load %arg7[%swap3A_344, %swap3A_345] {strides = array<i32>} : memref<4x16xf32, #tpu.memory_space<vmem>>, vector<1x16xf32>,
    %swap3A_347 = vector.shape_cast %swap3A_346 : vector<1x16xf32> to vector<16xf32>
    %swap3A_348 = vector.shape_cast %add3A_342 : vector<16xf32> to vector<1x16xf32>
    tpu.vector_store %arg7[%swap3A_344, %swap3A_345], %swap3A_348 {strides = array<i32>} : memref<4x16xf32, #tpu.memory_space<vmem>>, vector<1x16xf32>,
    %swap3A_349 = arith.constant 2 : i32
    %swap3A_350 = arith.index_cast %swap3A_349 : i32 to index
    %swap3A_351 = arith.constant 0 : index
    %swap3A_352 = tpu.vector_load %arg7[%swap3A_350, %swap3A_351] {strides = array<i32>} : memref<4x16xf32, #tpu.memory_space<vmem>>, vector<1x16xf32>,
    %swap3A_353 = vector.shape_cast %swap3A_352 : vector<1x16xf32> to vector<16xf32>
    %swap3A_354 = vector.shape_cast %broadcast_in_dim3A_4 : vector<16xf32> to vector<1x16xf32>
    tpu.vector_store %arg7[%swap3A_350, %swap3A_351], %swap3A_354 {strides = array<i32>} : memref<4x16xf32, #tpu.memory_space<vmem>>, vector<1x16xf32>,
    %swap3A_355 = arith.constant 3 : i32
    %swap3A_356 = arith.index_cast %swap3A_355 : i32 to index
    %swap3A_357 = arith.constant 0 : index
    %swap3A_358 = tpu.vector_load %arg7[%swap3A_356, %swap3A_357] {strides = array<i32>} : memref<4x16xf32, #tpu.memory_space<vmem>>, vector<1x16xf32>,
    %swap3A_359 = vector.shape_cast %swap3A_358 : vector<1x16xf32> to vector<16xf32>
    %swap3A_360 = vector.shape_cast %broadcast_in_dim3A_4 : vector<16xf32> to vector<1x16xf32>
    tpu.vector_store %arg7[%swap3A_356, %swap3A_357], %swap3A_360 {strides = array<i32>} : memref<4x16xf32, #tpu.memory_space<vmem>>, vector<1x16xf32>,
    "tpu.region"() ({
      %run_scoped3A = tpu.sem_alloc : memref<!tpu.dma_semaphore, #tpu.memory_space<semaphore_mem>>
      %dma_start3A = arith.constant 0 : i32
      %dma_start3A_361 = arith.constant 0 : i32
      %dma_start3A_362 = tpu.memref_slice %arg4[%add3A, %dma_start3A, %dma_start3A_361] : memref<32x4x16xf32, #tpu.memory_space<hbm>> -> memref<1x4x16xf32, #tpu.memory_space<hbm>>
      %dma_start3A_363 = tpu.memref_squeeze %dma_start3A_362 : memref<1x4x16xf32, #tpu.memory_space<hbm>> -> memref<4x16xf32, #tpu.memory_space<hbm>>
      %dma_start3A_364 = arith.constant 0 : i32
      %dma_start3A_365 = arith.constant 0 : i32
      %dma_start3A_366 = tpu.memref_slice %arg4[%add3A, %dma_start3A_364, %dma_start3A_365] : memref<32x4x16xf32, #tpu.memory_space<hbm>> -> memref<1x4x16xf32, #tpu.memory_space<hbm>>
      %dma_start3A_367 = tpu.memref_squeeze %dma_start3A_366 : memref<1x4x16xf32, #tpu.memory_space<hbm>> -> memref<4x16xf32, #tpu.memory_space<hbm>>
      tpu.enqueue_dma source(%arg7 : memref<4x16xf32, #tpu.memory_space<vmem>>) target(%dma_start3A_367 : memref<4x16xf32, #tpu.memory_space<hbm>>) target_semaphore(%run_scoped3A : memref<!tpu.dma_semaphore, #tpu.memory_space<semaphore_mem>>)
      %dma_wait3A = arith.constant 0 : i32
      %dma_wait3A_368 = arith.constant 0 : i32
      %dma_wait3A_369 = tpu.memref_slice %arg4[%add3A, %dma_wait3A, %dma_wait3A_368] : memref<32x4x16xf32, #tpu.memory_space<hbm>> -> memref<1x4x16xf32, #tpu.memory_space<hbm>>
      %dma_wait3A_370 = tpu.memref_squeeze %dma_wait3A_369 : memref<1x4x16xf32, #tpu.memory_space<hbm>> -> memref<4x16xf32, #tpu.memory_space<hbm>>
      %dma_wait3A_371 = arith.constant 0 : i32
      %dma_wait3A_372 = arith.constant 0 : i32
      %dma_wait3A_373 = tpu.memref_slice %arg4[%add3A, %dma_wait3A_371, %dma_wait3A_372] : memref<32x4x16xf32, #tpu.memory_space<hbm>> -> memref<1x4x16xf32, #tpu.memory_space<hbm>>
      %dma_wait3A_374 = tpu.memref_squeeze %dma_wait3A_373 : memref<1x4x16xf32, #tpu.memory_space<hbm>> -> memref<4x16xf32, #tpu.memory_space<hbm>>
      tpu.wait_dma2 semaphore(%run_scoped3A : memref<!tpu.dma_semaphore, #tpu.memory_space<semaphore_mem>>) src(%arg7 : memref<4x16xf32, #tpu.memory_space<vmem>>) dst(%dma_wait3A_374 : memref<4x16xf32, #tpu.memory_space<hbm>>)
      tpu.yield
    }) : () -> ()
    return
  }
}

#map = affine_map<(d0, d1) -> (0, 0, 0, 0)>
#map1 = affine_map<(d0, d1) -> (0, 0, 0)>
module attributes {stable_mosaic.version = 14 : i64} {
  func.func @_sc_sums_body(%arg0: i32, %arg1: i32, %arg2: memref<8x1x512x512xf32, #tpu.memory_space<hbm>>, %arg3: memref<32x1x16xf32, #tpu.memory_space<hbm>>, %arg4: memref<40x512xf32, #tpu.memory_space<vmem>>, %arg5: memref<40x512xf32, #tpu.memory_space<vmem>>, %arg6: memref<1x16xf32, #tpu.memory_space<vmem>>, %arg7: memref<!tpu.dma_semaphore, #tpu.memory_space<semaphore_mem>>, %arg8: memref<!tpu.dma_semaphore, #tpu.memory_space<semaphore_mem>>) attributes {dimension_semantics = [#tpu.dimension_semantics<core_parallel>, #tpu.dimension_semantics<subcore_parallel>], iteration_bounds = array<i64: 2, 16>, scalar_prefetch = 0 : i64, scratch_operands = 5 : i64, tpu.core_type = #tpu.core_type<sc_vector_subcore>, window_params = [{transform_indices = #map}, {transform_indices = #map1}]} {
    %mul3A = arith.constant 2 : i32
    %mul3A_0 = arith.muli %arg1, %mul3A : i32
    %add3A = arith.addi %mul3A_0, %arg0 : i32
    %jit3A = arith.constant 4 : i32
    %div3A = arith.divsi %add3A, %jit3A : i32
    %sign3A = arith.constant 0 : i32
    %sign3A_1 = arith.cmpi sgt, %add3A, %sign3A : i32
    %sign3A_2 = arith.extui %sign3A_1 : i1 to i32
    %sign3A_3 = arith.constant 0 : i32
    %sign3A_4 = arith.cmpi slt, %add3A, %sign3A_3 : i32
    %sign3A_5 = arith.extui %sign3A_4 : i1 to i32
    %sign3A_6 = arith.subi %sign3A_2, %sign3A_5 : i32
    %sign3A_7 = arith.constant 0 : i32
    %sign3A_8 = arith.cmpi sgt, %jit3A, %sign3A_7 : i32
    %sign3A_9 = arith.extui %sign3A_8 : i1 to i32
    %sign3A_10 = arith.constant 0 : i32
    %sign3A_11 = arith.cmpi slt, %jit3A, %sign3A_10 : i32
    %sign3A_12 = arith.extui %sign3A_11 : i1 to i32
    %sign3A_13 = arith.subi %sign3A_9, %sign3A_12 : i32
    %ne3A = arith.cmpi ne, %sign3A_6, %sign3A_13 : i32
    %rem3A = arith.remsi %add3A, %jit3A : i32
    %ne3A_14 = arith.constant 0 : i32
    %ne3A_15 = arith.cmpi ne, %rem3A, %ne3A_14 : i32
    %and3A = arith.andi %ne3A, %ne3A_15 : i1
    %sub3A = arith.constant 1 : i32
    %sub3A_16 = arith.subi %div3A, %sub3A : i32
    %select_n3A = arith.select %and3A, %sub3A_16, %div3A : i32
    %jit3A_17 = arith.constant 4 : i32
    %eq3A = arith.constant 0 : i32
    %eq3A_18 = arith.cmpi eq, %jit3A_17, %eq3A : i32
    %jit3A_19 = arith.constant 1 : i32
    %select_n3A_20 = arith.select %eq3A_18, %jit3A_19, %jit3A_17 : i32
    %rem3A_21 = arith.remsi %add3A, %select_n3A_20 : i32
    %ne3A_22 = arith.constant 0 : i32
    %ne3A_23 = arith.cmpi ne, %rem3A_21, %ne3A_22 : i32
    %lt3A = arith.constant 0 : i32
    %lt3A_24 = arith.cmpi slt, %rem3A_21, %lt3A : i32
    %lt3A_25 = arith.constant 0 : i32
    %lt3A_26 = arith.cmpi slt, %select_n3A_20, %lt3A_25 : i32
    %ne3A_27 = arith.xori %lt3A_24, %lt3A_26 : i1
    %and3A_28 = arith.andi %ne3A_27, %ne3A_23 : i1
    %add3A_29 = arith.addi %rem3A_21, %select_n3A_20 : i32
    %select_n3A_30 = arith.select %and3A_28, %add3A_29, %rem3A_21 : i32
    %mul3A_31 = arith.constant 80 : i32
    %mul3A_32 = arith.muli %select_n3A_30, %mul3A_31 : i32
    %broadcast_in_dim3A = arith.constant 0.000000e+00 : f32
    %broadcast_in_dim3A_33 = vector.broadcast %broadcast_in_dim3A : f32 to vector<16xf32>
    %add3A_34 = arith.constant 0 : i32
    %add3A_35 = arith.addi %mul3A_32, %add3A_34 : i32
    %dma_start3A = arith.constant 0 : i32
    %dma_start3A_36 = arith.constant 0 : i32
    %dma_start3A_37 = tpu.memref_slice %arg2[%select_n3A, %dma_start3A, %add3A_35, %dma_start3A_36] : memref<8x1x512x512xf32, #tpu.memory_space<hbm>> -> memref<1x1x40x512xf32, #tpu.memory_space<hbm>>
    %dma_start3A_38 = tpu.memref_squeeze %dma_start3A_37 : memref<1x1x40x512xf32, #tpu.memory_space<hbm>> -> memref<40x512xf32, #tpu.memory_space<hbm>>
    %dma_start3A_39 = arith.constant 0 : i32
    %dma_start3A_40 = tpu.memref_slice %arg2[%select_n3A, %dma_start3A, %add3A_35, %dma_start3A_39] : memref<8x1x512x512xf32, #tpu.memory_space<hbm>> -> memref<1x1x40x512xf32, #tpu.memory_space<hbm>>
    %dma_start3A_41 = tpu.memref_squeeze %dma_start3A_40 : memref<1x1x40x512xf32, #tpu.memory_space<hbm>> -> memref<40x512xf32, #tpu.memory_space<hbm>>
    tpu.enqueue_dma source(%dma_start3A_41 : memref<40x512xf32, #tpu.memory_space<hbm>>) target(%arg4 : memref<40x512xf32, #tpu.memory_space<vmem>>) target_semaphore(%arg7 : memref<!tpu.dma_semaphore, #tpu.memory_space<semaphore_mem>>)
    %add3A_42 = arith.constant 40 : i32
    %add3A_43 = arith.addi %mul3A_32, %add3A_42 : i32
    %dma_start3A_44 = arith.constant 0 : i32
    %dma_start3A_45 = arith.constant 0 : i32
    %dma_start3A_46 = tpu.memref_slice %arg2[%select_n3A, %dma_start3A_44, %add3A_43, %dma_start3A_45] : memref<8x1x512x512xf32, #tpu.memory_space<hbm>> -> memref<1x1x40x512xf32, #tpu.memory_space<hbm>>
    %dma_start3A_47 = tpu.memref_squeeze %dma_start3A_46 : memref<1x1x40x512xf32, #tpu.memory_space<hbm>> -> memref<40x512xf32, #tpu.memory_space<hbm>>
    %dma_start3A_48 = arith.constant 0 : i32
    %dma_start3A_49 = tpu.memref_slice %arg2[%select_n3A, %dma_start3A_44, %add3A_43, %dma_start3A_48] : memref<8x1x512x512xf32, #tpu.memory_space<hbm>> -> memref<1x1x40x512xf32, #tpu.memory_space<hbm>>
    %dma_start3A_50 = tpu.memref_squeeze %dma_start3A_49 : memref<1x1x40x512xf32, #tpu.memory_space<hbm>> -> memref<40x512xf32, #tpu.memory_space<hbm>>
    tpu.enqueue_dma source(%dma_start3A_50 : memref<40x512xf32, #tpu.memory_space<hbm>>) target(%arg5 : memref<40x512xf32, #tpu.memory_space<vmem>>) target_semaphore(%arg8 : memref<!tpu.dma_semaphore, #tpu.memory_space<semaphore_mem>>)
    %dma_wait3A = arith.constant 0 : i32
    %dma_wait3A_51 = arith.constant 0 : i32
    %dma_wait3A_52 = tpu.memref_slice %arg2[%select_n3A, %dma_wait3A, %add3A_35, %dma_wait3A_51] : memref<8x1x512x512xf32, #tpu.memory_space<hbm>> -> memref<1x1x40x512xf32, #tpu.memory_space<hbm>>
    %dma_wait3A_53 = tpu.memref_squeeze %dma_wait3A_52 : memref<1x1x40x512xf32, #tpu.memory_space<hbm>> -> memref<40x512xf32, #tpu.memory_space<hbm>>
    %dma_wait3A_54 = arith.constant 0 : i32
    %dma_wait3A_55 = tpu.memref_slice %arg2[%select_n3A, %dma_wait3A, %add3A_35, %dma_wait3A_54] : memref<8x1x512x512xf32, #tpu.memory_space<hbm>> -> memref<1x1x40x512xf32, #tpu.memory_space<hbm>>
    %dma_wait3A_56 = tpu.memref_squeeze %dma_wait3A_55 : memref<1x1x40x512xf32, #tpu.memory_space<hbm>> -> memref<40x512xf32, #tpu.memory_space<hbm>>
    tpu.wait_dma2 semaphore(%arg7 : memref<!tpu.dma_semaphore, #tpu.memory_space<semaphore_mem>>) src(%dma_wait3A_56 : memref<40x512xf32, #tpu.memory_space<hbm>>) dst(%arg4 : memref<40x512xf32, #tpu.memory_space<vmem>>)
    %scan3A = arith.constant 0 : i32
    %scan3A_57 = arith.constant 40 : i32
    %scan3A_58 = arith.addi %scan3A, %scan3A_57 : i32
    %scan3A_59 = arith.constant 1 : i32
    %scan3A_60 = scf.for %scan3A_80 = %scan3A to %scan3A_58 step %scan3A_59 iter_args(%scan3A_81 = %broadcast_in_dim3A_33) -> (vector<16xf32>)  : i32 {
      %scan3A_82 = arith.constant 0 : i32
      %scan3A_83 = arith.constant 32 : i32
      %scan3A_84 = arith.addi %scan3A_82, %scan3A_83 : i32
      %scan3A_85 = arith.constant 8 : i32
      %scan3A_86 = scf.for %scan3A_88 = %scan3A_82 to %scan3A_84 step %scan3A_85 iter_args(%scan3A_89 = %scan3A_81) -> (vector<16xf32>)  : i32 {
        %mul3A_90 = arith.constant 16 : i32
        %mul3A_91 = arith.muli %scan3A_88, %mul3A_90 : i32
        %get3A = arith.index_cast %scan3A_80 : i32 to index
        %get3A_92 = arith.index_cast %mul3A_91 : i32 to index
        %get3A_93 = tpu.vector_load %arg4[%get3A, %get3A_92] {strides = array<i32>} : memref<40x512xf32, #tpu.memory_space<vmem>>, vector<1x16xf32>,
        %get3A_94 = vector.shape_cast %get3A_93 : vector<1x16xf32> to vector<16xf32>
        %abs3A = math.absf %get3A_94 : vector<16xf32>
        %neg3A = arith.constant 0.000000e+00 : f32
        %neg3A_95 = vector.broadcast %neg3A : f32 to vector<16xf32>
        %neg3A_96 = arith.subf %neg3A_95, %abs3A : vector<16xf32>
        %exp3A = math.exp %neg3A_96 : vector<16xf32>
        %mul3A_97 = arith.constant 0.106684305 : f32
        %mul3A_98 = vector.broadcast %mul3A_97 : f32 to vector<16xf32>
        %mul3A_99 = arith.mulf %mul3A_98, %exp3A : vector<16xf32>
        %add3A_100 = arith.constant -0.393534571 : f32
        %add3A_101 = vector.broadcast %add3A_100 : f32 to vector<16xf32>
        %add3A_102 = arith.addf %mul3A_99, %add3A_101 : vector<16xf32>
        %mul3A_103 = arith.mulf %add3A_102, %exp3A : vector<16xf32>
        %add3A_104 = arith.constant 0.97975254 : f32
        %add3A_105 = vector.broadcast %add3A_104 : f32 to vector<16xf32>
        %add3A_106 = arith.addf %mul3A_103, %add3A_105 : vector<16xf32>
        %max3A = arith.constant 0.000000e+00 : f32
        %max3A_107 = vector.broadcast %max3A : f32 to vector<16xf32>
        %max3A_108 = arith.maximumf %get3A_94, %max3A_107 : vector<16xf32>
        %mul3A_109 = arith.mulf %add3A_106, %exp3A : vector<16xf32>
        %add3A_110 = arith.addf %max3A_108, %mul3A_109 : vector<16xf32>
        %add3A_111 = arith.addf %scan3A_89, %add3A_110 : vector<16xf32>
        %scan3A_112 = arith.constant 1 : i32
        %scan3A_113 = arith.addi %scan3A_88, %scan3A_112 : i32
        %mul3A_114 = arith.constant 16 : i32
        %mul3A_115 = arith.muli %scan3A_113, %mul3A_114 : i32
        %get3A_116 = arith.index_cast %scan3A_80 : i32 to index
        %get3A_117 = arith.index_cast %mul3A_115 : i32 to index
        %get3A_118 = tpu.vector_load %arg4[%get3A_116, %get3A_117] {strides = array<i32>} : memref<40x512xf32, #tpu.memory_space<vmem>>, vector<1x16xf32>,
        %get3A_119 = vector.shape_cast %get3A_118 : vector<1x16xf32> to vector<16xf32>
        %abs3A_120 = math.absf %get3A_119 : vector<16xf32>
        %neg3A_121 = arith.constant 0.000000e+00 : f32
        %neg3A_122 = vector.broadcast %neg3A_121 : f32 to vector<16xf32>
        %neg3A_123 = arith.subf %neg3A_122, %abs3A_120 : vector<16xf32>
        %exp3A_124 = math.exp %neg3A_123 : vector<16xf32>
        %mul3A_125 = arith.constant 0.106684305 : f32
        %mul3A_126 = vector.broadcast %mul3A_125 : f32 to vector<16xf32>
        %mul3A_127 = arith.mulf %mul3A_126, %exp3A_124 : vector<16xf32>
        %add3A_128 = arith.constant -0.393534571 : f32
        %add3A_129 = vector.broadcast %add3A_128 : f32 to vector<16xf32>
        %add3A_130 = arith.addf %mul3A_127, %add3A_129 : vector<16xf32>
        %mul3A_131 = arith.mulf %add3A_130, %exp3A_124 : vector<16xf32>
        %add3A_132 = arith.constant 0.97975254 : f32
        %add3A_133 = vector.broadcast %add3A_132 : f32 to vector<16xf32>
        %add3A_134 = arith.addf %mul3A_131, %add3A_133 : vector<16xf32>
        %max3A_135 = arith.constant 0.000000e+00 : f32
        %max3A_136 = vector.broadcast %max3A_135 : f32 to vector<16xf32>
        %max3A_137 = arith.maximumf %get3A_119, %max3A_136 : vector<16xf32>
        %mul3A_138 = arith.mulf %add3A_134, %exp3A_124 : vector<16xf32>
        %add3A_139 = arith.addf %max3A_137, %mul3A_138 : vector<16xf32>
        %add3A_140 = arith.addf %add3A_111, %add3A_139 : vector<16xf32>
        %scan3A_141 = arith.constant 2 : i32
        %scan3A_142 = arith.addi %scan3A_88, %scan3A_141 : i32
        %mul3A_143 = arith.constant 16 : i32
        %mul3A_144 = arith.muli %scan3A_142, %mul3A_143 : i32
        %get3A_145 = arith.index_cast %scan3A_80 : i32 to index
        %get3A_146 = arith.index_cast %mul3A_144 : i32 to index
        %get3A_147 = tpu.vector_load %arg4[%get3A_145, %get3A_146] {strides = array<i32>} : memref<40x512xf32, #tpu.memory_space<vmem>>, vector<1x16xf32>,
        %get3A_148 = vector.shape_cast %get3A_147 : vector<1x16xf32> to vector<16xf32>
        %abs3A_149 = math.absf %get3A_148 : vector<16xf32>
        %neg3A_150 = arith.constant 0.000000e+00 : f32
        %neg3A_151 = vector.broadcast %neg3A_150 : f32 to vector<16xf32>
        %neg3A_152 = arith.subf %neg3A_151, %abs3A_149 : vector<16xf32>
        %exp3A_153 = math.exp %neg3A_152 : vector<16xf32>
        %mul3A_154 = arith.constant 0.106684305 : f32
        %mul3A_155 = vector.broadcast %mul3A_154 : f32 to vector<16xf32>
        %mul3A_156 = arith.mulf %mul3A_155, %exp3A_153 : vector<16xf32>
        %add3A_157 = arith.constant -0.393534571 : f32
        %add3A_158 = vector.broadcast %add3A_157 : f32 to vector<16xf32>
        %add3A_159 = arith.addf %mul3A_156, %add3A_158 : vector<16xf32>
        %mul3A_160 = arith.mulf %add3A_159, %exp3A_153 : vector<16xf32>
        %add3A_161 = arith.constant 0.97975254 : f32
        %add3A_162 = vector.broadcast %add3A_161 : f32 to vector<16xf32>
        %add3A_163 = arith.addf %mul3A_160, %add3A_162 : vector<16xf32>
        %max3A_164 = arith.constant 0.000000e+00 : f32
        %max3A_165 = vector.broadcast %max3A_164 : f32 to vector<16xf32>
        %max3A_166 = arith.maximumf %get3A_148, %max3A_165 : vector<16xf32>
        %mul3A_167 = arith.mulf %add3A_163, %exp3A_153 : vector<16xf32>
        %add3A_168 = arith.addf %max3A_166, %mul3A_167 : vector<16xf32>
        %add3A_169 = arith.addf %add3A_140, %add3A_168 : vector<16xf32>
        %scan3A_170 = arith.constant 3 : i32
        %scan3A_171 = arith.addi %scan3A_88, %scan3A_170 : i32
        %mul3A_172 = arith.constant 16 : i32
        %mul3A_173 = arith.muli %scan3A_171, %mul3A_172 : i32
        %get3A_174 = arith.index_cast %scan3A_80 : i32 to index
        %get3A_175 = arith.index_cast %mul3A_173 : i32 to index
        %get3A_176 = tpu.vector_load %arg4[%get3A_174, %get3A_175] {strides = array<i32>} : memref<40x512xf32, #tpu.memory_space<vmem>>, vector<1x16xf32>,
        %get3A_177 = vector.shape_cast %get3A_176 : vector<1x16xf32> to vector<16xf32>
        %abs3A_178 = math.absf %get3A_177 : vector<16xf32>
        %neg3A_179 = arith.constant 0.000000e+00 : f32
        %neg3A_180 = vector.broadcast %neg3A_179 : f32 to vector<16xf32>
        %neg3A_181 = arith.subf %neg3A_180, %abs3A_178 : vector<16xf32>
        %exp3A_182 = math.exp %neg3A_181 : vector<16xf32>
        %mul3A_183 = arith.constant 0.106684305 : f32
        %mul3A_184 = vector.broadcast %mul3A_183 : f32 to vector<16xf32>
        %mul3A_185 = arith.mulf %mul3A_184, %exp3A_182 : vector<16xf32>
        %add3A_186 = arith.constant -0.393534571 : f32
        %add3A_187 = vector.broadcast %add3A_186 : f32 to vector<16xf32>
        %add3A_188 = arith.addf %mul3A_185, %add3A_187 : vector<16xf32>
        %mul3A_189 = arith.mulf %add3A_188, %exp3A_182 : vector<16xf32>
        %add3A_190 = arith.constant 0.97975254 : f32
        %add3A_191 = vector.broadcast %add3A_190 : f32 to vector<16xf32>
        %add3A_192 = arith.addf %mul3A_189, %add3A_191 : vector<16xf32>
        %max3A_193 = arith.constant 0.000000e+00 : f32
        %max3A_194 = vector.broadcast %max3A_193 : f32 to vector<16xf32>
        %max3A_195 = arith.maximumf %get3A_177, %max3A_194 : vector<16xf32>
        %mul3A_196 = arith.mulf %add3A_192, %exp3A_182 : vector<16xf32>
        %add3A_197 = arith.addf %max3A_195, %mul3A_196 : vector<16xf32>
        %add3A_198 = arith.addf %add3A_169, %add3A_197 : vector<16xf32>
        %scan3A_199 = arith.constant 4 : i32
        %scan3A_200 = arith.addi %scan3A_88, %scan3A_199 : i32
        %mul3A_201 = arith.constant 16 : i32
        %mul3A_202 = arith.muli %scan3A_200, %mul3A_201 : i32
        %get3A_203 = arith.index_cast %scan3A_80 : i32 to index
        %get3A_204 = arith.index_cast %mul3A_202 : i32 to index
        %get3A_205 = tpu.vector_load %arg4[%get3A_203, %get3A_204] {strides = array<i32>} : memref<40x512xf32, #tpu.memory_space<vmem>>, vector<1x16xf32>,
        %get3A_206 = vector.shape_cast %get3A_205 : vector<1x16xf32> to vector<16xf32>
        %abs3A_207 = math.absf %get3A_206 : vector<16xf32>
        %neg3A_208 = arith.constant 0.000000e+00 : f32
        %neg3A_209 = vector.broadcast %neg3A_208 : f32 to vector<16xf32>
        %neg3A_210 = arith.subf %neg3A_209, %abs3A_207 : vector<16xf32>
        %exp3A_211 = math.exp %neg3A_210 : vector<16xf32>
        %mul3A_212 = arith.constant 0.106684305 : f32
        %mul3A_213 = vector.broadcast %mul3A_212 : f32 to vector<16xf32>
        %mul3A_214 = arith.mulf %mul3A_213, %exp3A_211 : vector<16xf32>
        %add3A_215 = arith.constant -0.393534571 : f32
        %add3A_216 = vector.broadcast %add3A_215 : f32 to vector<16xf32>
        %add3A_217 = arith.addf %mul3A_214, %add3A_216 : vector<16xf32>
        %mul3A_218 = arith.mulf %add3A_217, %exp3A_211 : vector<16xf32>
        %add3A_219 = arith.constant 0.97975254 : f32
        %add3A_220 = vector.broadcast %add3A_219 : f32 to vector<16xf32>
        %add3A_221 = arith.addf %mul3A_218, %add3A_220 : vector<16xf32>
        %max3A_222 = arith.constant 0.000000e+00 : f32
        %max3A_223 = vector.broadcast %max3A_222 : f32 to vector<16xf32>
        %max3A_224 = arith.maximumf %get3A_206, %max3A_223 : vector<16xf32>
        %mul3A_225 = arith.mulf %add3A_221, %exp3A_211 : vector<16xf32>
        %add3A_226 = arith.addf %max3A_224, %mul3A_225 : vector<16xf32>
        %add3A_227 = arith.addf %add3A_198, %add3A_226 : vector<16xf32>
        %scan3A_228 = arith.constant 5 : i32
        %scan3A_229 = arith.addi %scan3A_88, %scan3A_228 : i32
        %mul3A_230 = arith.constant 16 : i32
        %mul3A_231 = arith.muli %scan3A_229, %mul3A_230 : i32
        %get3A_232 = arith.index_cast %scan3A_80 : i32 to index
        %get3A_233 = arith.index_cast %mul3A_231 : i32 to index
        %get3A_234 = tpu.vector_load %arg4[%get3A_232, %get3A_233] {strides = array<i32>} : memref<40x512xf32, #tpu.memory_space<vmem>>, vector<1x16xf32>,
        %get3A_235 = vector.shape_cast %get3A_234 : vector<1x16xf32> to vector<16xf32>
        %abs3A_236 = math.absf %get3A_235 : vector<16xf32>
        %neg3A_237 = arith.constant 0.000000e+00 : f32
        %neg3A_238 = vector.broadcast %neg3A_237 : f32 to vector<16xf32>
        %neg3A_239 = arith.subf %neg3A_238, %abs3A_236 : vector<16xf32>
        %exp3A_240 = math.exp %neg3A_239 : vector<16xf32>
        %mul3A_241 = arith.constant 0.106684305 : f32
        %mul3A_242 = vector.broadcast %mul3A_241 : f32 to vector<16xf32>
        %mul3A_243 = arith.mulf %mul3A_242, %exp3A_240 : vector<16xf32>
        %add3A_244 = arith.constant -0.393534571 : f32
        %add3A_245 = vector.broadcast %add3A_244 : f32 to vector<16xf32>
        %add3A_246 = arith.addf %mul3A_243, %add3A_245 : vector<16xf32>
        %mul3A_247 = arith.mulf %add3A_246, %exp3A_240 : vector<16xf32>
        %add3A_248 = arith.constant 0.97975254 : f32
        %add3A_249 = vector.broadcast %add3A_248 : f32 to vector<16xf32>
        %add3A_250 = arith.addf %mul3A_247, %add3A_249 : vector<16xf32>
        %max3A_251 = arith.constant 0.000000e+00 : f32
        %max3A_252 = vector.broadcast %max3A_251 : f32 to vector<16xf32>
        %max3A_253 = arith.maximumf %get3A_235, %max3A_252 : vector<16xf32>
        %mul3A_254 = arith.mulf %add3A_250, %exp3A_240 : vector<16xf32>
        %add3A_255 = arith.addf %max3A_253, %mul3A_254 : vector<16xf32>
        %add3A_256 = arith.addf %add3A_227, %add3A_255 : vector<16xf32>
        %scan3A_257 = arith.constant 6 : i32
        %scan3A_258 = arith.addi %scan3A_88, %scan3A_257 : i32
        %mul3A_259 = arith.constant 16 : i32
        %mul3A_260 = arith.muli %scan3A_258, %mul3A_259 : i32
        %get3A_261 = arith.index_cast %scan3A_80 : i32 to index
        %get3A_262 = arith.index_cast %mul3A_260 : i32 to index
        %get3A_263 = tpu.vector_load %arg4[%get3A_261, %get3A_262] {strides = array<i32>} : memref<40x512xf32, #tpu.memory_space<vmem>>, vector<1x16xf32>,
        %get3A_264 = vector.shape_cast %get3A_263 : vector<1x16xf32> to vector<16xf32>
        %abs3A_265 = math.absf %get3A_264 : vector<16xf32>
        %neg3A_266 = arith.constant 0.000000e+00 : f32
        %neg3A_267 = vector.broadcast %neg3A_266 : f32 to vector<16xf32>
        %neg3A_268 = arith.subf %neg3A_267, %abs3A_265 : vector<16xf32>
        %exp3A_269 = math.exp %neg3A_268 : vector<16xf32>
        %mul3A_270 = arith.constant 0.106684305 : f32
        %mul3A_271 = vector.broadcast %mul3A_270 : f32 to vector<16xf32>
        %mul3A_272 = arith.mulf %mul3A_271, %exp3A_269 : vector<16xf32>
        %add3A_273 = arith.constant -0.393534571 : f32
        %add3A_274 = vector.broadcast %add3A_273 : f32 to vector<16xf32>
        %add3A_275 = arith.addf %mul3A_272, %add3A_274 : vector<16xf32>
        %mul3A_276 = arith.mulf %add3A_275, %exp3A_269 : vector<16xf32>
        %add3A_277 = arith.constant 0.97975254 : f32
        %add3A_278 = vector.broadcast %add3A_277 : f32 to vector<16xf32>
        %add3A_279 = arith.addf %mul3A_276, %add3A_278 : vector<16xf32>
        %max3A_280 = arith.constant 0.000000e+00 : f32
        %max3A_281 = vector.broadcast %max3A_280 : f32 to vector<16xf32>
        %max3A_282 = arith.maximumf %get3A_264, %max3A_281 : vector<16xf32>
        %mul3A_283 = arith.mulf %add3A_279, %exp3A_269 : vector<16xf32>
        %add3A_284 = arith.addf %max3A_282, %mul3A_283 : vector<16xf32>
        %add3A_285 = arith.addf %add3A_256, %add3A_284 : vector<16xf32>
        %scan3A_286 = arith.constant 7 : i32
        %scan3A_287 = arith.addi %scan3A_88, %scan3A_286 : i32
        %mul3A_288 = arith.constant 16 : i32
        %mul3A_289 = arith.muli %scan3A_287, %mul3A_288 : i32
        %get3A_290 = arith.index_cast %scan3A_80 : i32 to index
        %get3A_291 = arith.index_cast %mul3A_289 : i32 to index
        %get3A_292 = tpu.vector_load %arg4[%get3A_290, %get3A_291] {strides = array<i32>} : memref<40x512xf32, #tpu.memory_space<vmem>>, vector<1x16xf32>,
        %get3A_293 = vector.shape_cast %get3A_292 : vector<1x16xf32> to vector<16xf32>
        %abs3A_294 = math.absf %get3A_293 : vector<16xf32>
        %neg3A_295 = arith.constant 0.000000e+00 : f32
        %neg3A_296 = vector.broadcast %neg3A_295 : f32 to vector<16xf32>
        %neg3A_297 = arith.subf %neg3A_296, %abs3A_294 : vector<16xf32>
        %exp3A_298 = math.exp %neg3A_297 : vector<16xf32>
        %mul3A_299 = arith.constant 0.106684305 : f32
        %mul3A_300 = vector.broadcast %mul3A_299 : f32 to vector<16xf32>
        %mul3A_301 = arith.mulf %mul3A_300, %exp3A_298 : vector<16xf32>
        %add3A_302 = arith.constant -0.393534571 : f32
        %add3A_303 = vector.broadcast %add3A_302 : f32 to vector<16xf32>
        %add3A_304 = arith.addf %mul3A_301, %add3A_303 : vector<16xf32>
        %mul3A_305 = arith.mulf %add3A_304, %exp3A_298 : vector<16xf32>
        %add3A_306 = arith.constant 0.97975254 : f32
        %add3A_307 = vector.broadcast %add3A_306 : f32 to vector<16xf32>
        %add3A_308 = arith.addf %mul3A_305, %add3A_307 : vector<16xf32>
        %max3A_309 = arith.constant 0.000000e+00 : f32
        %max3A_310 = vector.broadcast %max3A_309 : f32 to vector<16xf32>
        %max3A_311 = arith.maximumf %get3A_293, %max3A_310 : vector<16xf32>
        %mul3A_312 = arith.mulf %add3A_308, %exp3A_298 : vector<16xf32>
        %add3A_313 = arith.addf %max3A_311, %mul3A_312 : vector<16xf32>
        %add3A_314 = arith.addf %add3A_285, %add3A_313 : vector<16xf32>
        scf.yield %add3A_314 : vector<16xf32>
      }
      %scan3A_87 = arith.constant 32 : i32
      scf.yield %scan3A_86 : vector<16xf32>
    }
    %scan3A_61 = arith.constant 40 : i32
    %dma_wait3A_62 = arith.constant 0 : i32
    %dma_wait3A_63 = arith.constant 0 : i32
    %dma_wait3A_64 = tpu.memref_slice %arg2[%select_n3A, %dma_wait3A_62, %add3A_43, %dma_wait3A_63] : memref<8x1x512x512xf32, #tpu.memory_space<hbm>> -> memref<1x1x40x512xf32, #tpu.memory_space<hbm>>
    %dma_wait3A_65 = tpu.memref_squeeze %dma_wait3A_64 : memref<1x1x40x512xf32, #tpu.memory_space<hbm>> -> memref<40x512xf32, #tpu.memory_space<hbm>>
    %dma_wait3A_66 = arith.constant 0 : i32
    %dma_wait3A_67 = tpu.memref_slice %arg2[%select_n3A, %dma_wait3A_62, %add3A_43, %dma_wait3A_66] : memref<8x1x512x512xf32, #tpu.memory_space<hbm>> -> memref<1x1x40x512xf32, #tpu.memory_space<hbm>>
    %dma_wait3A_68 = tpu.memref_squeeze %dma_wait3A_67 : memref<1x1x40x512xf32, #tpu.memory_space<hbm>> -> memref<40x512xf32, #tpu.memory_space<hbm>>
    tpu.wait_dma2 semaphore(%arg8 : memref<!tpu.dma_semaphore, #tpu.memory_space<semaphore_mem>>) src(%dma_wait3A_68 : memref<40x512xf32, #tpu.memory_space<hbm>>) dst(%arg5 : memref<40x512xf32, #tpu.memory_space<vmem>>)
    %scan3A_69 = arith.constant 0 : i32
    %scan3A_70 = arith.constant 40 : i32
    %scan3A_71 = arith.addi %scan3A_69, %scan3A_70 : i32
    %scan3A_72 = arith.constant 1 : i32
    %scan3A_73 = scf.for %scan3A_80 = %scan3A_69 to %scan3A_71 step %scan3A_72 iter_args(%scan3A_81 = %scan3A_60) -> (vector<16xf32>)  : i32 {
      %scan3A_82 = arith.constant 0 : i32
      %scan3A_83 = arith.constant 32 : i32
      %scan3A_84 = arith.addi %scan3A_82, %scan3A_83 : i32
      %scan3A_85 = arith.constant 8 : i32
      %scan3A_86 = scf.for %scan3A_88 = %scan3A_82 to %scan3A_84 step %scan3A_85 iter_args(%scan3A_89 = %scan3A_81) -> (vector<16xf32>)  : i32 {
        %mul3A_90 = arith.constant 16 : i32
        %mul3A_91 = arith.muli %scan3A_88, %mul3A_90 : i32
        %get3A = arith.index_cast %scan3A_80 : i32 to index
        %get3A_92 = arith.index_cast %mul3A_91 : i32 to index
        %get3A_93 = tpu.vector_load %arg5[%get3A, %get3A_92] {strides = array<i32>} : memref<40x512xf32, #tpu.memory_space<vmem>>, vector<1x16xf32>,
        %get3A_94 = vector.shape_cast %get3A_93 : vector<1x16xf32> to vector<16xf32>
        %abs3A = math.absf %get3A_94 : vector<16xf32>
        %neg3A = arith.constant 0.000000e+00 : f32
        %neg3A_95 = vector.broadcast %neg3A : f32 to vector<16xf32>
        %neg3A_96 = arith.subf %neg3A_95, %abs3A : vector<16xf32>
        %exp3A = math.exp %neg3A_96 : vector<16xf32>
        %mul3A_97 = arith.constant 0.106684305 : f32
        %mul3A_98 = vector.broadcast %mul3A_97 : f32 to vector<16xf32>
        %mul3A_99 = arith.mulf %mul3A_98, %exp3A : vector<16xf32>
        %add3A_100 = arith.constant -0.393534571 : f32
        %add3A_101 = vector.broadcast %add3A_100 : f32 to vector<16xf32>
        %add3A_102 = arith.addf %mul3A_99, %add3A_101 : vector<16xf32>
        %mul3A_103 = arith.mulf %add3A_102, %exp3A : vector<16xf32>
        %add3A_104 = arith.constant 0.97975254 : f32
        %add3A_105 = vector.broadcast %add3A_104 : f32 to vector<16xf32>
        %add3A_106 = arith.addf %mul3A_103, %add3A_105 : vector<16xf32>
        %max3A = arith.constant 0.000000e+00 : f32
        %max3A_107 = vector.broadcast %max3A : f32 to vector<16xf32>
        %max3A_108 = arith.maximumf %get3A_94, %max3A_107 : vector<16xf32>
        %mul3A_109 = arith.mulf %add3A_106, %exp3A : vector<16xf32>
        %add3A_110 = arith.addf %max3A_108, %mul3A_109 : vector<16xf32>
        %add3A_111 = arith.addf %scan3A_89, %add3A_110 : vector<16xf32>
        %scan3A_112 = arith.constant 1 : i32
        %scan3A_113 = arith.addi %scan3A_88, %scan3A_112 : i32
        %mul3A_114 = arith.constant 16 : i32
        %mul3A_115 = arith.muli %scan3A_113, %mul3A_114 : i32
        %get3A_116 = arith.index_cast %scan3A_80 : i32 to index
        %get3A_117 = arith.index_cast %mul3A_115 : i32 to index
        %get3A_118 = tpu.vector_load %arg5[%get3A_116, %get3A_117] {strides = array<i32>} : memref<40x512xf32, #tpu.memory_space<vmem>>, vector<1x16xf32>,
        %get3A_119 = vector.shape_cast %get3A_118 : vector<1x16xf32> to vector<16xf32>
        %abs3A_120 = math.absf %get3A_119 : vector<16xf32>
        %neg3A_121 = arith.constant 0.000000e+00 : f32
        %neg3A_122 = vector.broadcast %neg3A_121 : f32 to vector<16xf32>
        %neg3A_123 = arith.subf %neg3A_122, %abs3A_120 : vector<16xf32>
        %exp3A_124 = math.exp %neg3A_123 : vector<16xf32>
        %mul3A_125 = arith.constant 0.106684305 : f32
        %mul3A_126 = vector.broadcast %mul3A_125 : f32 to vector<16xf32>
        %mul3A_127 = arith.mulf %mul3A_126, %exp3A_124 : vector<16xf32>
        %add3A_128 = arith.constant -0.393534571 : f32
        %add3A_129 = vector.broadcast %add3A_128 : f32 to vector<16xf32>
        %add3A_130 = arith.addf %mul3A_127, %add3A_129 : vector<16xf32>
        %mul3A_131 = arith.mulf %add3A_130, %exp3A_124 : vector<16xf32>
        %add3A_132 = arith.constant 0.97975254 : f32
        %add3A_133 = vector.broadcast %add3A_132 : f32 to vector<16xf32>
        %add3A_134 = arith.addf %mul3A_131, %add3A_133 : vector<16xf32>
        %max3A_135 = arith.constant 0.000000e+00 : f32
        %max3A_136 = vector.broadcast %max3A_135 : f32 to vector<16xf32>
        %max3A_137 = arith.maximumf %get3A_119, %max3A_136 : vector<16xf32>
        %mul3A_138 = arith.mulf %add3A_134, %exp3A_124 : vector<16xf32>
        %add3A_139 = arith.addf %max3A_137, %mul3A_138 : vector<16xf32>
        %add3A_140 = arith.addf %add3A_111, %add3A_139 : vector<16xf32>
        %scan3A_141 = arith.constant 2 : i32
        %scan3A_142 = arith.addi %scan3A_88, %scan3A_141 : i32
        %mul3A_143 = arith.constant 16 : i32
        %mul3A_144 = arith.muli %scan3A_142, %mul3A_143 : i32
        %get3A_145 = arith.index_cast %scan3A_80 : i32 to index
        %get3A_146 = arith.index_cast %mul3A_144 : i32 to index
        %get3A_147 = tpu.vector_load %arg5[%get3A_145, %get3A_146] {strides = array<i32>} : memref<40x512xf32, #tpu.memory_space<vmem>>, vector<1x16xf32>,
        %get3A_148 = vector.shape_cast %get3A_147 : vector<1x16xf32> to vector<16xf32>
        %abs3A_149 = math.absf %get3A_148 : vector<16xf32>
        %neg3A_150 = arith.constant 0.000000e+00 : f32
        %neg3A_151 = vector.broadcast %neg3A_150 : f32 to vector<16xf32>
        %neg3A_152 = arith.subf %neg3A_151, %abs3A_149 : vector<16xf32>
        %exp3A_153 = math.exp %neg3A_152 : vector<16xf32>
        %mul3A_154 = arith.constant 0.106684305 : f32
        %mul3A_155 = vector.broadcast %mul3A_154 : f32 to vector<16xf32>
        %mul3A_156 = arith.mulf %mul3A_155, %exp3A_153 : vector<16xf32>
        %add3A_157 = arith.constant -0.393534571 : f32
        %add3A_158 = vector.broadcast %add3A_157 : f32 to vector<16xf32>
        %add3A_159 = arith.addf %mul3A_156, %add3A_158 : vector<16xf32>
        %mul3A_160 = arith.mulf %add3A_159, %exp3A_153 : vector<16xf32>
        %add3A_161 = arith.constant 0.97975254 : f32
        %add3A_162 = vector.broadcast %add3A_161 : f32 to vector<16xf32>
        %add3A_163 = arith.addf %mul3A_160, %add3A_162 : vector<16xf32>
        %max3A_164 = arith.constant 0.000000e+00 : f32
        %max3A_165 = vector.broadcast %max3A_164 : f32 to vector<16xf32>
        %max3A_166 = arith.maximumf %get3A_148, %max3A_165 : vector<16xf32>
        %mul3A_167 = arith.mulf %add3A_163, %exp3A_153 : vector<16xf32>
        %add3A_168 = arith.addf %max3A_166, %mul3A_167 : vector<16xf32>
        %add3A_169 = arith.addf %add3A_140, %add3A_168 : vector<16xf32>
        %scan3A_170 = arith.constant 3 : i32
        %scan3A_171 = arith.addi %scan3A_88, %scan3A_170 : i32
        %mul3A_172 = arith.constant 16 : i32
        %mul3A_173 = arith.muli %scan3A_171, %mul3A_172 : i32
        %get3A_174 = arith.index_cast %scan3A_80 : i32 to index
        %get3A_175 = arith.index_cast %mul3A_173 : i32 to index
        %get3A_176 = tpu.vector_load %arg5[%get3A_174, %get3A_175] {strides = array<i32>} : memref<40x512xf32, #tpu.memory_space<vmem>>, vector<1x16xf32>,
        %get3A_177 = vector.shape_cast %get3A_176 : vector<1x16xf32> to vector<16xf32>
        %abs3A_178 = math.absf %get3A_177 : vector<16xf32>
        %neg3A_179 = arith.constant 0.000000e+00 : f32
        %neg3A_180 = vector.broadcast %neg3A_179 : f32 to vector<16xf32>
        %neg3A_181 = arith.subf %neg3A_180, %abs3A_178 : vector<16xf32>
        %exp3A_182 = math.exp %neg3A_181 : vector<16xf32>
        %mul3A_183 = arith.constant 0.106684305 : f32
        %mul3A_184 = vector.broadcast %mul3A_183 : f32 to vector<16xf32>
        %mul3A_185 = arith.mulf %mul3A_184, %exp3A_182 : vector<16xf32>
        %add3A_186 = arith.constant -0.393534571 : f32
        %add3A_187 = vector.broadcast %add3A_186 : f32 to vector<16xf32>
        %add3A_188 = arith.addf %mul3A_185, %add3A_187 : vector<16xf32>
        %mul3A_189 = arith.mulf %add3A_188, %exp3A_182 : vector<16xf32>
        %add3A_190 = arith.constant 0.97975254 : f32
        %add3A_191 = vector.broadcast %add3A_190 : f32 to vector<16xf32>
        %add3A_192 = arith.addf %mul3A_189, %add3A_191 : vector<16xf32>
        %max3A_193 = arith.constant 0.000000e+00 : f32
        %max3A_194 = vector.broadcast %max3A_193 : f32 to vector<16xf32>
        %max3A_195 = arith.maximumf %get3A_177, %max3A_194 : vector<16xf32>
        %mul3A_196 = arith.mulf %add3A_192, %exp3A_182 : vector<16xf32>
        %add3A_197 = arith.addf %max3A_195, %mul3A_196 : vector<16xf32>
        %add3A_198 = arith.addf %add3A_169, %add3A_197 : vector<16xf32>
        %scan3A_199 = arith.constant 4 : i32
        %scan3A_200 = arith.addi %scan3A_88, %scan3A_199 : i32
        %mul3A_201 = arith.constant 16 : i32
        %mul3A_202 = arith.muli %scan3A_200, %mul3A_201 : i32
        %get3A_203 = arith.index_cast %scan3A_80 : i32 to index
        %get3A_204 = arith.index_cast %mul3A_202 : i32 to index
        %get3A_205 = tpu.vector_load %arg5[%get3A_203, %get3A_204] {strides = array<i32>} : memref<40x512xf32, #tpu.memory_space<vmem>>, vector<1x16xf32>,
        %get3A_206 = vector.shape_cast %get3A_205 : vector<1x16xf32> to vector<16xf32>
        %abs3A_207 = math.absf %get3A_206 : vector<16xf32>
        %neg3A_208 = arith.constant 0.000000e+00 : f32
        %neg3A_209 = vector.broadcast %neg3A_208 : f32 to vector<16xf32>
        %neg3A_210 = arith.subf %neg3A_209, %abs3A_207 : vector<16xf32>
        %exp3A_211 = math.exp %neg3A_210 : vector<16xf32>
        %mul3A_212 = arith.constant 0.106684305 : f32
        %mul3A_213 = vector.broadcast %mul3A_212 : f32 to vector<16xf32>
        %mul3A_214 = arith.mulf %mul3A_213, %exp3A_211 : vector<16xf32>
        %add3A_215 = arith.constant -0.393534571 : f32
        %add3A_216 = vector.broadcast %add3A_215 : f32 to vector<16xf32>
        %add3A_217 = arith.addf %mul3A_214, %add3A_216 : vector<16xf32>
        %mul3A_218 = arith.mulf %add3A_217, %exp3A_211 : vector<16xf32>
        %add3A_219 = arith.constant 0.97975254 : f32
        %add3A_220 = vector.broadcast %add3A_219 : f32 to vector<16xf32>
        %add3A_221 = arith.addf %mul3A_218, %add3A_220 : vector<16xf32>
        %max3A_222 = arith.constant 0.000000e+00 : f32
        %max3A_223 = vector.broadcast %max3A_222 : f32 to vector<16xf32>
        %max3A_224 = arith.maximumf %get3A_206, %max3A_223 : vector<16xf32>
        %mul3A_225 = arith.mulf %add3A_221, %exp3A_211 : vector<16xf32>
        %add3A_226 = arith.addf %max3A_224, %mul3A_225 : vector<16xf32>
        %add3A_227 = arith.addf %add3A_198, %add3A_226 : vector<16xf32>
        %scan3A_228 = arith.constant 5 : i32
        %scan3A_229 = arith.addi %scan3A_88, %scan3A_228 : i32
        %mul3A_230 = arith.constant 16 : i32
        %mul3A_231 = arith.muli %scan3A_229, %mul3A_230 : i32
        %get3A_232 = arith.index_cast %scan3A_80 : i32 to index
        %get3A_233 = arith.index_cast %mul3A_231 : i32 to index
        %get3A_234 = tpu.vector_load %arg5[%get3A_232, %get3A_233] {strides = array<i32>} : memref<40x512xf32, #tpu.memory_space<vmem>>, vector<1x16xf32>,
        %get3A_235 = vector.shape_cast %get3A_234 : vector<1x16xf32> to vector<16xf32>
        %abs3A_236 = math.absf %get3A_235 : vector<16xf32>
        %neg3A_237 = arith.constant 0.000000e+00 : f32
        %neg3A_238 = vector.broadcast %neg3A_237 : f32 to vector<16xf32>
        %neg3A_239 = arith.subf %neg3A_238, %abs3A_236 : vector<16xf32>
        %exp3A_240 = math.exp %neg3A_239 : vector<16xf32>
        %mul3A_241 = arith.constant 0.106684305 : f32
        %mul3A_242 = vector.broadcast %mul3A_241 : f32 to vector<16xf32>
        %mul3A_243 = arith.mulf %mul3A_242, %exp3A_240 : vector<16xf32>
        %add3A_244 = arith.constant -0.393534571 : f32
        %add3A_245 = vector.broadcast %add3A_244 : f32 to vector<16xf32>
        %add3A_246 = arith.addf %mul3A_243, %add3A_245 : vector<16xf32>
        %mul3A_247 = arith.mulf %add3A_246, %exp3A_240 : vector<16xf32>
        %add3A_248 = arith.constant 0.97975254 : f32
        %add3A_249 = vector.broadcast %add3A_248 : f32 to vector<16xf32>
        %add3A_250 = arith.addf %mul3A_247, %add3A_249 : vector<16xf32>
        %max3A_251 = arith.constant 0.000000e+00 : f32
        %max3A_252 = vector.broadcast %max3A_251 : f32 to vector<16xf32>
        %max3A_253 = arith.maximumf %get3A_235, %max3A_252 : vector<16xf32>
        %mul3A_254 = arith.mulf %add3A_250, %exp3A_240 : vector<16xf32>
        %add3A_255 = arith.addf %max3A_253, %mul3A_254 : vector<16xf32>
        %add3A_256 = arith.addf %add3A_227, %add3A_255 : vector<16xf32>
        %scan3A_257 = arith.constant 6 : i32
        %scan3A_258 = arith.addi %scan3A_88, %scan3A_257 : i32
        %mul3A_259 = arith.constant 16 : i32
        %mul3A_260 = arith.muli %scan3A_258, %mul3A_259 : i32
        %get3A_261 = arith.index_cast %scan3A_80 : i32 to index
        %get3A_262 = arith.index_cast %mul3A_260 : i32 to index
        %get3A_263 = tpu.vector_load %arg5[%get3A_261, %get3A_262] {strides = array<i32>} : memref<40x512xf32, #tpu.memory_space<vmem>>, vector<1x16xf32>,
        %get3A_264 = vector.shape_cast %get3A_263 : vector<1x16xf32> to vector<16xf32>
        %abs3A_265 = math.absf %get3A_264 : vector<16xf32>
        %neg3A_266 = arith.constant 0.000000e+00 : f32
        %neg3A_267 = vector.broadcast %neg3A_266 : f32 to vector<16xf32>
        %neg3A_268 = arith.subf %neg3A_267, %abs3A_265 : vector<16xf32>
        %exp3A_269 = math.exp %neg3A_268 : vector<16xf32>
        %mul3A_270 = arith.constant 0.106684305 : f32
        %mul3A_271 = vector.broadcast %mul3A_270 : f32 to vector<16xf32>
        %mul3A_272 = arith.mulf %mul3A_271, %exp3A_269 : vector<16xf32>
        %add3A_273 = arith.constant -0.393534571 : f32
        %add3A_274 = vector.broadcast %add3A_273 : f32 to vector<16xf32>
        %add3A_275 = arith.addf %mul3A_272, %add3A_274 : vector<16xf32>
        %mul3A_276 = arith.mulf %add3A_275, %exp3A_269 : vector<16xf32>
        %add3A_277 = arith.constant 0.97975254 : f32
        %add3A_278 = vector.broadcast %add3A_277 : f32 to vector<16xf32>
        %add3A_279 = arith.addf %mul3A_276, %add3A_278 : vector<16xf32>
        %max3A_280 = arith.constant 0.000000e+00 : f32
        %max3A_281 = vector.broadcast %max3A_280 : f32 to vector<16xf32>
        %max3A_282 = arith.maximumf %get3A_264, %max3A_281 : vector<16xf32>
        %mul3A_283 = arith.mulf %add3A_279, %exp3A_269 : vector<16xf32>
        %add3A_284 = arith.addf %max3A_282, %mul3A_283 : vector<16xf32>
        %add3A_285 = arith.addf %add3A_256, %add3A_284 : vector<16xf32>
        %scan3A_286 = arith.constant 7 : i32
        %scan3A_287 = arith.addi %scan3A_88, %scan3A_286 : i32
        %mul3A_288 = arith.constant 16 : i32
        %mul3A_289 = arith.muli %scan3A_287, %mul3A_288 : i32
        %get3A_290 = arith.index_cast %scan3A_80 : i32 to index
        %get3A_291 = arith.index_cast %mul3A_289 : i32 to index
        %get3A_292 = tpu.vector_load %arg5[%get3A_290, %get3A_291] {strides = array<i32>} : memref<40x512xf32, #tpu.memory_space<vmem>>, vector<1x16xf32>,
        %get3A_293 = vector.shape_cast %get3A_292 : vector<1x16xf32> to vector<16xf32>
        %abs3A_294 = math.absf %get3A_293 : vector<16xf32>
        %neg3A_295 = arith.constant 0.000000e+00 : f32
        %neg3A_296 = vector.broadcast %neg3A_295 : f32 to vector<16xf32>
        %neg3A_297 = arith.subf %neg3A_296, %abs3A_294 : vector<16xf32>
        %exp3A_298 = math.exp %neg3A_297 : vector<16xf32>
        %mul3A_299 = arith.constant 0.106684305 : f32
        %mul3A_300 = vector.broadcast %mul3A_299 : f32 to vector<16xf32>
        %mul3A_301 = arith.mulf %mul3A_300, %exp3A_298 : vector<16xf32>
        %add3A_302 = arith.constant -0.393534571 : f32
        %add3A_303 = vector.broadcast %add3A_302 : f32 to vector<16xf32>
        %add3A_304 = arith.addf %mul3A_301, %add3A_303 : vector<16xf32>
        %mul3A_305 = arith.mulf %add3A_304, %exp3A_298 : vector<16xf32>
        %add3A_306 = arith.constant 0.97975254 : f32
        %add3A_307 = vector.broadcast %add3A_306 : f32 to vector<16xf32>
        %add3A_308 = arith.addf %mul3A_305, %add3A_307 : vector<16xf32>
        %max3A_309 = arith.constant 0.000000e+00 : f32
        %max3A_310 = vector.broadcast %max3A_309 : f32 to vector<16xf32>
        %max3A_311 = arith.maximumf %get3A_293, %max3A_310 : vector<16xf32>
        %mul3A_312 = arith.mulf %add3A_308, %exp3A_298 : vector<16xf32>
        %add3A_313 = arith.addf %max3A_311, %mul3A_312 : vector<16xf32>
        %add3A_314 = arith.addf %add3A_285, %add3A_313 : vector<16xf32>
        scf.yield %add3A_314 : vector<16xf32>
      }
      %scan3A_87 = arith.constant 32 : i32
      scf.yield %scan3A_86 : vector<16xf32>
    }
    %scan3A_74 = arith.constant 40 : i32
    %swap3A = arith.constant 0 : i32
    %swap3A_75 = arith.index_cast %swap3A : i32 to index
    %swap3A_76 = arith.constant 0 : index
    %swap3A_77 = tpu.vector_load %arg6[%swap3A_75, %swap3A_76] {strides = array<i32>} : memref<1x16xf32, #tpu.memory_space<vmem>>, vector<1x16xf32>,
    %swap3A_78 = vector.shape_cast %swap3A_77 : vector<1x16xf32> to vector<16xf32>
    %swap3A_79 = vector.shape_cast %scan3A_73 : vector<16xf32> to vector<1x16xf32>
    tpu.vector_store %arg6[%swap3A_75, %swap3A_76], %swap3A_79 {strides = array<i32>} : memref<1x16xf32, #tpu.memory_space<vmem>>, vector<1x16xf32>,
    "tpu.region"() ({
      %run_scoped3A = tpu.sem_alloc : memref<!tpu.dma_semaphore, #tpu.memory_space<semaphore_mem>>
      %dma_start3A_80 = arith.constant 0 : i32
      %dma_start3A_81 = arith.constant 0 : i32
      %dma_start3A_82 = tpu.memref_slice %arg3[%add3A, %dma_start3A_80, %dma_start3A_81] : memref<32x1x16xf32, #tpu.memory_space<hbm>> -> memref<1x1x16xf32, #tpu.memory_space<hbm>>
      %dma_start3A_83 = tpu.memref_squeeze %dma_start3A_82 : memref<1x1x16xf32, #tpu.memory_space<hbm>> -> memref<1x16xf32, #tpu.memory_space<hbm>>
      %dma_start3A_84 = arith.constant 0 : i32
      %dma_start3A_85 = arith.constant 0 : i32
      %dma_start3A_86 = tpu.memref_slice %arg3[%add3A, %dma_start3A_84, %dma_start3A_85] : memref<32x1x16xf32, #tpu.memory_space<hbm>> -> memref<1x1x16xf32, #tpu.memory_space<hbm>>
      %dma_start3A_87 = tpu.memref_squeeze %dma_start3A_86 : memref<1x1x16xf32, #tpu.memory_space<hbm>> -> memref<1x16xf32, #tpu.memory_space<hbm>>
      tpu.enqueue_dma source(%arg6 : memref<1x16xf32, #tpu.memory_space<vmem>>) target(%dma_start3A_87 : memref<1x16xf32, #tpu.memory_space<hbm>>) target_semaphore(%run_scoped3A : memref<!tpu.dma_semaphore, #tpu.memory_space<semaphore_mem>>)
      %dma_wait3A_88 = arith.constant 0 : i32
      %dma_wait3A_89 = arith.constant 0 : i32
      %dma_wait3A_90 = tpu.memref_slice %arg3[%add3A, %dma_wait3A_88, %dma_wait3A_89] : memref<32x1x16xf32, #tpu.memory_space<hbm>> -> memref<1x1x16xf32, #tpu.memory_space<hbm>>
      %dma_wait3A_91 = tpu.memref_squeeze %dma_wait3A_90 : memref<1x1x16xf32, #tpu.memory_space<hbm>> -> memref<1x16xf32, #tpu.memory_space<hbm>>
      %dma_wait3A_92 = arith.constant 0 : i32
      %dma_wait3A_93 = arith.constant 0 : i32
      %dma_wait3A_94 = tpu.memref_slice %arg3[%add3A, %dma_wait3A_92, %dma_wait3A_93] : memref<32x1x16xf32, #tpu.memory_space<hbm>> -> memref<1x1x16xf32, #tpu.memory_space<hbm>>
      %dma_wait3A_95 = tpu.memref_squeeze %dma_wait3A_94 : memref<1x1x16xf32, #tpu.memory_space<hbm>> -> memref<1x16xf32, #tpu.memory_space<hbm>>
      tpu.wait_dma2 semaphore(%run_scoped3A : memref<!tpu.dma_semaphore, #tpu.memory_space<semaphore_mem>>) src(%arg6 : memref<1x16xf32, #tpu.memory_space<vmem>>) dst(%dma_wait3A_95 : memref<1x16xf32, #tpu.memory_space<hbm>>)
      tpu.yield
    }) : () -> ()
    return
  }
}

module attributes {stable_mosaic.version = 14 : i64} {
  func.func @_tc_part_body(%arg0: i32, %arg1: memref<1x1x512x512xf32, #tpu.memory_space<vmem>>, %arg2: memref<1x1x512x512xf32, #tpu.memory_space<vmem>>, %arg3: memref<1x3x128xf32, #tpu.memory_space<vmem>>) attributes {dimension_semantics = [#tpu.dimension_semantics<arbitrary>], iteration_bounds = array<i64: 8>, scalar_prefetch = 0 : i64, scratch_operands = 0 : i64, tpu.core_type = #tpu.core_type<tc>, window_params = [{transform_indices = @transform_0, window_bounds = array<i64: 1, 1, 512, 512>}, {transform_indices = @transform_1, window_bounds = array<i64: 1, 1, 512, 512>}, {transform_indices = @transform_2, window_bounds = array<i64: 1, 3, 128>}]} {
    %get3A = arith.constant 0 : index
    %get3A_0 = arith.constant 0 : index
    %get3A_1 = arith.constant 0 : index
    %get3A_2 = arith.constant 0 : index
    %get3A_3 = vector.load %arg1[%get3A, %get3A_0, %get3A_1, %get3A_2] : memref<1x1x512x512xf32, #tpu.memory_space<vmem>>, vector<1x1x512x512xf32>
    %get3A_4 = vector.shape_cast %get3A_3 : vector<1x1x512x512xf32> to vector<512x512xf32>
    %get3A_5 = arith.constant 0 : index
    %get3A_6 = arith.constant 0 : index
    %get3A_7 = arith.constant 0 : index
    %get3A_8 = arith.constant 0 : index
    %get3A_9 = vector.load %arg2[%get3A_5, %get3A_6, %get3A_7, %get3A_8] : memref<1x1x512x512xf32, #tpu.memory_space<vmem>>, vector<1x1x512x512xf32>
    %get3A_10 = vector.shape_cast %get3A_9 : vector<1x1x512x512xf32> to vector<512x512xf32>
    %reduce_sum3A = vector.shape_cast %get3A_10 : vector<512x512xf32> to vector<1x512x512xf32>
    %reduce_sum3A_11 = arith.constant dense<0.000000e+00> : vector<1xf32>
    %reduce_sum3A_12 = vector.multi_reduction <add>, %reduce_sum3A, %reduce_sum3A_11 [1, 2] : vector<1x512x512xf32> to vector<1xf32>
    %reduce_sum3A_13 = vector.shape_cast %reduce_sum3A_12 : vector<1xf32> to vector<1x1x1xf32>
    %reduce_sum3A_14 = vector.extract %reduce_sum3A_13[0, 0, 0] : f32 from vector<1x1x1xf32>
    %mul3A = arith.mulf %get3A_4, %get3A_10 : vector<512x512xf32>
    %reduce_sum3A_15 = vector.shape_cast %mul3A : vector<512x512xf32> to vector<1x512x512xf32>
    %reduce_sum3A_16 = arith.constant dense<0.000000e+00> : vector<1xf32>
    %reduce_sum3A_17 = vector.multi_reduction <add>, %reduce_sum3A_15, %reduce_sum3A_16 [1, 2] : vector<1x512x512xf32> to vector<1xf32>
    %reduce_sum3A_18 = vector.shape_cast %reduce_sum3A_17 : vector<1xf32> to vector<1x1x1xf32>
    %reduce_sum3A_19 = vector.extract %reduce_sum3A_18[0, 0, 0] : f32 from vector<1x1x1xf32>
    %slice3A = vector.extract_strided_slice %get3A_4 {offsets = [320, 0], sizes = [192, 512], strides = [1, 1]} : vector<512x512xf32> to vector<192x512xf32>
    %max3A = arith.constant 0.000000e+00 : f32
    %max3A_20 = vector.broadcast %max3A : f32 to vector<192x512xf32>
    %max3A_21 = arith.maximumf %slice3A, %max3A_20 : vector<192x512xf32>
    %abs3A = math.absf %slice3A : vector<192x512xf32>
    %neg3A = arith.constant 0.000000e+00 : f32
    %neg3A_22 = vector.broadcast %neg3A : f32 to vector<192x512xf32>
    %neg3A_23 = arith.subf %neg3A_22, %abs3A : vector<192x512xf32>
    %exp3A = math.exp %neg3A_23 : vector<192x512xf32>
    %log1p3A = math.log1p %exp3A : vector<192x512xf32>
    %add3A = arith.addf %max3A_21, %log1p3A : vector<192x512xf32>
    %reduce_sum3A_24 = vector.shape_cast %add3A : vector<192x512xf32> to vector<1x192x512xf32>
    %reduce_sum3A_25 = arith.constant dense<0.000000e+00> : vector<1xf32>
    %reduce_sum3A_26 = vector.multi_reduction <add>, %reduce_sum3A_24, %reduce_sum3A_25 [1, 2] : vector<1x192x512xf32> to vector<1xf32>
    %reduce_sum3A_27 = vector.shape_cast %reduce_sum3A_26 : vector<1xf32> to vector<1x1x1xf32>
    %reduce_sum3A_28 = vector.extract %reduce_sum3A_27[0, 0, 0] : f32 from vector<1x1x1xf32>
    %broadcast_in_dim3A = vector.broadcast %reduce_sum3A_14 : f32 to vector<128xf32>
    %broadcast_in_dim3A_29 = vector.broadcast %reduce_sum3A_19 : f32 to vector<128xf32>
    %broadcast_in_dim3A_30 = vector.broadcast %reduce_sum3A_28 : f32 to vector<128xf32>
    %stack3A = vector.shape_cast %broadcast_in_dim3A : vector<128xf32> to vector<1x128xf32>
    %stack3A_31 = vector.shape_cast %broadcast_in_dim3A_29 : vector<128xf32> to vector<1x128xf32>
    %stack3A_32 = vector.shape_cast %broadcast_in_dim3A_30 : vector<128xf32> to vector<1x128xf32>
    %stack3A_33 = tpu.concatenate %stack3A, %stack3A_31, %stack3A_32 in 0 : vector<1x128xf32>, vector<1x128xf32>, vector<1x128xf32> -> vector<3x128xf32>
    %swap3A = arith.constant 0 : index
    %swap3A_34 = arith.constant 0 : index
    %swap3A_35 = arith.constant 0 : index
    %swap3A_36 = vector.load %arg3[%swap3A, %swap3A_34, %swap3A_35] : memref<1x3x128xf32, #tpu.memory_space<vmem>>, vector<1x3x128xf32>
    %swap3A_37 = vector.shape_cast %swap3A_36 : vector<1x3x128xf32> to vector<3x128xf32>
    %swap3A_38 = vector.shape_cast %stack3A_33 : vector<3x128xf32> to vector<1x3x128xf32>
    tpu.vector_store %arg3[%swap3A, %swap3A_34, %swap3A_35], %swap3A_38 {strides = array<i32>} : memref<1x3x128xf32, #tpu.memory_space<vmem>>, vector<1x3x128xf32>,
    return
  }
  func.func @transform_0(%arg0: i32) -> (i32, i32, i32, i32) {
    %c0_i32 = arith.constant 0 : i32
    %c0_i32_0 = arith.constant 0 : i32
    %c0_i32_1 = arith.constant 0 : i32
    %c0_i32_2 = arith.constant 0 : i32
    return %arg0, %c0_i32, %c0_i32_0, %c0_i32_1 : i32, i32, i32, i32
  }
  func.func @transform_1(%arg0: i32) -> (i32, i32, i32, i32) {
    %c0_i32 = arith.constant 0 : i32
    %c0_i32_0 = arith.constant 0 : i32
    %c0_i32_1 = arith.constant 0 : i32
    %c0_i32_2 = arith.constant 0 : i32
    return %arg0, %c0_i32, %c0_i32_0, %c0_i32_1 : i32, i32, i32, i32
  }
  func.func @transform_2(%arg0: i32) -> (i32, i32, i32) {
    %c0_i32 = arith.constant 0 : i32
    %c0_i32_0 = arith.constant 0 : i32
    %c0_i32_1 = arith.constant 0 : i32
    return %arg0, %c0_i32, %c0_i32_0 : i32, i32, i32
  }
}

</mosaic_0001>

<sc_bundles>
// kernel: branch_0_fun.3.cloned.1.call-start
scs
__scs_entry_jumppad:
0x0: {  	(pc) =	sbr.rel $0x88, $3  }
0x1: {  	(tag) =	ssettag $0x0;
	lr =	simm.s32 $0x1  }
0x2: {  	[smem:$0x3F9F] =	sst lr;
	_ =	strace $0xD0000000  }
0x3: {  	_ = 	snop  }
0x4: {  	_ = 	snop  }
0x5: {  	_ = 	snop  }
0x6: {  	_ = 	snop  }
0x7: {  	_ = 	snop  }
__scs_overlays_trampoline_lowered:
0x8: {  	[smem:$0x3FAE] =	sst s0  }
0x9: {  	[smem:$0x3FAF] =	sst s1  }
0xa: {  	[smem:$0x3FB0] =	sst s2  }
0xb: {  	[smem:$0x3FB1] =	sst s3  }
0xc: {  	[smem:$0x3FB2] =	sst s4  }
0xd: {  	[smem:$0x3FB3] =	sst s5  }
0xe: {  	[smem:$0x3FB4] =	sst s6  }
0xf: {  	[smem:$0x3FB5] =	sst s7  }
0x10: {  	[smem:$0x3FB6] =	sst s8  }
0x11: {  	[smem:$0x3FB7] =	sst s9;
	s0 =	simm.s32 @!p0 $0x0  }
0x12: {  	s1 =	sld [smem:$0x3F9D];
	s0 =	simm.s32 @p0 $0x1  }
0x13: {  	[smem:$0x3FB8] =	sst s0;
	s0 =	simm.s32 @!p1 $0x0  }
0x14: {  	s2 =	sld [smem:$0x3F9C];
	s0 =	simm.s32 @p1 $0x1  }
0x15: {  	[smem:$0x3FB9] =	sst s0;
	s0 =	simm.s32 @!p2 $0x0  }
0x16: {  	s3 =	sld [smem:$0x3FDB];
	s0 =	simm.s32 @p2 $0x1  }
0x17: {  	s4 =	simm.s32 $0x1BF5;
	[smem:$0x3FBB] =	sst s0  }
0x18: {  	s0 =	sld [smem:$0x3F9E];
	_ =	swait.ge [sflag:s4], $0x0  }
0x19: {  	s7 =	sld [smem:$0x3F9F]  }
0x1a: {  	s8 =	sadd.s32 $0xFFFFE003, lr  }
0x1b: {  	s9 =	sadd.s32 $0xFFFFFEF7, lr;
	s5 =	simm.s32 $0xFFFFFFFF;
	p2 =	slt.u32 s8, $0xFFFFF086  }
0x1c: {  	p1 =	slt.u32 s9, $0xF7A;
	s5 =	simm.s32 @!p2 $0x0  }
0x1d: {  	s5 =	simm.s32 @p1 $0x1;
	p0 =	seq.s32 s7, s2  }
0x1e: {  	s7 =	smul.u32 @!p0 $0xF7A, s2;
	p2 =	seq.s32 @!p0 s5, $0x0  }
0x1f: {  	s9 =	smul.u32 $0xF7A, s1;
	s8 =	simm.s32 @!p0 $0x1BF5;
	p2 =	por !p2, p0  }
0x20: {  	[sflag:s8] =	ssyncset.s32 @!p0 $0xFFFFF086;
	s6 =	sadd.s32 @!p0 s3, s7;
	s7 =	simm.s32 @!p0 $0x108  }
0x21: {  	s3 =	sadd.s32 s3, s9;
	s6 =	sadd.s32 @!p0 $0x88, s6;
	s7 =	simm.s32 @p2 $0x1082  }
0x22: {  	[simem:s7], [sflag:s8] =	dma.local @!p0 [hbm:s6], $0xF7A  }
0x23: {  	s9 =	sor.u32 $0xD0000000, s2;
	s6 =	simm.s32 $0x108;
	_ =	swait.ge @!p0 [sflag:s8], $0x0  }
0x24: {  	s3 =	sadd.s32 $0x88, s3;
	s6 =	simm.s32 @!p1 $0x1082;
	[sflag:s4] =	ssyncset.s32 $0xFFFFF086  }
0x25: {  	[simem:s6], [sflag:s4] =	dma.local [hbm:s3], $0xF7A  }
0x26: {  	[smem:$0x3F9F] =	sst s1;
	(tag) =	ssettag s2;
	_ =	strace s9  }
0x27: {  	s1 =	sld [smem:$0x3FAF]  }
0x28: {  	s2 =	sld [smem:$0x3FB0]  }
0x29: {  	s4 =	sld [smem:$0x3FB2]  }
0x2a: {  	p0 =	seq.s32 s5, $0x0;
	s5 =	sld [smem:$0x3FB3]  }
0x2b: {  	s6 =	sld [smem:$0x3FB4]  }
0x2c: {  	s7 =	sld [smem:$0x3FB5]  }
0x2d: {  	s3 =	simm.s32 $0x108;
	s8 =	sld [smem:$0x3FB6]  }
0x2e: {  	s3 =	simm.s32 @!p0 $0x1082;
	s9 =	sld [smem:$0x3FB7]  }
0x2f: {  	lr =	sadd.s32 s0, s3;
	s0 =	sld [smem:$0x3FAE]  }
0x30: {  	s3 =	sld [smem:$0x3FB1]  }
0x31: {  	[smem:$0x3FBA] =	sst s10  }
0x32: {  	s10 =	sld [smem:$0x3FB8];
	_ =	sdelay $0x3  }
0x33: {  	p0 =	seq.s32 s10, $0x1;
	s10 =	sld [smem:$0x3FBA];
	_ =	sdelay $0x3  }
0x34: {  	[smem:$0x3FBA] =	sst s10  }
0x35: {  	s10 =	sld [smem:$0x3FB9];
	_ =	sdelay $0x3  }
0x36: {  	p1 =	seq.s32 s10, $0x1;
	s10 =	sld [smem:$0x3FBA];
	_ =	sdelay $0x3  }
0x37: {  	[smem:$0x3FBA] =	sst s10  }
0x38: {  	s10 =	sld [smem:$0x3FBB]  }
0x39: {  	_ = 	snop;
	(pc) =	sbr.ind lr, $3  }
0x3a: {  	_ = 	snop  }
0x3b: {  	_ = 	snop  }
0x3c: {  	p2 =	seq.s32 s10, $0x1;
	s10 =	sld [smem:$0x3FBA]  }
0x3d: {  	_ =	shalt  }
0x3e: {  	_ =	shalt  }
0x3f: {  	_ =	shalt  }
0x40: {  	_ =	shalt  }
0x41: {  	_ =	shalt  }
0x42: {  	_ =	shalt  }
0x43: {  	_ =	shalt  }
0x44: {  	_ =	shalt  }
0x45: {  	_ =	shalt  }
0x46: {  	_ =	shalt  }
0x47: {  	_ =	shalt  }
0x48: {  	_ =	shalt  }
0x49: {  	_ =	shalt  }
0x4a: {  	_ =	shalt  }
0x4b: {  	_ =	shalt  }
0x4c: {  	_ =	shalt  }
0x4d: {  	_ =	shalt  }
0x4e: {  	_ =	shalt  }
0x4f: {  	_ =	shalt  }
0x50: {  	_ =	shalt  }
0x51: {  	_ =	shalt  }
0x52: {  	_ =	shalt  }
0x53: {  	_ =	shalt  }
0x54: {  	_ =	shalt  }
0x55: {  	_ =	shalt  }
0x56: {  	_ =	shalt  }
0x57: {  	_ =	shalt  }
0x58: {  	_ =	shalt  }
0x59: {  	_ =	shalt  }
0x5a: {  	_ =	shalt  }
0x5b: {  	_ =	shalt  }
0x5c: {  	_ =	shalt  }
0x5d: {  	_ =	shalt  }
0x5e: {  	_ =	shalt  }
0x5f: {  	_ =	shalt  }
0x60: {  	_ =	shalt  }
0x61: {  	_ =	shalt  }
0x62: {  	_ =	shalt  }
0x63: {  	_ =	shalt  }
0x64: {  	_ =	shalt  }
0x65: {  	_ =	shalt  }
0x66: {  	_ =	shalt  }
0x67: {  	_ =	shalt  }
0x68: {  	_ =	shalt  }
0x69: {  	_ =	shalt  }
0x6a: {  	_ =	shalt  }
0x6b: {  	_ =	shalt  }
0x6c: {  	_ =	shalt  }
0x6d: {  	_ =	shalt  }
0x6e: {  	_ =	shalt  }
0x6f: {  	_ =	shalt  }
0x70: {  	_ =	shalt  }
0x71: {  	_ =	shalt  }
0x72: {  	_ =	shalt  }
0x73: {  	_ =	shalt  }
0x74: {  	_ =	shalt  }
0x75: {  	_ =	shalt  }
0x76: {  	_ =	shalt  }
0x77: {  	_ =	shalt  }
0x78: {  	_ =	shalt  }
0x79: {  	_ =	shalt  }
0x7a: {  	_ =	shalt  }
0x7b: {  	_ =	shalt  }
0x7c: {  	_ =	shalt  }
0x7d: {  	_ =	shalt  }
0x7e: {  	_ =	shalt  }
0x7f: {  	_ =	shalt  }
0x80: {  	_ =	shalt  }
0x81: {  	_ =	shalt  }
0x82: {  	_ =	shalt  }
0x83: {  	_ =	shalt  }
0x84: {  	_ =	shalt  }
0x85: {  	_ =	shalt  }
0x86: {  	_ =	shalt  }
0x87: {  	_ =	shalt  }
.Lfunc_end0:
.L_simem_size_0:
called_computation_lowered:
.L_overlay_start_0:
0x88: {  	s2 =	sld [smem:$0x3FD9]  }
0x89: {  	s3 =	sld [smem:$0x3FFE];
	_ =	sdelay $0x1  }
0x8a: {  	s1 =	srdreg.scid  }
0x8b: {  	s0 =	sand.u32 $0x1, s1  }
0x8c: {  	s16 =	sshll.u32 s0, $0xA;
	s2 =	sadd.s32 s3, s2  }
0x8d: {  	s2 =	sadd.s32 s2, s16  }
0x8e: {  	[smem:$0x3FC6] =	sst s2  }
0x8f: {  	_ = 	snop  }
0x90: {  	(tm) =	ssettm $0x1  }
0x91: {  	s17 =	sld [smem:$0x3FFB];
	_ =	sdelay $0x3  }
0x92: {  	_ =	strace s17  }
0x93: {  	s2 =	sld [smem:$0x3FFC];
	_ =	sdelay $0x3  }
0x94: {  	_ =	strace s2  }
0x95: {  	s2 =	sld [smem:$0x3FFD];
	_ =	sdelay $0x3  }
0x96: {  	_ =	strace s2  }
0x97: {  	_ =	strace $0x8FFFFFFF  }
0x98: {  	s18 =	sld [smem:$0x3FDB];
	_ =	sdelay $0x1  }
0x99: {  	s19 =	simm.s32 $_scs_section_size  }
0x9a: {  	s4 =	simm.s32 $_size__tile_overlayer_lowered;
	s5 =	simm.s32 $_tile_overlayer_lowered  }
0x9b: {  	s22 =	simm.s32 $0x1BFF;
	s21 =	sshll.u32 s5, $0x1;
	s2 =	sadd.s32 s19, s18  }
0x9c: {  	s6 =	simm.s32 $0x0;
	s20 =	sshll.u32 s4, $0x1;
	s4 =	sadd.s32 s21, s2  }
0x9d: {  	[timem:s6], [sflag:s22] =	dma.local [hbm:s4], s20  }
0x9e: {  	_ =	swait.ge [sflag:s22], s20  }
0x9f: {  	s3 =	ssub.s32 $0x0, s20;
	[sflag:s22] =	ssyncset.done $0x0  }
0xa0: {  	[sflag:s22] =	ssyncadd.s32 s3;
	_ =	sdelay $0x1  }
0xa1: {  	s23 =	simm.s32 $0x1B8B  }
0xa2: {  	_ =	swait.ge [sflag:s23], $0x1  }
0xa3: {  	[sflag:s23] =	ssyncset.done $0x0  }
0xa4: {  	s25 =	simm.s32 $0x1B8E;
	s24 =	sld [smem:$0x3FFE];
	[sflag:s23] =	ssyncadd.s32 $0xFFFFFFFF  }
0xa5: {  	s26 =	simm.s32 $execute0_lowered;
	[smem:$0x3FD2] =	sst s25  }
0xa6: {  	s4 =	sshll.u32 s26, $0x1;
	_ =	strace $0x80000046;
	[dreg:$0x1] =	wrdreg $0xFFFFFFFF  }
0xa7: {  	s28 =	simm.s32 $_size_execute0_lowered;
	s2 =	sadd.s32 s2, s4;
	[dreg:$0x0] =	wrdreg $0x0  }
0xa8: {  	s4 =	sshll.u32 s28, $0x1;
	[dreg:$0x2] =	wrdreg s2  }
0xa9: {  	[dreg:$0x3] =	wrdreg s4  }
0xaa: {  	[dreg:$0x4] =	wrdreg $0xC0  }
0xab: {  	_ =	task [dreg:s6], $0x5FFFF  }
0xac: {  	[dreg:$0x1] =	wrdreg $0xFFFFFFFF  }
0xad: {  	[dreg:$0x0] =	wrdreg $0x60  }
0xae: {  	[dreg:$0x2] =	wrdreg s24  }
0xaf: {  	[dreg:$0x3] =	wrdreg $0x9  }
0xb0: {  	_ =	task.clear_ibuf [dreg:s6], $0x4FFFF;
	_ =	strace $0x90000046  }
0xb1: {  	s29 =	simm.s32 $0x9;
	_ =	strace $0x80000048  }
0xb2: {  	_ =	swait.ge [sflag:s29], $0x1  }
0xb3: {  	[sflag:s29] =	ssyncadd.s32 $0xFFFFFFFF  }
0xb4: {  	_ =	strace $0x90000048  }
0xb5: {  	_ =	sfence  }
0xb6: {  	s30 =	sld [smem:$0x0];
	_ =	sdelay $0x2  }
0xb7: {  	s31 =	sshll.u32 s1, $0xD;
	s1 =	sshrl.u32 s1, $0x2  }
0xb8: {  	s3 =	sand.u32 $0x4000, s31;
	s1 =	sadd.s32 s1, s30  }
0xb9: {  	s0 =	sor.u32 s3, s0;
	s1 =	sshll.u32 s1, $0x11  }
0xba: {  	s0 =	sor.u32 s1, s0  }
0xbb: {  	s0 =	sadd.s32 $0x8F2B, s0  }
0xbc: {  	[sflag:s0] =	ssyncadd.remote.s32 $0x1  }
0xbd: {  	_ =	sfence.sel $0xFFFF  }
0xbe: {  	[dreg:$0x0] =	wrdreg $0xFFFFFFFF;
	(pc) =	sbr.abs _section_cstart, $3  }
0xbf: {  	[dreg:$0x1] =	wrdreg $0xFFFFFFFF  }
0xc0: {  	_ =	task.clear_ibuf [dreg:s6], $0x2FFFF;
	_ =	strace $0x9FFFFFFF  }
0xc1: {  	(tm) =	ssettm $0x7FFFFFFF  }
tec
execute0_lowered:
.L_overlay_start_1:
0x0: {  	(tag) =	ssettag $0x1  }
0x1: {  	v0 =	vimm.s32 $0xFEDCBA9;
	v1 =	vimm.s32 $0x87654321  }
0x2: {  	v2 =	vimm.s32 $0x10FEDCBA;
	v3 =	vimm.s32 $0x98765432;
	v4 =	vimm.s32 $0x3210FEDC  }
0x3: {  	s6 =	rddreg [dreg:$0x0];
	v5 =	vimm.s32 $0xFEDCBA98;
	v6 =	vimm.s32 $0xBA987654;
	v7 =	vimm.s32 $0x76543210  }
0x4: {  	s0 =	rddreg [dreg:$0x1];
	v0 =	vunpack.c.l.s4.s8 v0;
	v1 =	vunpack.c.l.s4.s8 v1;
	v2 =	vunpack.c.l.s4.s8 v2  }
0x5: {  	s2 =	simm.s32 $0x0;
	s3 =	srdreg.scid;
	s1 =	stileid.u32;
	v3 =	vunpack.c.l.s4.s8 v3;
	v5 =	vunpack.c.l.s4.s8 v5;
	v4 =	vunpack.c.l.s4.s8 v4  }
0x6: {  	s10 =	simm.s32 $0x1;
	s11 =	simm.s32 $0x8000;
	s12 =	simm.s32 $0x0;
	v6 =	vunpack.c.l.s4.s8 v6;
	v7 =	vunpack.c.l.s4.s8 v7;
	v0 =	vunpack.c.0.s8.s32 v0  }
0x7: {  	[smem:$0x7FF] =	sst s2;
	s5 =	sand.u32 $0x1, s3;
	s4 =	sshll.u32 s1, $0x1;
	v1 =	vunpack.c.0.s8.s32 v1;
	v2 =	vunpack.c.0.s8.s32 v2;
	v3 =	vunpack.c.0.s8.s32 v3  }
0x8: {  	s3 =	sadd.s32 $0x600, s6;
	_ =	strace $0x80000047;
	s7 =	sor.u32 s5, s4;
	v5 =	vunpack.c.0.s8.s32 v5;
	v4 =	vunpack.c.0.s8.s32 v4;
	v6 =	vunpack.c.0.s8.s32 v6  }
0x9: {  	s4 =	sadd.s32 $0x40600, s6;
	s8 =	ssub.s32 $0x2, s5;
	s31 =	smin.u32 s7, $0x7;
	v7 =	vunpack.c.0.s8.s32 v7;
	v0 =	vcombine.low v1, v0;
	v1 =	vcombine.low v3, v2  }
0xa: {  	s7 =	sshll.u32 s7, $0x6;
	s9 =	sshrl.u32 s8, $0x1;
	s5 =	sshll.u32 s31, $0xF;
	v3 =	vand.u32 $0xF, v5;
	v2 =	vcombine.low v6, v4;
	v4 =	vimm.s32 $0x1  }
0xb: {  	s7 =	sadd.s32 s7, s6;
	s8 =	ssub.s32 s8, s9;
	s9 =	simm.s32 $0x4000;
	v5 =	vimm.s32 $0x0;
	v6 =	vimm.f32 $0.0e+00;
	v3 =	vcombine.low v3, v7  }
0xc: {  	s6 =	sadd.s32 s4, s5;
	s7 =	sadd.s32 $0x80600, s7;
	s8 =	smax.u32 s8, $0x1;
	v7 =	vand.u32 $0xF, v0;
	v8 =	vand.u32 $0xF, v1;
	v9 =	vand.u32 $0xF, v2  }
.LBB2_1:
0xd: {  	v10 =	vimm.f32 $0.0e+00;
	s13 =	simm.s32 $0x0  }
.LBB2_2:
0xe: {  	s14 =	sshll.u32 s13, $0xB  }
0xf: {  	s15 =	simm.s32 $0x0;
	s14 =	sadd.s32 s14, s6  }
0x10: {  	[tilespmem:s9], [sflag:$0x1] =	stream.linear.gather [hbm4b:s14+s15], $0x4000, $0x38;
	[tilespmem:$0x8200] =	vst v63  }
0x11: {  	_ =	swait.ge [sflag:s10], $0x4000  }
0x12: {  	s30 =	sand.u32 $0x3000, s15;
	s15 =	sand.u32 $0x380, s15;
	[sflag:s10] =	ssyncset.done $0x0  }
0x13: {  	s16 =	sor.u32 s15, s30;
	[sflag:s10] =	ssyncadd.s32 $0xFFFFC000  }
0x14: {  	v11 =	vld [tilespmem:s16+$0x4000];
	_ =	sdelay $0x1  }
0x15: {  	v12 =	vld [tilespmem:s16+$0x4010];
	_ =	sdelay $0x1  }
0x16: {  	v13 =	vld [tilespmem:s16+$0x4020]  }
0x17: {  	v10 =	vadd.f32 v11, v10  }
0x18: {  	v11 =	vld [tilespmem:s16+$0x4030]  }
0x19: {  	v10 =	vadd.f32 v12, v10  }
0x1a: {  	v12 =	vld [tilespmem:s16+$0x4040]  }
0x1b: {  	v10 =	vadd.f32 v13, v10  }
0x1c: {  	v13 =	vld [tilespmem:s16+$0x4050]  }
0x1d: {  	v10 =	vadd.f32 v11, v10  }
0x1e: {  	v11 =	vld [tilespmem:s16+$0x4060]  }
0x1f: {  	v10 =	vadd.f32 v12, v10  }
0x20: {  	v12 =	vld [tilespmem:s16+$0x4070]  }
0x21: {  	v10 =	vadd.f32 v13, v10  }
0x22: {  	v13 =	vld [tilespmem:s16+$0x4400]  }
0x23: {  	v10 =	vadd.f32 v11, v10  }
0x24: {  	v11 =	vld [tilespmem:s16+$0x4410]  }
0x25: {  	v10 =	vadd.f32 v12, v10  }
0x26: {  	v12 =	vld [tilespmem:s16+$0x4420]  }
0x27: {  	v10 =	vadd.f32 v13, v10  }
0x28: {  	v13 =	vld [tilespmem:s16+$0x4430]  }
0x29: {  	v10 =	vadd.f32 v11, v10  }
0x2a: {  	v11 =	vld [tilespmem:s16+$0x4440]  }
0x2b: {  	v10 =	vadd.f32 v12, v10  }
0x2c: {  	v12 =	vld [tilespmem:s16+$0x4450]  }
0x2d: {  	v10 =	vadd.f32 v13, v10  }
0x2e: {  	v13 =	vld [tilespmem:s16+$0x4460]  }
0x2f: {  	v10 =	vadd.f32 v11, v10  }
0x30: {  	v11 =	vld [tilespmem:s16+$0x4470]  }
0x31: {  	v10 =	vadd.f32 v12, v10  }
0x32: {  	v12 =	vld [tilespmem:s16+$0x4800]  }
0x33: {  	v10 =	vadd.f32 v13, v10  }
0x34: {  	v13 =	vld [tilespmem:s16+$0x4810]  }
0x35: {  	v10 =	vadd.f32 v11, v10  }
0x36: {  	v11 =	vld [tilespmem:s16+$0x4820]  }
0x37: {  	v10 =	vadd.f32 v12, v10  }
0x38: {  	v12 =	vld [tilespmem:s16+$0x4830]  }
0x39: {  	v10 =	vadd.f32 v13, v10  }
0x3a: {  	v13 =	vld [tilespmem:s16+$0x4840]  }
0x3b: {  	v10 =	vadd.f32 v11, v10  }
0x3c: {  	v11 =	vld [tilespmem:s16+$0x4850]  }
0x3d: {  	v10 =	vadd.f32 v12, v10  }
0x3e: {  	v12 =	vld [tilespmem:s16+$0x4860]  }
0x3f: {  	v10 =	vadd.f32 v13, v10  }
0x40: {  	v13 =	vld [tilespmem:s16+$0x4870]  }
0x41: {  	v10 =	vadd.f32 v11, v10  }
0x42: {  	v11 =	vld [tilespmem:s16+$0x4C00]  }
0x43: {  	v10 =	vadd.f32 v12, v10  }
0x44: {  	v12 =	vld [tilespmem:s16+$0x4C10]  }
0x45: {  	v10 =	vadd.f32 v13, v10  }
0x46: {  	v13 =	vld [tilespmem:s16+$0x4C20]  }
0x47: {  	v10 =	vadd.f32 v11, v10  }
0x48: {  	v11 =	vld [tilespmem:s16+$0x4C30]  }
0x49: {  	v10 =	vadd.f32 v12, v10  }
0x4a: {  	v12 =	vld [tilespmem:s16+$0x4C40]  }
0x4b: {  	v13 =	vadd.f32 v13, v10  }
0x4c: {  	v10 =	vld [tilespmem:s16+$0x4C50]  }
0x4d: {  	v13 =	vadd.f32 v11, v13  }
0x4e: {  	v11 =	vld [tilespmem:s16+$0x4C60]  }
0x4f: {  	s31 =	simm.s32 $0x200;
	s14 =	simm.s32 $0x80;
	v13 =	vadd.f32 v12, v13  }
0x50: {  	s17 =	sand.u32 $0x3000, s31;
	s18 =	sand.u32 $0x380, s14;
	s15 =	simm.s32 $0x400;
	v12 =	vld [tilespmem:s16+$0x4C70]  }
.LBB2_3:
0x51: {  	p0 =	sne.s32 s15, $0x3E00;
	s16 =	sor.u32 s18, s17;
	v10 =	vadd.f32 v10, v13  }
0x52: {  	v13 =	vld [tilespmem:s16+$0x4000]  }
0x53: {  	v10 =	vadd.f32 v11, v10  }
0x54: {  	v11 =	vld [tilespmem:s16+$0x4010]  }
0x55: {  	v10 =	vadd.f32 v12, v10  }
0x56: {  	v12 =	vld [tilespmem:s16+$0x4020]  }
0x57: {  	v10 =	vadd.f32 v13, v10  }
0x58: {  	v13 =	vld [tilespmem:s16+$0x4030]  }
0x59: {  	v10 =	vadd.f32 v11, v10  }
0x5a: {  	v11 =	vld [tilespmem:s16+$0x4040]  }
0x5b: {  	v10 =	vadd.f32 v12, v10  }
0x5c: {  	v12 =	vld [tilespmem:s16+$0x4050]  }
0x5d: {  	v10 =	vadd.f32 v13, v10  }
0x5e: {  	v13 =	vld [tilespmem:s16+$0x4060]  }
0x5f: {  	v10 =	vadd.f32 v11, v10  }
0x60: {  	v11 =	vld [tilespmem:s16+$0x4070]  }
0x61: {  	v10 =	vadd.f32 v12, v10  }
0x62: {  	v12 =	vld [tilespmem:s16+$0x4400]  }
0x63: {  	v10 =	vadd.f32 v13, v10  }
0x64: {  	v13 =	vld [tilespmem:s16+$0x4410]  }
0x65: {  	v10 =	vadd.f32 v11, v10  }
0x66: {  	v11 =	vld [tilespmem:s16+$0x4420]  }
0x67: {  	v10 =	vadd.f32 v12, v10  }
0x68: {  	v12 =	vld [tilespmem:s16+$0x4430]  }
0x69: {  	v10 =	vadd.f32 v13, v10  }
0x6a: {  	v13 =	vld [tilespmem:s16+$0x4440]  }
0x6b: {  	v10 =	vadd.f32 v11, v10  }
0x6c: {  	v11 =	vld [tilespmem:s16+$0x4450]  }
0x6d: {  	v10 =	vadd.f32 v12, v10  }
0x6e: {  	v12 =	vld [tilespmem:s16+$0x4460]  }
0x6f: {  	v10 =	vadd.f32 v13, v10  }
0x70: {  	v13 =	vld [tilespmem:s16+$0x4470]  }
0x71: {  	v10 =	vadd.f32 v11, v10  }
0x72: {  	v11 =	vld [tilespmem:s16+$0x4800]  }
0x73: {  	v10 =	vadd.f32 v12, v10  }
0x74: {  	v12 =	vld [tilespmem:s16+$0x4810]  }
0x75: {  	v10 =	vadd.f32 v13, v10  }
0x76: {  	v13 =	vld [tilespmem:s16+$0x4820]  }
0x77: {  	v10 =	vadd.f32 v11, v10  }
0x78: {  	v11 =	vld [tilespmem:s16+$0x4830]  }
0x79: {  	v10 =	vadd.f32 v12, v10  }
0x7a: {  	v12 =	vld [tilespmem:s16+$0x4840]  }
0x7b: {  	v10 =	vadd.f32 v13, v10  }
0x7c: {  	v13 =	vld [tilespmem:s16+$0x4850]  }
0x7d: {  	v10 =	vadd.f32 v11, v10  }
0x7e: {  	v11 =	vld [tilespmem:s16+$0x4860]  }
0x7f: {  	v10 =	vadd.f32 v12, v10  }
0x80: {  	v12 =	vld [tilespmem:s16+$0x4870]  }
0x81: {  	v10 =	vadd.f32 v13, v10  }
0x82: {  	v13 =	vld [tilespmem:s16+$0x4C00]  }
0x83: {  	v10 =	vadd.f32 v11, v10  }
0x84: {  	v11 =	vld [tilespmem:s16+$0x4C10]  }
0x85: {  	v10 =	vadd.f32 v12, v10  }
0x86: {  	v12 =	vld [tilespmem:s16+$0x4C20]  }
0x87: {  	v10 =	vadd.f32 v13, v10  }
0x88: {  	v13 =	vld [tilespmem:s16+$0x4C30]  }
0x89: {  	v10 =	vadd.f32 v11, v10  }
0x8a: {  	v14 =	vld [tilespmem:s16+$0x4C40]  }
0x8b: {  	v11 =	vadd.f32 v12, v10  }
.Ltmp0:
0x8c: {  	v10 =	vld [tilespmem:s16+$0x4C50];
	(pc) =	sbr.rel @p0 .LBB2_3-.Ltmp0, $4  }
0x8d: {  	v12 =	vadd.f32 v13, v11  }
0x8e: {  	v11 =	vld [tilespmem:s16+$0x4C60]  }
0x8f: {  	s14 =	sadd.s32 $0x80, s14;
	v13 =	vadd.f32 v14, v12  }
0x90: {  	s17 =	sand.u32 $0x3000, s15;
	s15 =	sadd.s32 $0x200, s15;
	s18 =	sand.u32 $0x380, s14;
	v12 =	vld [tilespmem:s16+$0x4C70]  }
0x91: {  	s14 =	sor.u32 s18, s17;
	v10 =	vadd.f32 v10, v13  }
0x92: {  	v43 =	vld [tilespmem:s14+$0x4000]  }
0x93: {  	v10 =	vadd.f32 v11, v10  }
0x94: {  	v11 =	vld [tilespmem:s14+$0x4010]  }
0x95: {  	v10 =	vadd.f32 v12, v10  }
0x96: {  	v44 =	vld [tilespmem:s14+$0x4020]  }
0x97: {  	v10 =	vadd.f32 v43, v10  }
0x98: {  	v45 =	vld [tilespmem:s14+$0x4030]  }
0x99: {  	v10 =	vadd.f32 v11, v10  }
0x9a: {  	v11 =	vld [tilespmem:s14+$0x4040]  }
0x9b: {  	v10 =	vadd.f32 v44, v10  }
0x9c: {  	v46 =	vld [tilespmem:s14+$0x4050]  }
0x9d: {  	v10 =	vadd.f32 v45, v10  }
0x9e: {  	v47 =	vld [tilespmem:s14+$0x4060]  }
0x9f: {  	v10 =	vadd.f32 v11, v10  }
0xa0: {  	v11 =	vld [tilespmem:s14+$0x4070]  }
0xa1: {  	v10 =	vadd.f32 v46, v10  }
0xa2: {  	v48 =	vld [tilespmem:s14+$0x4400]  }
0xa3: {  	v10 =	vadd.f32 v47, v10  }
0xa4: {  	v49 =	vld [tilespmem:s14+$0x4410]  }
0xa5: {  	v10 =	vadd.f32 v11, v10  }
0xa6: {  	v11 =	vld [tilespmem:s14+$0x4420]  }
0xa7: {  	v10 =	vadd.f32 v48, v10  }
0xa8: {  	v50 =	vld [tilespmem:s14+$0x4430]  }
0xa9: {  	v10 =	vadd.f32 v49, v10  }
0xaa: {  	v51 =	vld [tilespmem:s14+$0x4440]  }
0xab: {  	v10 =	vadd.f32 v11, v10  }
0xac: {  	v11 =	vld [tilespmem:s14+$0x4450]  }
0xad: {  	v10 =	vadd.f32 v50, v10  }
0xae: {  	v52 =	vld [tilespmem:s14+$0x4460]  }
0xaf: {  	v10 =	vadd.f32 v51, v10  }
0xb0: {  	v53 =	vld [tilespmem:s14+$0x4470]  }
0xb1: {  	v10 =	vadd.f32 v11, v10  }
0xb2: {  	v11 =	vld [tilespmem:s14+$0x4800]  }
0xb3: {  	v10 =	vadd.f32 v52, v10  }
0xb4: {  	v54 =	vld [tilespmem:s14+$0x4810]  }
0xb5: {  	v10 =	vadd.f32 v53, v10  }
0xb6: {  	v55 =	vld [tilespmem:s14+$0x4820]  }
0xb7: {  	v10 =	vadd.f32 v11, v10  }
0xb8: {  	v11 =	vld [tilespmem:s14+$0x4830]  }
0xb9: {  	v10 =	vadd.f32 v54, v10  }
0xba: {  	v56 =	vld [tilespmem:s14+$0x4840]  }
0xbb: {  	v10 =	vadd.f32 v55, v10  }
0xbc: {  	v57 =	vld [tilespmem:s14+$0x4850]  }
0xbd: {  	v10 =	vadd.f32 v11, v10  }
0xbe: {  	v11 =	vld [tilespmem:s14+$0x4860]  }
0xbf: {  	v10 =	vadd.f32 v56, v10  }
0xc0: {  	v58 =	vld [tilespmem:s14+$0x4870]  }
0xc1: {  	v10 =	vadd.f32 v57, v10  }
0xc2: {  	v59 =	vld [tilespmem:s14+$0x4C00]  }
0xc3: {  	v10 =	vadd.f32 v11, v10  }
0xc4: {  	v11 =	vld [tilespmem:s14+$0x4C10]  }
0xc5: {  	v10 =	vadd.f32 v58, v10  }
0xc6: {  	v60 =	vld [tilespmem:s14+$0x4C20]  }
0xc7: {  	v10 =	vadd.f32 v59, v10  }
0xc8: {  	v61 =	vld [tilespmem:s14+$0x4C30]  }
0xc9: {  	v10 =	vadd.f32 v11, v10  }
0xca: {  	v11 =	vld [tilespmem:s14+$0x4C40]  }
0xcb: {  	v10 =	vadd.f32 v60, v10  }
0xcc: {  	v62 =	vld [tilespmem:s14+$0x4C50]  }
0xcd: {  	v10 =	vadd.f32 v61, v10  }
0xce: {  	v63 =	vld [tilespmem:s14+$0x4C60]  }
0xcf: {  	s13 =	sadd.s32 $0x1, s13;
	v10 =	vadd.f32 v11, v10  }
0xd0: {  	p0 =	sne.s32 s13, $0x10;
	v11 =	vld [tilespmem:s14+$0x4C70]  }
.Ltmp1:
0xd1: {  	v10 =	vadd.f32 v62, v10;
	(pc) =	sbr.rel @p0 .LBB2_2-.Ltmp1, $3  }
0xd2: {  	_ = 	snop  }
0xd3: {  	v10 =	vadd.f32 v63, v10;
	_ =	sdelay $0x1  }
0xd4: {  	v10 =	vadd.f32 v11, v10  }
0xd5: {  	_ = 	snop  }
0xd6: {  	v11 =	vperm.xlane v10, v0;
	_ =	sdelay $0x1  }
0xd7: {  	v10 =	vadd.f32 v11, v10;
	_ =	sdelay $0x1  }
0xd8: {  	v11 =	vperm.xlane v10, v1;
	_ =	sdelay $0x1  }
0xd9: {  	v10 =	vadd.f32 v11, v10;
	_ =	sdelay $0x1  }
0xda: {  	v11 =	vperm.xlane v10, v2;
	_ =	sdelay $0x1  }
0xdb: {  	v10 =	vadd.f32 v11, v10;
	_ =	sdelay $0x1  }
0xdc: {  	v11 =	vperm.xlane v10, v3;
	_ =	sdelay $0x1  }
0xdd: {  	v10 =	vadd.f32 v11, v10;
	_ =	sdelay $0x1  }
0xde: {  	v11 =	vtrunc.f32 v10  }
0xdf: {  	v11 =	vcvt.f32.s32 v11;
	_ =	sdelay $0x1  }
0xe0: {  	v12 =	vmul.u32 $0x3, v11  }
0xe1: {  	v11 =	vsub.s32 $0x40000, v11  }
0xe2: {  	vm0 =	vlt.s32 v12, v11  }
0xe3: {  	s13 =	simm.s32 $0x0;
	v11 =	vsel vm0, v12, v11;
	v12 =	vimm.s32 $0x0  }
.LBB2_6:
0xe4: {  	s14 =	sxor.u32 $0x1F, s13  }
0xe5: {  	v13 =	vshll.u32 v4, s14  }
0xe6: {  	v13 =	vbroadcast v13, $0x0;
	_ =	sdelay $0x1  }
0xe7: {  	v14 =	vimm.s32 $0x0;
	s14 =	simm.s32 $0x0;
	v13 =	vor.u32 v12, v13  }
.LBB2_7:
0xe8: {  	s15 =	sshll.u32 s14, $0xB  }
0xe9: {  	s16 =	sadd.s32 s5, s15  }
0xea: {  	s15 =	simm.s32 $0x0;
	s17 =	sadd.s32 s3, s16  }
0xeb: {  	[tilespmem:s15], [sflag:$0x1] =	stream.linear.gather [hbm4b:s17+s15], $0x4000, $0x38;
	[tilespmem:$0x8200] =	vst v63  }
0xec: {  	_ =	swait.ge [sflag:s10], $0x4000  }
0xed: {  	[sflag:s10] =	ssyncset.done $0x0  }
0xee: {  	s16 =	sadd.s32 s4, s16;
	[sflag:s10] =	ssyncadd.s32 $0xFFFFC000  }
0xef: {  	[tilespmem:s9], [sflag:$0x1] =	stream.linear.gather [hbm4b:s16+s15], $0x4000, $0x38;
	[tilespmem:$0x8200] =	vst v63  }
0xf0: {  	_ =	swait.ge [sflag:s10], $0x4000  }
0xf1: {  	[sflag:s10] =	ssyncset.done $0x0  }
0xf2: {  	s16 =	simm.s32 $0x0;
	[sflag:s10] =	ssyncadd.s32 $0xFFFFC000  }
.LBB2_8:
0xf3: {  	s17 =	sshll.u32 s16, $0x9;
	s18 =	sshll.u32 s16, $0x7  }
0xf4: {  	s17 =	sand.u32 $0x3000, s17;
	s18 =	sand.u32 $0x380, s18  }
0xf5: {  	s26 =	sand.u32 $0x40, s15;
	s17 =	sor.u32 s17, s18  }
0xf6: {  	s19 =	sand.u32 $0xC00, s15;
	s18 =	sor.u32 s26, s17  }
0xf7: {  	s18 =	sor.u32 s19, s18  }
0xf8: {  	v16 =	vld [tilespmem:s18+$0x4000]  }
0xf9: {  	v18 =	vld [tilespmem:s18+$0x0];
	s19 =	sor.u32 $0x4030, s18  }
0xfa: {  	s20 =	sor.u32 $0x4020, s18;
	v20 =	vld [tilespmem:s19+$0x0]  }
0xfb: {  	s28 =	sor.u32 $0x4010, s18;
	v21 =	vld [tilespmem:s20+$0x0]  }
0xfc: {  	s29 =	sor.u32 $0x30, s18;
	v22 =	vld [tilespmem:s28+$0x0]  }
0xfd: {  	s30 =	sor.u32 $0x20, s18;
	v15 =	vld [tilespmem:s29+$0x0]  }
0xfe: {  	s31 =	sor.u32 $0x10, s18;
	vm2 =	vne.f32 v16, $1.000000000e+00;
	v16 =	vld [tilespmem:s30+$0x0]  }
0xff: {  	v17 =	vor.u32 $0x80000000, v18;
	vm4 =	vlt.s32 v18, $0x0;
	v19 =	vmin.u32 v18, $0xFFFFFFFE;
	v18 =	vld [tilespmem:s31+$0x0];
	_ =	sdelay $0x2  }
0x100: {  	s18 =	simm.s32 $0x0;
	s19 =	simm.s32 $0x40;
	s20 =	simm.s32 $0x0;
	vm3 =	vne.f32 v22, $1.000000000e+00;
	vm1 =	vne.f32 v21, $1.000000000e+00;
	vm0 =	vne.f32 v20, $1.000000000e+00  }
.LBB2_9:
0x101: {  	s21 =	sand.u32 $0x40, s19;
	v20 =	vor.u32 $0x80000000, v16;
	v21 =	vor.u32 $0x80000000, v15;
	vm5 =	vlt.s32 v15, $0x0;
	s20 =	sadd.s32 $0x200, s20  }
0x102: {  	vm6 =	vlt.s32 v16, $0x0;
	v15 =	vmin.u32 v15, $0xFFFFFFFE;
	s22 =	sand.u32 $0xC00, s20;
	s21 =	sor.u32 s21, s17;
	v22 =	vor.u32 $0x80000000, v18  }
0x103: {  	v19 =	vxor.u32 $0xFFFFFFFF, v19;
	v16 =	vmin.u32 v16, $0xFFFFFFFE;
	vm7 =	vlt.s32 v18, $0x0;
	s21 =	sor.u32 s22, s21  }
0x104: {  	v18 =	vmin.u32 v18, $0xFFFFFFFE;
	v16 =	vxor.u32 $0xFFFFFFFF, v16;
	v15 =	vxor.u32 $0xFFFFFFFF, v15;
	v23 =	vld [tilespmem:s21+$0x4000]  }
0x105: {  	v17 =	vsel vm4, v19, v17;
	v18 =	vxor.u32 $0xFFFFFFFF, v18;
	v15 =	vsel vm5, v15, v21;
	s22 =	sor.u32 $0x4030, s21;
	v24 =	vld [tilespmem:s21+$0x0]  }
0x106: {  	vm4 =	vge.u32 v17, v13;
	v16 =	vsel vm6, v16, v20;
	s23 =	sor.u32 $0x4020, s21;
	v17 =	vsel vm7, v18, v22;
	v21 =	vld [tilespmem:s22+$0x0]  }
0x107: {  	vm2 =	vmand vm2, vm4;
	vm5 =	vge.u32 v15, v13;
	vm4 =	vge.u32 v17, v13;
	s22 =	sor.u32 $0x4010, s21;
	v20 =	vld [tilespmem:s23+$0x0]  }
0x108: {  	s18 =	sadd.s32 $0x4, s18;
	v17 =	vsel vm2, $0x1, v5;
	vm2 =	vmand vm3, vm4;
	vm3 =	vge.u32 v16, v13;
	v22 =	vld [tilespmem:s22+$0x0];
	s22 =	sor.u32 $0x30, s21  }
0x109: {  	p0 =	slt.u32 s18, $0x1C;
	v14 =	vadd.s32 v17, v14;
	s23 =	sor.u32 $0x20, s21;
	v17 =	vsel vm2, $0x1, v5;
	vm1 =	vmand vm1, vm3;
	v15 =	vld [tilespmem:s22+$0x0]  }
.Ltmp2:
0x10a: {  	vm0 =	vmand vm0, vm5;
	s21 =	sor.u32 $0x10, s21;
	v14 =	vadd.s32 v17, v14;
	v17 =	vsel vm1, $0x1, v5;
	v16 =	vld [tilespmem:s23+$0x0];
	(pc) =	sbr.rel @p0 .LBB2_9-.Ltmp2, $4  }
0x10b: {  	v14 =	vadd.s32 v17, v14;
	v17 =	vsel vm0, $0x1, v5;
	v18 =	vld [tilespmem:s21+$0x0]  }
0x10c: {  	vm2 =	vne.f32 v23, $1.000000000e+00;
	v14 =	vadd.s32 v17, v14  }
0x10d: {  	v17 =	vor.u32 $0x80000000, v24;
	vm4 =	vlt.s32 v24, $0x0;
	v19 =	vmin.u32 v24, $0xFFFFFFFE  }
0x10e: {  	s19 =	sadd.s32 $0x40, s19;
	vm0 =	vne.f32 v21, $1.000000000e+00;
	vm1 =	vne.f32 v20, $1.000000000e+00;
	vm3 =	vne.f32 v22, $1.000000000e+00  }
0x10f: {  	v20 =	vor.u32 $0x80000000, v16;
	v21 =	vor.u32 $0x80000000, v15;
	vm5 =	vlt.s32 v15, $0x0  }
0x110: {  	vm6 =	vlt.s32 v16, $0x0;
	v15 =	vmin.u32 v15, $0xFFFFFFFE;
	v19 =	vxor.u32 $0xFFFFFFFF, v19  }
0x111: {  	v61 =	vmin.u32 v16, $0xFFFFFFFE;
	v22 =	vor.u32 $0x80000000, v18;
	vm7 =	vlt.s32 v18, $0x0  }
0x112: {  	v62 =	vmin.u32 v18, $0xFFFFFFFE;
	v16 =	vxor.u32 $0xFFFFFFFF, v61;
	v15 =	vxor.u32 $0xFFFFFFFF, v15  }
0x113: {  	v17 =	vsel vm4, v19, v17;
	v18 =	vxor.u32 $0xFFFFFFFF, v62;
	v15 =	vsel vm5, v15, v21  }
0x114: {  	s16 =	sadd.s32 $0x1, s16;
	vm4 =	vge.u32 v17, v13;
	v16 =	vsel vm6, v16, v20;
	v63 =	vsel vm7, v18, v22  }
0x115: {  	p0 =	sne.s32 s16, $0x20;
	vm2 =	vmand vm2, vm4;
	vm5 =	vge.u32 v15, v13;
	vm13 =	vge.u32 v63, v13  }
.Ltmp3:
0x116: {  	vm15 =	vge.u32 v16, v13;
	v15 =	vsel vm2, $0x1, v5;
	vm14 =	vmand vm3, vm13;
	(pc) =	sbr.rel @p0 .LBB2_8-.Ltmp3, $4  }
0x117: {  	vm1 =	vmand vm1, vm15;
	v14 =	vadd.s32 v15, v14;
	v15 =	vsel vm14, $0x1, v5  }
0x118: {  	vm0 =	vmand vm0, vm5;
	v14 =	vadd.s32 v15, v14;
	v15 =	vsel vm1, $0x1, v5  }
0x119: {  	v14 =	vadd.s32 v15, v14;
	v15 =	vsel vm0, $0x1, v5  }
0x11a: {  	v14 =	vadd.s32 v15, v14  }
0x11b: {  	s14 =	sadd.s32 $0x1, s14  }
0x11c: {  	p0 =	sne.s32 s14, $0x10  }
.Ltmp4:
0x11d: {  	_ = 	snop;
	(pc) =	sbr.rel @p0 .LBB2_7-.Ltmp4, $1  }
0x11e: {  	_ =	sdelay $0x3  }
0x11f: {  	v15 =	vperm.xlane v14, v0;
	_ =	sdelay $0x1  }
0x120: {  	v14 =	vadd.s32 v14, v15  }
0x121: {  	v15 =	vperm.xlane v14, v1;
	_ =	sdelay $0x1  }
0x122: {  	v14 =	vadd.s32 v15, v14  }
0x123: {  	v15 =	vperm.xlane v14, v2  }
0x124: {  	s13 =	sadd.s32 $0x1, s13  }
0x125: {  	p0 =	sne.s32 s13, $0x20;
	v14 =	vadd.s32 v15, v14  }
.Ltmp5:
0x126: {  	v15 =	vperm.xlane v14, v3;
	(pc) =	sbr.rel @p0 .LBB2_6-.Ltmp5, $4  }
0x127: {  	_ = 	snop  }
0x128: {  	v14 =	vadd.s32 v15, v14  }
0x129: {  	vm0 =	vlt.s32 v14, v11  }
0x12a: {  	v12 =	vsel vm0, v12, v13  }
0x12b: {  	s13 =	simm.s32 $0x0;
	v27 =	vimm.f32 $0.0e+00;
	v26 =	vimm.f32 $0.0e+00;
	v25 =	vimm.f32 $0.0e+00;
	s14 =	simm.s32 $0x0  }
.LBB2_14:
0x12c: {  	s15 =	sshll.u32 s14, $0xB  }
0x12d: {  	s15 =	sadd.s32 s5, s15  }
0x12e: {  	s16 =	sadd.s32 s3, s15  }
0x12f: {  	[tilespmem:s13], [sflag:$0x1] =	stream.linear.gather [hbm4b:s16+s13], $0x4000, $0x38;
	[tilespmem:$0x8200] =	vst v63  }
0x130: {  	_ =	swait.ge [sflag:s10], $0x4000  }
0x131: {  	[sflag:s10] =	ssyncset.done $0x0  }
0x132: {  	s15 =	sadd.s32 s4, s15;
	[sflag:s10] =	ssyncadd.s32 $0xFFFFC000  }
0x133: {  	[tilespmem:s9], [sflag:$0x1] =	stream.linear.gather [hbm4b:s15+s13], $0x4000, $0x38;
	[tilespmem:$0x8200] =	vst v63  }
0x134: {  	_ =	swait.ge [sflag:s10], $0x4000  }
0x135: {  	[sflag:s10] =	ssyncset.done $0x0  }
0x136: {  	s15 =	simm.s32 $0x0;
	[sflag:s10] =	ssyncadd.s32 $0xFFFFC000  }
.LBB2_15:
0x137: {  	s16 =	sshll.u32 s15, $0x9;
	s17 =	sshll.u32 s15, $0x7  }
0x138: {  	s18 =	simm.s32 $0x0;
	s16 =	sand.u32 $0x3000, s16;
	s17 =	sand.u32 $0x380, s17  }
0x139: {  	s24 =	sand.u32 $0x40, s18;
	s16 =	sor.u32 s16, s17  }
0x13a: {  	s18 =	sand.u32 $0xC00, s18;
	s17 =	sor.u32 s24, s16  }
0x13b: {  	s19 =	sor.u32 s18, s17  }
0x13c: {  	v28 =	vld [tilespmem:s19+$0x0];
	s17 =	sor.u32 $0x30, s19  }
0x13d: {  	s25 =	sor.u32 $0x10, s19;
	v18 =	vld [tilespmem:s17+$0x0]  }
0x13e: {  	s18 =	sor.u32 $0x20, s19;
	v29 =	vld [tilespmem:s25+$0x0]  }
0x13f: {  	v33 =	vld [tilespmem:s18+$0x0]  }
0x140: {  	v14 =	vld [tilespmem:s19+$0x4000]  }
0x141: {  	s28 =	sor.u32 $0x4030, s19;
	v19 =	vand.u32 $0x7FFFFFFF, v28  }
0x142: {  	s21 =	sor.u32 $0x4020, s19;
	v20 =	vld [tilespmem:s28+$0x0];
	v23 =	vand.u32 $0x7FFFFFFF, v18;
	v15 =	vsub.f32 $0.0e+00, v19  }
0x143: {  	s19 =	sor.u32 $0x4010, s19;
	v21 =	vld [tilespmem:s21+$0x0];
	v24 =	vand.u32 $0x7FFFFFFF, v29;
	v16 =	vsub.f32 $0.0e+00, v23  }
0x144: {  	v22 =	vld [tilespmem:s19+$0x0];
	v30 =	vand.u32 $0x7FFFFFFF, v33;
	v17 =	vsub.f32 $0.0e+00, v24;
	v15 =	vmul.f32 $1.442695020e+00, v15  }
0x145: {  	vm2 =	vne.f32 v14, $1.000000000e+00;
	v14 =	vsub.f32 $0.0e+00, v30;
	v31 =	vmul.f32 $1.442695020e+00, v16  }
0x146: {  	s26 =	simm.s32 $0x40;
	vm3 =	vlt.s32 v28, $0x0;
	v32 =	vmul.f32 $1.442695020e+00, v17;
	(erf) = vpow2.f32 v15  }
0x147: {  	s17 =	sand.u32 $0x40, s26;
	s18 =	simm.s32 $0x200;
	v34 =	vmin.u32 v28, $0xFFFFFFFE;
	v35 =	vmul.f32 $1.442695020e+00, v14;
	(erf) = vpow2.f32 v31  }
0x148: {  	s20 =	sand.u32 $0xC00, s18;
	s17 =	sor.u32 s17, s16;
	vm1 =	vne.f32 v21, $1.000000000e+00;
	vm0 =	vne.f32 v20, $1.000000000e+00;
	(erf) = vpow2.f32 v32  }
0x149: {  	s17 =	sor.u32 s20, s17;
	vm4 =	vne.f32 v22, $1.000000000e+00;
	vm6 =	vlt.s32 v18, $0x0;
	(erf) = vpow2.f32 v35  }
0x14a: {  	v13 =	vld [tilespmem:s17+$0x0];
	v61 =	vmin.u32 v18, $0xFFFFFFFE;
	vm7 =	vlt.s32 v33, $0x0;
	v62 =	vmin.u32 v33, $0xFFFFFFFE  }
0x14b: {  	v36 =	vmax.f32 v18, $0.0e+00;
	vm5 =	vlt.s32 v29, $0x0;
	v37 =	vmin.u32 v29, $0xFFFFFFFE  }
0x14c: {  	v38 =	vmax.f32 v33, $0.0e+00;
	v39 =	vxor.u32 $0x80000000, v19;
	v34 =	vxor.u32 $0xFFFFFFFF, v34  }
0x14d: {  	v40 =	vmax.f32 v29, $0.0e+00;
	v41 =	vxor.u32 $0x80000000, v23;
	v30 =	vxor.u32 $0x80000000, v30  }
0x14e: {  	s30 =	sor.u32 $0x20, s17;
	v34 =	vsel vm3, v34, v39;
	v63 =	vxor.u32 $0x80000000, v24;
	v37 =	vxor.u32 $0xFFFFFFFF, v37  }
0x14f: {  	s29 =	sor.u32 $0x30, s17;
	v37 =	vsel vm5, v37, v63;
	vm3 =	vgt.u32 v34, v12;
	v17 =	vand.u32 $0x7FFFFFFF, v13;
	v14 =	vld [tilespmem:s30+$0x0];
	v42 =	vpop (erf)  }
0x150: {  	v16 =	vld [tilespmem:s29+$0x0];
	vm8 =	vmand vm2, vm3;
	v22 =	vsub.f32 $0.0e+00, v17;
	v43 =	vmul.f32 $1.066843050e-01, v42;
	v44 =	vpop (erf)  }
0x151: {  	v60 =	vsel vm8, $0x3F800000, v6;
	v31 =	vmax.f32 v28, $0.0e+00;
	v32 =	vxor.u32 $0xFFFFFFFF, v61;
	v45 =	vpop (erf)  }
0x152: {  	v35 =	vxor.u32 $0xFFFFFFFF, v62;
	v43 =	vadd.f32 $-3.935345710e-01, v43;
	v46 =	vmul.f32 $1.066843050e-01, v45;
	v47 =	vpop (erf)  }
0x153: {  	v32 =	vsel vm6, v32, v41;
	v49 =	vmul.f32 $1.066843050e-01, v44;
	v48 =	vmul.f32 $1.066843050e-01, v47  }
0x154: {  	s31 =	sor.u32 $0x10, s17;
	v20 =	vand.u32 $0x7FFFFFFF, v14;
	v43 =	vmul.f32 v43, v42;
	v46 =	vadd.f32 $-3.935345710e-01, v46  }
0x155: {  	v15 =	vld [tilespmem:s31+$0x0];
	v21 =	vand.u32 $0x7FFFFFFF, v16;
	v51 =	vadd.f32 $-3.935345710e-01, v49;
	v50 =	vadd.f32 $-3.935345710e-01, v48  }
0x156: {  	v30 =	vsel vm7, v35, v30;
	v43 =	vadd.f32 $9.797525400e-01, v43;
	v46 =	vmul.f32 v46, v45  }
0x157: {  	vm5 =	vgt.u32 v32, v12;
	v35 =	vmul.f32 v51, v44;
	v52 =	vmul.f32 v50, v47  }
0x158: {  	vm7 =	vgt.u32 v37, v12;
	v53 =	vmul.f32 v43, v42;
	v54 =	vadd.f32 $9.797525400e-01, v46  }
0x159: {  	vm6 =	vgt.u32 v30, v12;
	v30 =	vadd.f32 $9.797525400e-01, v35;
	v55 =	vadd.f32 $9.797525400e-01, v52  }
0x15a: {  	v19 =	vand.u32 $0x7FFFFFFF, v15;
	v31 =	vadd.f32 v53, v31;
	v56 =	vmul.f32 v54, v45  }
0x15b: {  	v23 =	vsub.f32 $0.0e+00, v21;
	v30 =	vmul.f32 v30, v44;
	v32 =	vmul.f32 v55, v47  }
0x15c: {  	vm3 =	vmand vm0, vm5;
	v57 =	vadd.f32 $9.251831220e-04, v31;
	v31 =	vadd.f32 v56, v40  }
0x15d: {  	vm5 =	vmand vm1, vm6;
	v58 =	vadd.f32 v30, v36;
	v32 =	vadd.f32 v32, v38  }
0x15e: {  	vm6 =	vmand vm4, vm7;
	v59 =	vsub.f32 v57, v28;
	v31 =	vadd.f32 $9.251831220e-04, v31  }
0x15f: {  	v24 =	vsub.f32 $0.0e+00, v19;
	v30 =	vsel vm6, $0x3F800000, v6;
	v28 =	vadd.f32 $9.251831220e-04, v32  }
0x160: {  	v61 =	vsel vm2, $0x0, v59;
	v62 =	vsub.f32 v31, v29;
	v29 =	vadd.f32 $9.251831220e-04, v58  }
0x161: {  	v63 =	vnsel vm8, $0x0, v57;
	v32 =	vadd.f32 v61, v25;
	v25 =	vsub.f32 v28, v33  }
0x162: {  	s19 =	simm.s32 $0x4;
	s20 =	simm.s32 $0x80;
	v33 =	vadd.f32 v63, v26;
	v26 =	vadd.f32 v60, v27;
	v27 =	vsel vm4, $0x0, v62  }
.LBB2_16:
0x163: {  	s21 =	sand.u32 $0x40, s20;
	s18 =	sadd.s32 $0x200, s18;
	v27 =	vadd.f32 v27, v32;
	v31 =	vnsel vm6, $0x0, v31;
	v32 =	vsub.f32 v29, v18;
	v18 =	vmovc v16  }
0x164: {  	v25 =	vsel vm1, $0x0, v25;
	s22 =	sand.u32 $0xC00, s18;
	s21 =	sor.u32 s21, s16;
	v16 =	vld [tilespmem:s17+$0x4000];
	v31 =	vadd.f32 v31, v33;
	v26 =	vadd.f32 v30, v26  }
0x165: {  	v30 =	vsel vm5, $0x3F800000, v6;
	s21 =	sor.u32 s22, s21;
	v25 =	vadd.f32 v25, v27;
	v27 =	vnsel vm5, $0x0, v28  }
0x166: {  	s22 =	sor.u32 $0x4030, s17;
	v28 =	vld [tilespmem:s21+$0x0];
	v27 =	vadd.f32 v27, v31;
	v30 =	vadd.f32 v30, v26;
	v26 =	vsel vm0, $0x0, v32  }
0x167: {  	s23 =	sor.u32 $0x4020, s17;
	v31 =	vld [tilespmem:s22+$0x0];
	v25 =	vadd.f32 v26, v25;
	v26 =	vnsel vm3, $0x0, v29;
	v29 =	vsel vm3, $0x3F800000, v6  }
0x168: {  	v22 =	vmul.f32 $1.442695020e+00, v22;
	s22 =	sor.u32 $0x4010, s17;
	s17 =	smov.u32 s21;
	v32 =	vld [tilespmem:s23+$0x0];
	v26 =	vadd.f32 v26, v27;
	v27 =	vadd.f32 v29, v30  }
0x169: {  	v23 =	vmul.f32 $1.442695020e+00, v23;
	v30 =	vsub.f32 $0.0e+00, v20;
	vm2 =	vne.f32 v16, $1.000000000e+00;
	v29 =	vld [tilespmem:s22+$0x0]  }
0x16a: {  	v24 =	vmul.f32 $1.442695020e+00, v24;
	vm3 =	vlt.s32 v13, $0x0;
	s21 =	sor.u32 $0x30, s17;
	(erf) = vpow2.f32 v22  }
0x16b: {  	s22 =	sor.u32 $0x20, s17;
	v22 =	vmin.u32 v13, $0xFFFFFFFE;
	v30 =	vmul.f32 $1.442695020e+00, v30;
	v16 =	vld [tilespmem:s21+$0x0];
	(erf) = vpow2.f32 v23  }
0x16c: {  	v34 =	vmax.f32 v13, $0.0e+00;
	v23 =	vand.u32 $0x7FFFFFFF, v28;
	s21 =	sor.u32 $0x10, s17;
	v33 =	vld [tilespmem:s22+$0x0];
	(erf) = vpow2.f32 v24  }
0x16d: {  	vm0 =	vne.f32 v31, $1.000000000e+00;
	v35 =	vld [tilespmem:s21+$0x0];
	vm1 =	vne.f32 v32, $1.000000000e+00;
	(erf) = vpow2.f32 v30  }
0x16e: {  	vm7 =	vlt.s32 v18, $0x0;
	v24 =	vmin.u32 v18, $0xFFFFFFFE;
	vm4 =	vne.f32 v29, $1.000000000e+00  }
0x16f: {  	vm6 =	vlt.s32 v14, $0x0;
	v30 =	vmax.f32 v18, $0.0e+00;
	v29 =	vmin.u32 v14, $0xFFFFFFFE  }
0x170: {  	vm5 =	vlt.s32 v15, $0x0;
	v31 =	vmin.u32 v15, $0xFFFFFFFE;
	v32 =	vmax.f32 v14, $0.0e+00  }
0x171: {  	v36 =	vxor.u32 $0x80000000, v17;
	v38 =	vmax.f32 v15, $0.0e+00;
	v37 =	vxor.u32 $0xFFFFFFFF, v22;
	v17 =	vmovc v23  }
0x172: {  	v41 =	vand.u32 $0x7FFFFFFF, v16;
	v40 =	vand.u32 $0x7FFFFFFF, v33;
	v39 =	vand.u32 $0x7FFFFFFF, v35  }
0x173: {  	v21 =	vxor.u32 $0x80000000, v21;
	v22 =	vsub.f32 $0.0e+00, v17;
	v42 =	vxor.u32 $0xFFFFFFFF, v24;
	v43 =	vpop (erf)  }
0x174: {  	v44 =	vxor.u32 $0x80000000, v20;
	v29 =	vxor.u32 $0xFFFFFFFF, v29;
	v24 =	vmul.f32 $1.066843050e-01, v43;
	v45 =	vpop (erf)  }
0x175: {  	v36 =	vsel vm3, v37, v36;
	v37 =	vxor.u32 $0x80000000, v19;
	v31 =	vxor.u32 $0xFFFFFFFF, v31;
	v46 =	vpop (erf)  }
0x176: {  	v23 =	vsub.f32 $0.0e+00, v41;
	v47 =	vadd.f32 $-3.935345710e-01, v24;
	v48 =	vmul.f32 $1.066843050e-01, v46;
	v49 =	vpop (erf)  }
0x177: {  	v20 =	vmovc v40;
	v19 =	vmovc v39;
	v51 =	vmul.f32 $1.066843050e-01, v45;
	v24 =	vsub.f32 $0.0e+00, v39;
	v50 =	vmul.f32 $1.066843050e-01, v49  }
0x178: {  	v42 =	vsel vm7, v42, v21;
	v21 =	vmovc v41;
	v39 =	vmul.f32 v47, v43;
	v40 =	vadd.f32 $-3.935345710e-01, v48  }
0x179: {  	v29 =	vsel vm6, v29, v44;
	v44 =	vadd.f32 $-3.935345710e-01, v51;
	v41 =	vadd.f32 $-3.935345710e-01, v50  }
0x17a: {  	v31 =	vsel vm5, v31, v37;
	v39 =	vadd.f32 $9.797525400e-01, v39;
	v40 =	vmul.f32 v40, v46  }
0x17b: {  	vm3 =	vgt.u32 v36, v12;
	v37 =	vmul.f32 v44, v45;
	v36 =	vmul.f32 v41, v49  }
0x17c: {  	vm5 =	vgt.u32 v42, v12;
	v39 =	vmul.f32 v39, v43;
	v40 =	vadd.f32 $9.797525400e-01, v40  }
0x17d: {  	vm6 =	vgt.u32 v29, v12;
	v29 =	vadd.f32 $9.797525400e-01, v37;
	v36 =	vadd.f32 $9.797525400e-01, v36  }
0x17e: {  	vm7 =	vgt.u32 v31, v12;
	v34 =	vadd.f32 v39, v34;
	v37 =	vmul.f32 v40, v46  }
0x17f: {  	vm8 =	vmand vm2, vm3;
	v29 =	vmul.f32 v29, v45;
	v31 =	vmul.f32 v36, v49  }
0x180: {  	s19 =	sadd.s32 $0x4, s19;
	vm3 =	vmand vm0, vm5;
	v34 =	vadd.f32 $9.251831220e-04, v34;
	v36 =	vadd.f32 v37, v38  }
0x181: {  	p0 =	slt.u32 s19, $0x1C;
	vm5 =	vmand vm1, vm6;
	v29 =	vadd.f32 v29, v30;
	v32 =	vadd.f32 v31, v32  }
.Ltmp6:
0x182: {  	vm6 =	vmand vm4, vm7;
	v37 =	vsub.f32 v34, v13;
	v31 =	vadd.f32 $9.251831220e-04, v36;
	v13 =	vmovc v28;
	(pc) =	sbr.rel @p0 .LBB2_16-.Ltmp6, $4  }
0x183: {  	v30 =	vsel vm6, $0x3F800000, v6;
	v36 =	vsel vm8, $0x3F800000, v6;
	v28 =	vadd.f32 $9.251831220e-04, v32  }
0x184: {  	v29 =	vadd.f32 $9.251831220e-04, v29;
	v32 =	vsel vm2, $0x0, v37;
	v37 =	vsub.f32 v31, v15;
	v15 =	vmovc v35  }
0x185: {  	v34 =	vnsel vm8, $0x0, v34;
	v32 =	vadd.f32 v32, v25;
	v25 =	vsub.f32 v28, v14;
	v14 =	vmovc v33  }
0x186: {  	s20 =	sadd.s32 $0x40, s20;
	v33 =	vadd.f32 v34, v26;
	v26 =	vadd.f32 v36, v27;
	v27 =	vsel vm4, $0x0, v37  }
0x187: {  	v27 =	vadd.f32 v27, v32;
	v31 =	vnsel vm6, $0x0, v31  }
0x188: {  	v18 =	vsub.f32 v29, v18;
	v25 =	vsel vm1, $0x0, v25;
	v36 =	vsel vm5, $0x3F800000, v6  }
0x189: {  	v22 =	vmul.f32 $1.442695020e+00, v22;
	v38 =	vsub.f32 $0.0e+00, v20;
	v23 =	vmul.f32 $1.442695020e+00, v23  }
0x18a: {  	v24 =	vmul.f32 $1.442695020e+00, v24;
	v41 =	vnsel vm3, $0x0, v29;
	v29 =	vsel vm3, $0x3F800000, v6  }
0x18b: {  	vm4 =	vlt.s32 v13, $0x0;
	vm11 =	vlt.s32 v16, $0x0;
	v25 =	vadd.f32 v25, v27  }
0x18c: {  	v42 =	vmin.u32 v16, $0xFFFFFFFE;
	v18 =	vsel vm0, $0x0, v18;
	(erf) = vpow2.f32 v22  }
0x18d: {  	(erf) = vpow2.f32 v23;
	v18 =	vadd.f32 v18, v25;
	v25 =	vmul.f32 $1.442695020e+00, v38  }
0x18e: {  	vm12 =	vlt.s32 v14, $0x0;
	vm7 =	vlt.s32 v15, $0x0;
	(erf) = vpow2.f32 v24  }
0x18f: {  	s16 =	sor.u32 $0x4030, s17;
	v43 =	vmax.f32 v14, $0.0e+00;
	v17 =	vxor.u32 $0x80000000, v17;
	(erf) = vpow2.f32 v25  }
0x190: {  	s18 =	sor.u32 $0x4020, s17;
	v44 =	vmax.f32 v15, $0.0e+00;
	v21 =	vxor.u32 $0x80000000, v21;
	v31 =	vadd.f32 v31, v33;
	v37 =	vld [tilespmem:s16+$0x0]  }
0x191: {  	s31 =	sor.u32 $0x4010, s17;
	v47 =	vxor.u32 $0x80000000, v20;
	v26 =	vadd.f32 v30, v26;
	v39 =	vld [tilespmem:s18+$0x0];
	v27 =	vnsel vm5, $0x0, v28  }
0x192: {  	v19 =	vxor.u32 $0x80000000, v19;
	v40 =	vld [tilespmem:s31+$0x0];
	v22 =	vxor.u32 $0xFFFFFFFF, v42;
	v27 =	vadd.f32 v27, v31  }
0x193: {  	v26 =	vadd.f32 v36, v26;
	v21 =	vsel vm11, v22, v21;
	v25 =	vmin.u32 v13, $0xFFFFFFFE  }
0x194: {  	v28 =	vld [tilespmem:s17+$0x4000];
	vm5 =	vgt.u32 v21, v12;
	v23 =	vadd.f32 v41, v27;
	v25 =	vxor.u32 $0xFFFFFFFF, v25  }
0x195: {  	v24 =	vadd.f32 v29, v26;
	v26 =	vmax.f32 v13, $0.0e+00;
	v27 =	vmin.u32 v14, $0xFFFFFFFE;
	v45 =	vpop (erf)  }
0x196: {  	v29 =	vmin.u32 v15, $0xFFFFFFFE;
	vm1 =	vne.f32 v39, $1.000000000e+00;
	v46 =	vmul.f32 $1.066843050e-01, v45;
	v34 =	vpop (erf)  }
0x197: {  	vm0 =	vne.f32 v37, $1.000000000e+00;
	vm2 =	vne.f32 v40, $1.000000000e+00;
	v17 =	vsel vm4, v25, v17;
	v25 =	vpop (erf)  }
0x198: {  	v27 =	vxor.u32 $0xFFFFFFFF, v27;
	v33 =	vadd.f32 $-3.935345710e-01, v46;
	v35 =	vmul.f32 $1.066843050e-01, v25;
	v36 =	vpop (erf)  }
0x199: {  	v29 =	vxor.u32 $0xFFFFFFFF, v29;
	vm3 =	vne.f32 v28, $1.000000000e+00;
	v37 =	vmul.f32 $1.066843050e-01, v36  }
0x19a: {  	v38 =	vmul.f32 $1.066843050e-01, v34;
	v33 =	vmul.f32 v33, v45;
	v35 =	vadd.f32 $-3.935345710e-01, v35  }
0x19b: {  	v28 =	vmax.f32 v16, $0.0e+00;
	v20 =	vsel vm12, v27, v47;
	v48 =	vadd.f32 $-3.935345710e-01, v37  }
0x19c: {  	v27 =	vadd.f32 $-3.935345710e-01, v38;
	v33 =	vadd.f32 $9.797525400e-01, v33;
	v35 =	vmul.f32 v35, v25  }
0x19d: {  	v19 =	vsel vm7, v29, v19;
	vm13 =	vmand vm0, vm5;
	v49 =	vmul.f32 v48, v36  }
0x19e: {  	v50 =	vmul.f32 v27, v34;
	v27 =	vmul.f32 v33, v45;
	v29 =	vadd.f32 $9.797525400e-01, v35  }
0x19f: {  	vm6 =	vgt.u32 v20, v12;
	vm4 =	vgt.u32 v17, v12;
	v17 =	vadd.f32 $9.797525400e-01, v49  }
0x1a0: {  	vm7 =	vgt.u32 v19, v12;
	v52 =	vadd.f32 v27, v26;
	v53 =	vmul.f32 v29, v25  }
0x1a1: {  	vm14 =	vmand vm1, vm6;
	v51 =	vadd.f32 $9.797525400e-01, v50;
	v17 =	vmul.f32 v17, v36  }
0x1a2: {  	vm15 =	vmand vm2, vm7;
	v55 =	vadd.f32 $9.251831220e-04, v52;
	v56 =	vadd.f32 v53, v44  }
0x1a3: {  	vm8 =	vmand vm3, vm4;
	v54 =	vmul.f32 v51, v34;
	v17 =	vadd.f32 v17, v43  }
0x1a4: {  	v57 =	vsel vm8, $0x3F800000, v6;
	v13 =	vsub.f32 v55, v13;
	v21 =	vadd.f32 $9.251831220e-04, v56  }
0x1a5: {  	v59 =	vadd.f32 v57, v24;
	v25 =	vsel vm15, $0x3F800000, v6;
	v19 =	vadd.f32 v54, v28  }
0x1a6: {  	v17 =	vadd.f32 $9.251831220e-04, v17;
	v13 =	vsel vm3, $0x0, v13;
	v15 =	vsub.f32 v21, v15  }
0x1a7: {  	v19 =	vadd.f32 $9.251831220e-04, v19;
	v58 =	vnsel vm8, $0x0, v55;
	v13 =	vadd.f32 v13, v18  }
0x1a8: {  	s15 =	sadd.s32 $0x1, s15;
	v18 =	vadd.f32 v58, v23;
	v14 =	vsub.f32 v17, v14;
	v15 =	vsel vm2, $0x0, v15  }
0x1a9: {  	p0 =	sne.s32 s15, $0x20;
	v61 =	vadd.f32 v25, v59;
	v13 =	vadd.f32 v15, v13;
	v15 =	vnsel vm15, $0x0, v21  }
.Ltmp7:
0x1aa: {  	v60 =	vsub.f32 v19, v16;
	v15 =	vadd.f32 v15, v18;
	v14 =	vsel vm1, $0x0, v14;
	(pc) =	sbr.rel @p0 .LBB2_15-.Ltmp7, $4  }
0x1ab: {  	v62 =	vsel vm14, $0x3F800000, v6;
	v13 =	vadd.f32 v14, v13;
	v14 =	vnsel vm14, $0x0, v17  }
0x1ac: {  	v16 =	vsel vm0, $0x0, v60;
	v14 =	vadd.f32 v14, v15;
	v15 =	vadd.f32 v62, v61  }
0x1ad: {  	v63 =	vsel vm13, $0x3F800000, v6;
	v25 =	vadd.f32 v16, v13;
	v13 =	vnsel vm13, $0x0, v19  }
0x1ae: {  	v26 =	vadd.f32 v13, v14;
	v27 =	vadd.f32 v63, v15  }
0x1af: {  	s14 =	sadd.s32 $0x1, s14  }
0x1b0: {  	p0 =	sne.s32 s14, $0x10  }
.Ltmp8:
0x1b1: {  	_ = 	snop;
	(pc) =	sbr.rel @p0 .LBB2_14-.Ltmp8, $1  }
0x1b2: {  	_ =	sdelay $0x3  }
0x1b3: {  	vm0 =	vlt.s32 v12, $0x0;
	v13 =	vand.u32 $0x7FFFFFFF, v12;
	v51 =	vxor.u32 $0xFFFFFFFF, v12  }
0x1b4: {  	v12 =	vsel vm0, v13, v51  }
0x1b5: {  	v13 =	vand.u32 $0x7FFFFFFF, v12  }
0x1b6: {  	v13 =	vsub.f32 $0.0e+00, v13;
	_ =	sdelay $0x1  }
0x1b7: {  	v13 =	vmul.f32 $1.442695020e+00, v13;
	_ =	sdelay $0x1  }
0x1b8: {  	(erf) = vpow2.f32 v13;
	_ =	sdelay $0x5  }
0x1b9: {  	v52 =	vperm.xlane v27, v7;
	_ =	sdelay $0x1  }
0x1ba: {  	v13 =	vadd.f32 v52, v27  }
0x1bb: {  	v14 =	vpop (erf)  }
0x1bc: {  	v15 =	vperm.xlane v13, v8;
	v16 =	vmul.f32 $1.066843050e-01, v14  }
0x1bd: {  	v17 =	vperm.xlane v26, v7  }
0x1be: {  	v13 =	vadd.f32 v15, v13;
	v53 =	vadd.f32 $-3.935345710e-01, v16  }
0x1bf: {  	v54 =	vperm.xlane v25, v7;
	v17 =	vadd.f32 v17, v26  }
0x1c0: {  	v18 =	vperm.xlane v13, v9;
	v15 =	vmul.f32 v53, v14  }
0x1c1: {  	v19 =	vperm.xlane v17, v8;
	v16 =	vadd.f32 v54, v25  }
0x1c2: {  	v13 =	vadd.f32 v18, v13;
	v15 =	vadd.f32 $9.797525400e-01, v15  }
0x1c3: {  	v17 =	vadd.f32 v19, v17;
	v55 =	vperm.xlane v16, v8  }
0x1c4: {  	v56 =	vperm.xlane v13, v3;
	v14 =	vmul.f32 v15, v14  }
0x1c5: {  	v12 =	vmax.f32 v12, $0.0e+00;
	v57 =	vperm.xlane v17, v9;
	v16 =	vadd.f32 v55, v16  }
0x1c6: {  	v58 =	vcvt.s32.f32 v11;
	v13 =	vadd.f32 v56, v13;
	v12 =	vadd.f32 v14, v12  }
0x1c7: {  	v59 =	vadd.f32 v57, v17;
	v60 =	vperm.xlane v16, v9  }
0x1c8: {  	v13 =	vsub.f32 v58, v13;
	v12 =	vadd.f32 $9.251831220e-04, v12  }
0x1c9: {  	v61 =	vperm.xlane v59, v3;
	v16 =	vadd.f32 v60, v16  }
0x1ca: {  	v12 =	vmul.f32 v13, v12  }
0x1cb: {  	vm15 =	vgt.s32 v11, $0x0;
	v15 =	vadd.f32 v61, v59;
	v62 =	vperm.xlane v16, v3  }
0x1cc: {  	v11 =	vnsel vm15, $0x0, v12  }
0x1cd: {  	v63 =	vadd.f32 v62, v16;
	v11 =	vadd.f32 v11, v15  }
0x1ce: {  	[tilespmem:$0x8100] =	vst v6;
	v10 =	vadd.f32 v58, v10  }
0x1cf: {  	[tilespmem:$0x8180] =	vst v6;
	s12 =	sadd.s32 $0x1, s12;
	v11 =	vadd.f32 v11, v63  }
0x1d0: {  	p0 =	sne.s32 s12, s8;
	[tilespmem:$0x8080] =	vst v10  }
.Ltmp9:
0x1d1: {  	[tilespmem:$0x8000] =	vst v11;
	(pc) =	sbr.rel @p0 .LBB2_1-.Ltmp9, $4  }
0x1d2: {  	[hbm4b:s7+s2] =	stream.linear.scatter [tilespmem:s11], [sflag:$0x1], $0x200, $0x38;
	[tilespmem:$0x8200] =	vst v63  }
0x1d3: {  	_ =	swait.ge [sflag:s10], $0x200  }
0x1d4: {  	[sflag:s10] =	ssyncset.done $0x0  }
0x1d5: {  	[sflag:s10] =	ssyncadd.s32 $0xFFFFFE00  }
0x1d6: {  	_ =	sfence.sel $0x180000  }
0x1d7: {  	[bflag:$0x0] =	sbarrier.arrive $0xFFFF  }
0x1d8: {  	p0 =	sne.s32 s1, $0x0;
	_ =	strace $0x90000047  }
0x1d9: {  	s0 =	sadd.s32 @!p0 $0x100000, s0;
	[bflag:$0x2] =	sbarrier.arrive $0xFFFF  }
0x1da: {  	[sflag:s0] =	ssyncadd.tile.s32 @!p0 $0x1;
	_ =	shalt  }
.Lfunc_end2:
_tile_overlayer_lowered:
.L_overlay_start_2:
0x1db: {  	(tag) =	ssettag $0x2  }
0x1dc: {  	s0 =	rddreg [dreg:$0x0];
	s2 =	stileid.u32  }
0x1dd: {  	s1 =	rddreg [dreg:$0x1];
	p0 =	sne.s32 s2, $0x0  }
0x1de: {  	s3 =	rddreg [dreg:$0x2];
	[bflag:$0x3] =	sbarrier.arrive $0xFFFF;
	s2 =	simm.s32 @!p0 $0x1C01  }
0x1df: {  	[timem:s3], [sflag:s2] =	dma.local @!p0 [hbm:s0], s1  }
0x1e0: {  	s0 =	simm.s32 @!p0 $0x1  }
0x1e1: {  	_ =	swait.ge @!p0 [sflag:s0], s1  }
0x1e2: {  	s1 =	ssub.s32 @!p0 $0x0, s1;
	[sflag:s0] =	ssyncset.done @!p0 $0x0  }
0x1e3: {  	[sflag:s0] =	ssyncadd.s32 @!p0 s1  }
0x1e4: {  	[bflag:$0x3] =	sbarrier.arrive $0xFFFF  }
0x1e5: {  	_ =	shalt  }

// kernel: kernel.4.cloned.1.call-start
scs
__scs_entry_jumppad:
0x0: {  	(pc) =	sbr.rel $0x88, $3  }
0x1: {  	(tag) =	ssettag $0x0;
	lr =	simm.s32 $0x1  }
0x2: {  	[smem:$0x3F9F] =	sst lr;
	_ =	strace $0xD0000000  }
0x3: {  	_ = 	snop  }
0x4: {  	_ = 	snop  }
0x5: {  	_ = 	snop  }
0x6: {  	_ = 	snop  }
0x7: {  	_ = 	snop  }
__scs_overlays_trampoline_lowered:
0x8: {  	[smem:$0x3FAE] =	sst s0  }
0x9: {  	[smem:$0x3FAF] =	sst s1  }
0xa: {  	[smem:$0x3FB0] =	sst s2  }
0xb: {  	[smem:$0x3FB1] =	sst s3  }
0xc: {  	[smem:$0x3FB2] =	sst s4  }
0xd: {  	[smem:$0x3FB3] =	sst s5  }
0xe: {  	[smem:$0x3FB4] =	sst s6  }
0xf: {  	[smem:$0x3FB5] =	sst s7  }
0x10: {  	[smem:$0x3FB6] =	sst s8  }
0x11: {  	[smem:$0x3FB7] =	sst s9;
	s0 =	simm.s32 @!p0 $0x0  }
0x12: {  	s1 =	sld [smem:$0x3F9D];
	s0 =	simm.s32 @p0 $0x1  }
0x13: {  	[smem:$0x3FB8] =	sst s0;
	s0 =	simm.s32 @!p1 $0x0  }
0x14: {  	s2 =	sld [smem:$0x3F9C];
	s0 =	simm.s32 @p1 $0x1  }
0x15: {  	[smem:$0x3FB9] =	sst s0;
	s0 =	simm.s32 @!p2 $0x0  }
0x16: {  	s3 =	sld [smem:$0x3FDB];
	s0 =	simm.s32 @p2 $0x1  }
0x17: {  	s4 =	simm.s32 $0x1BF5;
	[smem:$0x3FBB] =	sst s0  }
0x18: {  	s0 =	sld [smem:$0x3F9E];
	_ =	swait.ge [sflag:s4], $0x0  }
0x19: {  	s7 =	sld [smem:$0x3F9F]  }
0x1a: {  	s8 =	sadd.s32 $0xFFFFE003, lr  }
0x1b: {  	s9 =	sadd.s32 $0xFFFFFEF7, lr;
	s5 =	simm.s32 $0xFFFFFFFF;
	p2 =	slt.u32 s8, $0xFFFFF086  }
0x1c: {  	p1 =	slt.u32 s9, $0xF7A;
	s5 =	simm.s32 @!p2 $0x0  }
0x1d: {  	s5 =	simm.s32 @p1 $0x1;
	p0 =	seq.s32 s7, s2  }
0x1e: {  	s7 =	smul.u32 @!p0 $0xF7A, s2;
	p2 =	seq.s32 @!p0 s5, $0x0  }
0x1f: {  	s9 =	smul.u32 $0xF7A, s1;
	s8 =	simm.s32 @!p0 $0x1BF5;
	p2 =	por !p2, p0  }
0x20: {  	[sflag:s8] =	ssyncset.s32 @!p0 $0xFFFFF086;
	s6 =	sadd.s32 @!p0 s3, s7;
	s7 =	simm.s32 @!p0 $0x108  }
0x21: {  	s3 =	sadd.s32 s3, s9;
	s6 =	sadd.s32 @!p0 $0x88, s6;
	s7 =	simm.s32 @p2 $0x1082  }
0x22: {  	[simem:s7], [sflag:s8] =	dma.local @!p0 [hbm:s6], $0xF7A  }
0x23: {  	s9 =	sor.u32 $0xD0000000, s2;
	s6 =	simm.s32 $0x108;
	_ =	swait.ge @!p0 [sflag:s8], $0x0  }
0x24: {  	s3 =	sadd.s32 $0x88, s3;
	s6 =	simm.s32 @!p1 $0x1082;
	[sflag:s4] =	ssyncset.s32 $0xFFFFF086  }
0x25: {  	[simem:s6], [sflag:s4] =	dma.local [hbm:s3], $0xF7A  }
0x26: {  	[smem:$0x3F9F] =	sst s1;
	(tag) =	ssettag s2;
	_ =	strace s9  }
0x27: {  	s1 =	sld [smem:$0x3FAF]  }
0x28: {  	s2 =	sld [smem:$0x3FB0]  }
0x29: {  	s4 =	sld [smem:$0x3FB2]  }
0x2a: {  	p0 =	seq.s32 s5, $0x0;
	s5 =	sld [smem:$0x3FB3]  }
0x2b: {  	s6 =	sld [smem:$0x3FB4]  }
0x2c: {  	s7 =	sld [smem:$0x3FB5]  }
0x2d: {  	s3 =	simm.s32 $0x108;
	s8 =	sld [smem:$0x3FB6]  }
0x2e: {  	s3 =	simm.s32 @!p0 $0x1082;
	s9 =	sld [smem:$0x3FB7]  }
0x2f: {  	lr =	sadd.s32 s0, s3;
	s0 =	sld [smem:$0x3FAE]  }
0x30: {  	s3 =	sld [smem:$0x3FB1]  }
0x31: {  	[smem:$0x3FBA] =	sst s10  }
0x32: {  	s10 =	sld [smem:$0x3FB8];
	_ =	sdelay $0x3  }
0x33: {  	p0 =	seq.s32 s10, $0x1;
	s10 =	sld [smem:$0x3FBA];
	_ =	sdelay $0x3  }
0x34: {  	[smem:$0x3FBA] =	sst s10  }
0x35: {  	s10 =	sld [smem:$0x3FB9];
	_ =	sdelay $0x3  }
0x36: {  	p1 =	seq.s32 s10, $0x1;
	s10 =	sld [smem:$0x3FBA];
	_ =	sdelay $0x3  }
0x37: {  	[smem:$0x3FBA] =	sst s10  }
0x38: {  	s10 =	sld [smem:$0x3FBB]  }
0x39: {  	_ = 	snop;
	(pc) =	sbr.ind lr, $3  }
0x3a: {  	_ = 	snop  }
0x3b: {  	_ = 	snop  }
0x3c: {  	p2 =	seq.s32 s10, $0x1;
	s10 =	sld [smem:$0x3FBA]  }
0x3d: {  	_ =	shalt  }
0x3e: {  	_ =	shalt  }
0x3f: {  	_ =	shalt  }
0x40: {  	_ =	shalt  }
0x41: {  	_ =	shalt  }
0x42: {  	_ =	shalt  }
0x43: {  	_ =	shalt  }
0x44: {  	_ =	shalt  }
0x45: {  	_ =	shalt  }
0x46: {  	_ =	shalt  }
0x47: {  	_ =	shalt  }
0x48: {  	_ =	shalt  }
0x49: {  	_ =	shalt  }
0x4a: {  	_ =	shalt  }
0x4b: {  	_ =	shalt  }
0x4c: {  	_ =	shalt  }
0x4d: {  	_ =	shalt  }
0x4e: {  	_ =	shalt  }
0x4f: {  	_ =	shalt  }
0x50: {  	_ =	shalt  }
0x51: {  	_ =	shalt  }
0x52: {  	_ =	shalt  }
0x53: {  	_ =	shalt  }
0x54: {  	_ =	shalt  }
0x55: {  	_ =	shalt  }
0x56: {  	_ =	shalt  }
0x57: {  	_ =	shalt  }
0x58: {  	_ =	shalt  }
0x59: {  	_ =	shalt  }
0x5a: {  	_ =	shalt  }
0x5b: {  	_ =	shalt  }
0x5c: {  	_ =	shalt  }
0x5d: {  	_ =	shalt  }
0x5e: {  	_ =	shalt  }
0x5f: {  	_ =	shalt  }
0x60: {  	_ =	shalt  }
0x61: {  	_ =	shalt  }
0x62: {  	_ =	shalt  }
0x63: {  	_ =	shalt  }
0x64: {  	_ =	shalt  }
0x65: {  	_ =	shalt  }
0x66: {  	_ =	shalt  }
0x67: {  	_ =	shalt  }
0x68: {  	_ =	shalt  }
0x69: {  	_ =	shalt  }
0x6a: {  	_ =	shalt  }
0x6b: {  	_ =	shalt  }
0x6c: {  	_ =	shalt  }
0x6d: {  	_ =	shalt  }
0x6e: {  	_ =	shalt  }
0x6f: {  	_ =	shalt  }
0x70: {  	_ =	shalt  }
0x71: {  	_ =	shalt  }
0x72: {  	_ =	shalt  }
0x73: {  	_ =	shalt  }
0x74: {  	_ =	shalt  }
0x75: {  	_ =	shalt  }
0x76: {  	_ =	shalt  }
0x77: {  	_ =	shalt  }
0x78: {  	_ =	shalt  }
0x79: {  	_ =	shalt  }
0x7a: {  	_ =	shalt  }
0x7b: {  	_ =	shalt  }
0x7c: {  	_ =	shalt  }
0x7d: {  	_ =	shalt  }
0x7e: {  	_ =	shalt  }
0x7f: {  	_ =	shalt  }
0x80: {  	_ =	shalt  }
0x81: {  	_ =	shalt  }
0x82: {  	_ =	shalt  }
0x83: {  	_ =	shalt  }
0x84: {  	_ =	shalt  }
0x85: {  	_ =	shalt  }
0x86: {  	_ =	shalt  }
0x87: {  	_ =	shalt  }
.Lfunc_end0:
.L_simem_size_0:
called_computation.1_lowered:
.L_overlay_start_0:
0x88: {  	s2 =	sld [smem:$0x3FD9]  }
0x89: {  	s3 =	sld [smem:$0x3FFE];
	_ =	sdelay $0x1  }
0x8a: {  	s1 =	srdreg.scid  }
0x8b: {  	s0 =	sand.u32 $0x1, s1  }
0x8c: {  	s17 =	sshll.u32 s0, $0xA;
	s2 =	sadd.s32 s3, s2  }
0x8d: {  	s2 =	sadd.s32 s2, s17  }
0x8e: {  	[smem:$0x3FC6] =	sst s2  }
0x8f: {  	_ = 	snop  }
0x90: {  	s2 =	sld [smem:$0x3FC9];
	(tm) =	ssettm $0x1  }
0x91: {  	s18 =	sld [smem:$0x3FFB];
	_ =	sdelay $0x3  }
0x92: {  	_ =	strace s18  }
0x93: {  	s3 =	sld [smem:$0x3FFC];
	_ =	sdelay $0x3  }
0x94: {  	_ =	strace s3  }
0x95: {  	s3 =	sld [smem:$0x3FFD];
	_ =	sdelay $0x3  }
0x96: {  	_ =	strace s3  }
0x97: {  	_ =	strace $0x8FFFFFFF  }
0x98: {  	s19 =	sld [smem:$0x3FDB];
	_ =	sdelay $0x1  }
0x99: {  	s4 =	simm.s32 $_scs_section_size  }
0x9a: {  	s5 =	simm.s32 $_size__tile_overlayer_lowered;
	s6 =	simm.s32 $_tile_overlayer_lowered  }
0x9b: {  	s22 =	simm.s32 $0x1BFF;
	s21 =	sshll.u32 s6, $0x1;
	s3 =	sadd.s32 s4, s19  }
0x9c: {  	s7 =	simm.s32 $0x0;
	s20 =	sshll.u32 s5, $0x1;
	s5 =	sadd.s32 s21, s3  }
0x9d: {  	[timem:s7], [sflag:s22] =	dma.local [hbm:s5], s20  }
0x9e: {  	_ =	swait.ge [sflag:s22], s20  }
0x9f: {  	s4 =	ssub.s32 $0x0, s20;
	[sflag:s22] =	ssyncset.done $0x0  }
0xa0: {  	[sflag:s22] =	ssyncadd.s32 s4;
	_ =	sdelay $0x1  }
0xa1: {  	s23 =	simm.s32 $0x1B8B  }
0xa2: {  	_ =	swait.ge [sflag:s23], $0x1  }
0xa3: {  	[sflag:s23] =	ssyncset.done $0x0  }
0xa4: {  	s25 =	simm.s32 $0x1B8E;
	s24 =	sld [smem:$0x3FFE];
	[sflag:s23] =	ssyncadd.s32 $0xFFFFFFFF  }
0xa5: {  	s26 =	simm.s32 $execute0_lowered;
	[smem:$0x3FD2] =	sst s25  }
0xa6: {  	s5 =	sshll.u32 s26, $0x1;
	_ =	strace $0x80000049;
	[dreg:$0x1] =	wrdreg $0xFFFFFFFF  }
0xa7: {  	s28 =	simm.s32 $_size_execute0_lowered;
	s3 =	sadd.s32 s3, s5;
	[dreg:$0x0] =	wrdreg $0x0  }
0xa8: {  	s5 =	sshll.u32 s28, $0x1;
	[dreg:$0x2] =	wrdreg s3  }
0xa9: {  	[dreg:$0x3] =	wrdreg s5  }
0xaa: {  	[dreg:$0x4] =	wrdreg $0xC0  }
0xab: {  	_ =	task [dreg:s7], $0x5FFFF  }
0xac: {  	[dreg:$0x1] =	wrdreg $0xFFFFFFFF  }
0xad: {  	[dreg:$0x0] =	wrdreg $0x60  }
0xae: {  	[dreg:$0x2] =	wrdreg s2  }
0xaf: {  	[dreg:$0x3] =	wrdreg s24  }
0xb0: {  	[dreg:$0x4] =	wrdreg $0x9  }
0xb1: {  	_ =	task.clear_ibuf [dreg:s7], $0x5FFFF;
	_ =	strace $0x90000049  }
0xb2: {  	s29 =	simm.s32 $0x9;
	_ =	strace $0x8000004B  }
0xb3: {  	_ =	swait.ge [sflag:s29], $0x1  }
0xb4: {  	[sflag:s29] =	ssyncadd.s32 $0xFFFFFFFF  }
0xb5: {  	_ =	strace $0x9000004B  }
0xb6: {  	_ =	sfence  }
0xb7: {  	s30 =	sld [smem:$0x0];
	_ =	sdelay $0x2  }
0xb8: {  	s31 =	sshll.u32 s1, $0xD;
	s1 =	sshrl.u32 s1, $0x2  }
0xb9: {  	s3 =	sand.u32 $0x4000, s31;
	s1 =	sadd.s32 s1, s30  }
0xba: {  	s0 =	sor.u32 s3, s0;
	s1 =	sshll.u32 s1, $0x11  }
0xbb: {  	s0 =	sor.u32 s1, s0  }
0xbc: {  	s0 =	sadd.s32 $0x8F2B, s0  }
0xbd: {  	[sflag:s0] =	ssyncadd.remote.s32 $0x1  }
0xbe: {  	_ =	sfence.sel $0xFFFF  }
0xbf: {  	[dreg:$0x0] =	wrdreg $0xFFFFFFFF;
	(pc) =	sbr.abs _section_cstart, $3  }
0xc0: {  	[dreg:$0x1] =	wrdreg $0xFFFFFFFF  }
0xc1: {  	_ =	task.clear_ibuf [dreg:s7], $0x2FFFF;
	_ =	strace $0x9FFFFFFF  }
0xc2: {  	(tm) =	ssettm $0x7FFFFFFF  }
0xc3: {  	_ =	shalt  }
tec
execute0_lowered:
.L_overlay_start_1:
0x0: {  	(tag) =	ssettag $0x1  }
0x1: {  	s1 =	srdreg.scid  }
0x2: {  	s0 =	stileid.u32;
	s4 =	rddreg [dreg:$0x0]  }
0x3: {  	s5 =	rddreg [dreg:$0x1];
	s2 =	simm.s32 $0x0;
	s10 =	simm.s32 $0xA000  }
0x4: {  	s11 =	simm.s32 $0x3;
	s3 =	sand.u32 $0x1, s1;
	s29 =	sshll.u32 s0, $0x1  }
0x5: {  	s12 =	simm.s32 $0x0;
	s1 =	rddreg [dreg:$0x2];
	s6 =	sor.u32 s3, s29  }
0x6: {  	s8 =	sshll.u32 s0, $0x11;
	[smem:$0x7FF] =	sst s2;
	s7 =	sand.u32 $0x3, s6  }
0x7: {  	s3 =	ssub.s32 $0x2, s3;
	s8 =	sand.u32 $0x1C0000, s8;
	s7 =	smul.u32 $0xA000, s7  }
0x8: {  	_ =	strace $0x8000004A;
	s9 =	sshrl.u32 s3, $0x1;
	s6 =	sshll.u32 s6, $0x4  }
0x9: {  	s30 =	ssub.s32 s3, s9;
	s5 =	sadd.s32 s5, s6;
	s7 =	sor.u32 s8, s7  }
0xa: {  	s9 =	simm.s32 $0x2;
	s31 =	sshrl.u32 s7, $0x3;
	s7 =	sadd.s32 $0x5000, s7  }
0xb: {  	s6 =	smax.u32 s30, $0x1;
	s8 =	simm.s32 $0x1;
	s7 =	sshrl.u32 s7, $0x3  }
0xc: {  	s3 =	sadd.s32 s4, s31;
	s4 =	sadd.s32 s4, s7;
	s7 =	simm.s32 $0x5000  }
.LBB2_1:
0xd: {  	[tilespmem:s2], [sflag:$0x1] =	stream.linear.gather [hbm4b:s3+s2], $0x5000, $0x38;
	[tilespmem:$0xA080] =	vst v63  }
0xe: {  	_ = 	snop  }
0xf: {  	[tilespmem:s7], [sflag:$0x2] =	stream.linear.gather [hbm4b:s4+s2], $0x5000, $0x38;
	[tilespmem:$0xA080] =	vst v63  }
0x10: {  	_ =	swait.ge [sflag:s8], $0x5000  }
0x11: {  	s13 =	simm.s32 $0x0;
	[sflag:s8] =	ssyncset.done $0x0  }
0x12: {  	v6 =	vimm.f32 $0.0e+00;
	s14 =	simm.s32 $0x0;
	s15 =	simm.s32 $0x0;
	[sflag:s8] =	ssyncadd.s32 $0xFFFFB000  }
.LBB2_2:
0x13: {  	s16 =	sshll.u32 s14, $0x2;
	s17 =	sand.u32 $0x7, s13  }
0x14: {  	s16 =	sand.u32 $0xFFFFC000, s16;
	s17 =	sshll.u32 s17, $0x9  }
0x15: {  	s16 =	sor.u32 s17, s16  }
0x16: {  	s16 =	sshrl.u32 s16, $0x2  }
0x17: {  	s16 =	sor.u32 $0x40, s16  }
0x18: {  	v5 =	vld [tilespmem:s16+$0x30]  }
0x19: {  	v10 =	vld [tilespmem:s16+$0xFFFFFFC0]  }
0x1a: {  	v7 =	vld [tilespmem:s16+$0x20]  }
0x1b: {  	v11 =	vld [tilespmem:s16+$0xFFFFFFD0]  }
0x1c: {  	v12 =	vld [tilespmem:s16+$0xFFFFFFF0]  }
0x1d: {  	v13 =	vld [tilespmem:s16+$0xFFFFFFE0]  }
0x1e: {  	v14 =	vld [tilespmem:s16+$0x0]  }
0x1f: {  	v0 =	vand.u32 $0x7FFFFFFF, v10  }
0x20: {  	v0 =	vsub.f32 $0.0e+00, v0  }
0x21: {  	v1 =	vand.u32 $0x7FFFFFFF, v7;
	v2 =	vand.u32 $0x7FFFFFFF, v11;
	v3 =	vand.u32 $0x7FFFFFFF, v5  }
0x22: {  	v4 =	vand.u32 $0x7FFFFFFF, v12;
	v2 =	vsub.f32 $0.0e+00, v2;
	v0 =	vmul.f32 $1.442695020e+00, v0  }
0x23: {  	v9 =	vld [tilespmem:s16+$0x10];
	v8 =	vand.u32 $0x7FFFFFFF, v13;
	v15 =	vand.u32 $0x7FFFFFFF, v14;
	v3 =	vsub.f32 $0.0e+00, v3  }
0x24: {  	v8 =	vsub.f32 $0.0e+00, v8;
	v2 =	vmul.f32 $1.442695020e+00, v2;
	(erf) = vpow2.f32 v0  }
0x25: {  	s31 =	sadd.s32 $0x400, s16;
	v19 =	vmax.f32 v7, $0.0e+00;
	v4 =	vsub.f32 $0.0e+00, v4;
	v3 =	vmul.f32 $1.442695020e+00, v3  }
0x26: {  	v7 =	vld [tilespmem:s31+$0xFFFFFFD0];
	v16 =	vsub.f32 $0.0e+00, v1;
	v8 =	vmul.f32 $1.442695020e+00, v8;
	(erf) = vpow2.f32 v2  }
0x27: {  	v1 =	vld [tilespmem:s31+$0x20];
	v15 =	vsub.f32 $0.0e+00, v15;
	v17 =	vmul.f32 $1.442695020e+00, v4;
	(erf) = vpow2.f32 v3  }
0x28: {  	v18 =	vand.u32 $0x7FFFFFFF, v9;
	v16 =	vmul.f32 $1.442695020e+00, v16;
	v4 =	vld [tilespmem:s31+$0xFFFFFFF0];
	(erf) = vpow2.f32 v8  }
0x29: {  	v18 =	vsub.f32 $0.0e+00, v18;
	v15 =	vmul.f32 $1.442695020e+00, v15;
	v0 =	vld [tilespmem:s31+$0x30];
	(erf) = vpow2.f32 v17  }
0x2a: {  	v5 =	vmax.f32 v5, $0.0e+00;
	v2 =	vld [tilespmem:s31+$0x10];
	(erf) = vpow2.f32 v16  }
0x2b: {  	v20 =	vmax.f32 v14, $0.0e+00;
	v3 =	vld [tilespmem:s31+$0x0];
	v16 =	vmul.f32 $1.442695020e+00, v18;
	(erf) = vpow2.f32 v15  }
0x2c: {  	v22 =	vmax.f32 v10, $0.0e+00;
	v23 =	vmax.f32 v11, $0.0e+00;
	v29 =	vand.u32 $0x7FFFFFFF, v7;
	v8 =	vld [tilespmem:s31+$0xFFFFFFE0]  }
0x2d: {  	v17 =	vmax.f32 v9, $0.0e+00;
	v18 =	vmax.f32 v12, $0.0e+00;
	v21 =	vpop (erf);
	(erf) = vpow2.f32 v16  }
0x2e: {  	v9 =	vld [tilespmem:s31+$0xFFFFFFC0];
	v14 =	vand.u32 $0x7FFFFFFF, v0;
	v12 =	vand.u32 $0x7FFFFFFF, v4;
	v16 =	vmul.f32 $1.066843050e-01, v21  }
0x2f: {  	v15 =	vmax.f32 v13, $0.0e+00;
	v13 =	vand.u32 $0x7FFFFFFF, v1;
	v10 =	vand.u32 $0x7FFFFFFF, v2;
	v24 =	vpop (erf)  }
0x30: {  	v14 =	vsub.f32 $0.0e+00, v14;
	v26 =	vmul.f32 $1.066843050e-01, v24;
	v27 =	vpop (erf);
	v16 =	vadd.f32 $-3.935345710e-01, v16  }
0x31: {  	v11 =	vand.u32 $0x7FFFFFFF, v3;
	v13 =	vsub.f32 $0.0e+00, v13;
	v25 =	vand.u32 $0x7FFFFFFF, v8;
	v30 =	vpop (erf)  }
0x32: {  	v26 =	vadd.f32 $-3.935345710e-01, v26;
	v31 =	vmul.f32 $1.066843050e-01, v30;
	v32 =	vpop (erf);
	v16 =	vmul.f32 v16, v21  }
0x33: {  	v28 =	vand.u32 $0x7FFFFFFF, v9;
	v34 =	vmul.f32 $1.066843050e-01, v27;
	v33 =	vmul.f32 $1.066843050e-01, v32;
	v35 =	vpop (erf)  }
0x34: {  	v26 =	vmul.f32 v26, v24;
	v31 =	vadd.f32 $-3.935345710e-01, v31;
	v36 =	vpop (erf);
	v16 =	vadd.f32 $9.797525400e-01, v16  }
0x35: {  	v38 =	vmul.f32 $1.066843050e-01, v35;
	v33 =	vadd.f32 $-3.935345710e-01, v33;
	v37 =	vmul.f32 $1.066843050e-01, v36  }
0x36: {  	v47 =	vadd.f32 $9.797525400e-01, v26;
	v48 =	vmul.f32 v31, v30;
	v16 =	vmul.f32 v16, v21;
	v49 =	vpop (erf)  }
0x37: {  	v33 =	vmul.f32 v33, v32;
	v37 =	vadd.f32 $-3.935345710e-01, v37;
	v39 =	vmul.f32 $1.066843050e-01, v49  }
0x38: {  	v21 =	vmul.f32 v47, v24;
	v50 =	vadd.f32 $9.797525400e-01, v48;
	v16 =	vadd.f32 v16, v22  }
0x39: {  	v51 =	vadd.f32 $9.797525400e-01, v33;
	v52 =	vmul.f32 v37, v36;
	v53 =	vadd.f32 $-3.935345710e-01, v39  }
0x3a: {  	v54 =	vmul.f32 v50, v30;
	v6 =	vadd.f32 v16, v6;
	v16 =	vadd.f32 v21, v23  }
0x3b: {  	v57 =	vadd.f32 $-3.935345710e-01, v38;
	v55 =	vadd.f32 $9.797525400e-01, v52;
	v56 =	vmul.f32 v53, v49  }
0x3c: {  	v15 =	vadd.f32 v54, v15;
	v6 =	vadd.f32 v16, v6;
	v16 =	vmul.f32 v51, v32  }
0x3d: {  	v60 =	vadd.f32 $-3.935345710e-01, v34;
	v59 =	vmul.f32 v57, v35;
	v58 =	vadd.f32 $9.797525400e-01, v56  }
0x3e: {  	v6 =	vadd.f32 v15, v6;
	v15 =	vadd.f32 v16, v18;
	v16 =	vmul.f32 v55, v36  }
0x3f: {  	v62 =	vmul.f32 v60, v27;
	v61 =	vadd.f32 $9.797525400e-01, v59;
	v18 =	vsub.f32 $0.0e+00, v28  }
0x40: {  	v6 =	vadd.f32 v15, v6;
	v15 =	vadd.f32 v16, v20;
	v16 =	vmul.f32 v58, v49  }
0x41: {  	v63 =	vadd.f32 $9.797525400e-01, v62;
	v20 =	vmul.f32 $1.442695020e+00, v18;
	v18 =	vsub.f32 $0.0e+00, v29  }
0x42: {  	v6 =	vadd.f32 v15, v6;
	v15 =	vadd.f32 v16, v17;
	v16 =	vmul.f32 v61, v35  }
0x43: {  	v17 =	vmul.f32 $1.442695020e+00, v18;
	v18 =	vsub.f32 $0.0e+00, v25;
	(erf) = vpow2.f32 v20  }
0x44: {  	s16 =	simm.s32 $0x8;
	s17 =	sadd.s32 $0x400, s31;
	v6 =	vadd.f32 v15, v6;
	v15 =	vadd.f32 v16, v19;
	v16 =	vmul.f32 v63, v27  }
.LBB2_3:
0x45: {  	v19 =	vld [tilespmem:s17+$0x30];
	v18 =	vmul.f32 $1.442695020e+00, v18;
	v12 =	vsub.f32 $0.0e+00, v12;
	v14 =	vmul.f32 $1.442695020e+00, v14  }
0x46: {  	v20 =	vld [tilespmem:s17+$0x20];
	(erf) = vpow2.f32 v17;
	v6 =	vadd.f32 v15, v6;
	v5 =	vadd.f32 v16, v5  }
0x47: {  	v11 =	vsub.f32 $0.0e+00, v11;
	v15 =	vld [tilespmem:s17+$0x10];
	v12 =	vmul.f32 $1.442695020e+00, v12;
	(erf) = vpow2.f32 v14  }
0x48: {  	v13 =	vmul.f32 $1.442695020e+00, v13;
	v14 =	vld [tilespmem:s17+$0x0];
	(erf) = vpow2.f32 v18;
	v6 =	vadd.f32 v5, v6  }
0x49: {  	v10 =	vsub.f32 $0.0e+00, v10;
	v11 =	vmul.f32 $1.442695020e+00, v11;
	v16 =	vld [tilespmem:s17+$0xFFFFFFF0];
	(erf) = vpow2.f32 v12  }
0x4a: {  	v21 =	vmax.f32 v1, $0.0e+00;
	v5 =	vmax.f32 v0, $0.0e+00;
	v17 =	vld [tilespmem:s17+$0xFFFFFFE0];
	(erf) = vpow2.f32 v13;
	v0 =	vmovc v19  }
0x4b: {  	v10 =	vmul.f32 $1.442695020e+00, v10;
	v19 =	vmax.f32 v2, $0.0e+00;
	v18 =	vld [tilespmem:s17+$0xFFFFFFD0];
	(erf) = vpow2.f32 v11;
	v1 =	vmovc v20  }
0x4c: {  	v22 =	vmax.f32 v8, $0.0e+00;
	v23 =	vmax.f32 v4, $0.0e+00;
	v24 =	vmax.f32 v3, $0.0e+00;
	v20 =	vld [tilespmem:s17+$0xFFFFFFC0];
	v25 =	vpop (erf)  }
0x4d: {  	v26 =	vmax.f32 v9, $0.0e+00;
	v27 =	vmax.f32 v7, $0.0e+00;
	v2 =	vmovc v15;
	(erf) = vpow2.f32 v10;
	v3 =	vmovc v14  }
0x4e: {  	v8 =	vand.u32 $0x7FFFFFFF, v0;
	v7 =	vand.u32 $0x7FFFFFFF, v1;
	v9 =	vmul.f32 $1.066843050e-01, v25;
	v4 =	vmovc v16  }
0x4f: {  	v10 =	vand.u32 $0x7FFFFFFF, v2;
	v11 =	vand.u32 $0x7FFFFFFF, v3;
	v12 =	vand.u32 $0x7FFFFFFF, v4;
	v15 =	vpop (erf)  }
0x50: {  	v16 =	vand.u32 $0x7FFFFFFF, v17;
	v9 =	vadd.f32 $-3.935345710e-01, v9;
	v13 =	vmul.f32 $1.066843050e-01, v15;
	v28 =	vpop (erf)  }
0x51: {  	v14 =	vsub.f32 $0.0e+00, v8;
	v30 =	vand.u32 $0x7FFFFFFF, v18;
	v29 =	vand.u32 $0x7FFFFFFF, v20;
	v31 =	vpop (erf)  }
0x52: {  	v41 =	vmul.f32 v9, v25;
	v9 =	vadd.f32 $-3.935345710e-01, v13;
	v32 =	vmul.f32 $1.066843050e-01, v31;
	v33 =	vpop (erf)  }
0x53: {  	v34 =	vmul.f32 $1.066843050e-01, v28;
	v13 =	vsub.f32 $0.0e+00, v7;
	v42 =	vmul.f32 $1.066843050e-01, v33;
	v35 =	vpop (erf)  }
0x54: {  	v36 =	vadd.f32 $9.797525400e-01, v41;
	v43 =	vmul.f32 v9, v15;
	v41 =	vadd.f32 $-3.935345710e-01, v32;
	v37 =	vpop (erf)  }
0x55: {  	v8 =	vmovc v17;
	v7 =	vmovc v18;
	v40 =	vmul.f32 $1.066843050e-01, v35;
	v38 =	vadd.f32 $-3.935345710e-01, v42;
	v39 =	vmul.f32 $1.066843050e-01, v37  }
0x56: {  	v17 =	vmul.f32 v36, v25;
	v18 =	vadd.f32 $9.797525400e-01, v43;
	v25 =	vmul.f32 v41, v31;
	v32 =	vpop (erf)  }
0x57: {  	v9 =	vmovc v20;
	v36 =	vmul.f32 v38, v33;
	v38 =	vadd.f32 $-3.935345710e-01, v39;
	v39 =	vmul.f32 $1.066843050e-01, v32  }
0x58: {  	v17 =	vadd.f32 v17, v26;
	v15 =	vmul.f32 v18, v15;
	v18 =	vadd.f32 $9.797525400e-01, v25  }
0x59: {  	v20 =	vadd.f32 $9.797525400e-01, v36;
	v25 =	vmul.f32 v38, v37;
	v26 =	vadd.f32 $-3.935345710e-01, v39  }
0x5a: {  	s16 =	sadd.s32 $0x8, s16;
	v6 =	vadd.f32 v17, v6;
	v15 =	vadd.f32 v15, v27;
	v17 =	vmul.f32 v18, v31  }
0x5b: {  	p0 =	slt.u32 s16, $0x18;
	v18 =	vadd.f32 $9.797525400e-01, v25;
	v25 =	vmul.f32 v26, v32;
	v26 =	vadd.f32 $-3.935345710e-01, v40  }
0x5c: {  	v6 =	vadd.f32 v15, v6;
	v15 =	vadd.f32 v17, v22;
	v17 =	vmul.f32 v20, v33  }
0x5d: {  	v20 =	vadd.f32 $9.797525400e-01, v25;
	v22 =	vmul.f32 v26, v35;
	v25 =	vadd.f32 $-3.935345710e-01, v34  }
0x5e: {  	v6 =	vadd.f32 v15, v6;
	v15 =	vadd.f32 v17, v23;
	v17 =	vmul.f32 v18, v37  }
0x5f: {  	v18 =	vsub.f32 $0.0e+00, v29;
	v22 =	vadd.f32 $9.797525400e-01, v22;
	v23 =	vmul.f32 v25, v28  }
.Ltmp0:
0x60: {  	v6 =	vadd.f32 v15, v6;
	v15 =	vadd.f32 v17, v24;
	v17 =	vmul.f32 v20, v32;
	(pc) =	sbr.rel @p0 .LBB2_3-.Ltmp0, $4  }
0x61: {  	v20 =	vmul.f32 $1.442695020e+00, v18;
	v18 =	vsub.f32 $0.0e+00, v30;
	v23 =	vadd.f32 $9.797525400e-01, v23  }
0x62: {  	v6 =	vadd.f32 v15, v6;
	v15 =	vadd.f32 v17, v19;
	v19 =	vmul.f32 v22, v35  }
0x63: {  	v17 =	vmul.f32 $1.442695020e+00, v18;
	v18 =	vsub.f32 $0.0e+00, v16;
	(erf) = vpow2.f32 v20  }
0x64: {  	s17 =	sadd.s32 $0x400, s17;
	v16 =	vmul.f32 v23, v28;
	v6 =	vadd.f32 v15, v6;
	v15 =	vadd.f32 v19, v21  }
0x65: {  	v12 =	vsub.f32 $0.0e+00, v12;
	v14 =	vmul.f32 $1.442695020e+00, v14  }
0x66: {  	v18 =	vmul.f32 $1.442695020e+00, v18;
	(erf) = vpow2.f32 v17  }
0x67: {  	v11 =	vsub.f32 $0.0e+00, v11;
	v12 =	vmul.f32 $1.442695020e+00, v12;
	(erf) = vpow2.f32 v14  }
0x68: {  	v13 =	vmul.f32 $1.442695020e+00, v13;
	(erf) = vpow2.f32 v18  }
0x69: {  	v10 =	vsub.f32 $0.0e+00, v10;
	v11 =	vmul.f32 $1.442695020e+00, v11;
	(erf) = vpow2.f32 v12  }
0x6a: {  	(erf) = vpow2.f32 v13  }
0x6b: {  	v10 =	vmul.f32 $1.442695020e+00, v10;
	(erf) = vpow2.f32 v11;
	_ =	sdelay $0x1  }
0x6c: {  	v40 =	vpop (erf);
	(erf) = vpow2.f32 v10  }
0x6d: {  	v6 =	vadd.f32 v15, v6;
	v5 =	vadd.f32 v16, v5;
	v41 =	vmul.f32 $1.066843050e-01, v40  }
0x6e: {  	v42 =	vpop (erf)  }
0x6f: {  	v5 =	vadd.f32 v5, v6;
	v6 =	vadd.f32 $-3.935345710e-01, v41;
	v43 =	vmul.f32 $1.066843050e-01, v42;
	v44 =	vpop (erf)  }
0x70: {  	v8 =	vmax.f32 v8, $0.0e+00;
	v4 =	vmax.f32 v4, $0.0e+00;
	v9 =	vmax.f32 v9, $0.0e+00;
	v45 =	vpop (erf)  }
0x71: {  	v6 =	vmul.f32 v6, v40;
	v10 =	vadd.f32 $-3.935345710e-01, v43;
	v46 =	vmul.f32 $1.066843050e-01, v45;
	v47 =	vpop (erf)  }
0x72: {  	v7 =	vmax.f32 v7, $0.0e+00;
	v49 =	vmul.f32 $1.066843050e-01, v44;
	v48 =	vmul.f32 $1.066843050e-01, v47;
	v19 =	vpop (erf)  }
0x73: {  	v6 =	vadd.f32 $9.797525400e-01, v6;
	v10 =	vmul.f32 v10, v42;
	v15 =	vadd.f32 $-3.935345710e-01, v46;
	v20 =	vpop (erf)  }
0x74: {  	v22 =	vmul.f32 $1.066843050e-01, v19;
	v17 =	vadd.f32 $-3.935345710e-01, v48;
	v21 =	vmul.f32 $1.066843050e-01, v20  }
0x75: {  	v6 =	vmul.f32 v6, v40;
	v10 =	vadd.f32 $9.797525400e-01, v10;
	v51 =	vpop (erf);
	v50 =	vmul.f32 v15, v45  }
0x76: {  	v23 =	vmul.f32 $1.066843050e-01, v51;
	v17 =	vmul.f32 v17, v47;
	v21 =	vadd.f32 $-3.935345710e-01, v21  }
0x77: {  	v6 =	vadd.f32 v6, v9;
	v52 =	vmul.f32 v10, v42;
	v53 =	vadd.f32 $9.797525400e-01, v50  }
0x78: {  	v56 =	vadd.f32 $-3.935345710e-01, v23;
	v54 =	vadd.f32 $9.797525400e-01, v17;
	v55 =	vmul.f32 v21, v20  }
0x79: {  	v5 =	vadd.f32 v6, v5;
	v6 =	vadd.f32 v52, v7;
	v7 =	vmul.f32 v53, v45  }
0x7a: {  	v59 =	vadd.f32 $-3.935345710e-01, v22;
	v58 =	vmul.f32 v56, v51;
	v57 =	vadd.f32 $9.797525400e-01, v55  }
0x7b: {  	v5 =	vadd.f32 v6, v5;
	v6 =	vadd.f32 v7, v8;
	v7 =	vmul.f32 v54, v47  }
0x7c: {  	v61 =	vadd.f32 $-3.935345710e-01, v49;
	v60 =	vmul.f32 v59, v19;
	v8 =	vadd.f32 $9.797525400e-01, v58  }
0x7d: {  	v5 =	vadd.f32 v6, v5;
	v4 =	vadd.f32 v7, v4;
	v6 =	vmul.f32 v57, v20  }
0x7e: {  	v3 =	vmax.f32 v3, $0.0e+00;
	v62 =	vmul.f32 v61, v44;
	v7 =	vadd.f32 $9.797525400e-01, v60  }
0x7f: {  	v4 =	vadd.f32 v4, v5;
	v3 =	vadd.f32 v6, v3;
	v5 =	vmul.f32 v8, v51  }
0x80: {  	v2 =	vmax.f32 v2, $0.0e+00;
	v6 =	vadd.f32 $9.797525400e-01, v62  }
0x81: {  	s15 =	sadd.s32 $0x1, s15;
	v3 =	vadd.f32 v3, v4;
	v2 =	vadd.f32 v5, v2;
	v4 =	vmul.f32 v7, v19  }
0x82: {  	v1 =	vmax.f32 v1, $0.0e+00;
	p0 =	sne.s32 s15, $0x28  }
.Ltmp1:
0x83: {  	v63 =	vmul.f32 v6, v44;
	v2 =	vadd.f32 v2, v3;
	v1 =	vadd.f32 v4, v1;
	(pc) =	sbr.rel @p0 .LBB2_2-.Ltmp1, $3  }
0x84: {  	v0 =	vmax.f32 v0, $0.0e+00  }
0x85: {  	v0 =	vadd.f32 v63, v0;
	v1 =	vadd.f32 v1, v2;
	_ =	sdelay $0x1  }
0x86: {  	s14 =	sadd.s32 $0x200, s14;
	s13 =	sadd.s32 $0x1, s13;
	v6 =	vadd.f32 v0, v1  }
0x87: {  	_ =	swait.ge [sflag:s9], $0x5000  }
0x88: {  	s13 =	simm.s32 $0x0;
	[sflag:s9] =	ssyncset.done $0x0  }
0x89: {  	s14 =	simm.s32 $0x0;
	s15 =	simm.s32 $0x0;
	[sflag:s9] =	ssyncadd.s32 $0xFFFFB000  }
.LBB2_6:
0x8a: {  	s16 =	sshll.u32 s14, $0x2;
	s17 =	sand.u32 $0x7, s13  }
0x8b: {  	s16 =	sand.u32 $0xFFFFC000, s16;
	s17 =	sshll.u32 s17, $0x9  }
0x8c: {  	s16 =	sor.u32 s17, s16  }
0x8d: {  	s16 =	sshrl.u32 s16, $0x2  }
0x8e: {  	s16 =	sadd.s32 $0x5040, s16  }
0x8f: {  	v5 =	vld [tilespmem:s16+$0x30]  }
0x90: {  	v10 =	vld [tilespmem:s16+$0xFFFFFFC0]  }
0x91: {  	v7 =	vld [tilespmem:s16+$0x20]  }
0x92: {  	v11 =	vld [tilespmem:s16+$0xFFFFFFD0]  }
0x93: {  	v12 =	vld [tilespmem:s16+$0xFFFFFFF0]  }
0x94: {  	v13 =	vld [tilespmem:s16+$0xFFFFFFE0]  }
0x95: {  	v14 =	vld [tilespmem:s16+$0x0]  }
0x96: {  	v0 =	vand.u32 $0x7FFFFFFF, v10  }
0x97: {  	v0 =	vsub.f32 $0.0e+00, v0  }
0x98: {  	v1 =	vand.u32 $0x7FFFFFFF, v7;
	v2 =	vand.u32 $0x7FFFFFFF, v11;
	v3 =	vand.u32 $0x7FFFFFFF, v5  }
0x99: {  	v4 =	vand.u32 $0x7FFFFFFF, v12;
	v2 =	vsub.f32 $0.0e+00, v2;
	v0 =	vmul.f32 $1.442695020e+00, v0  }
0x9a: {  	v9 =	vld [tilespmem:s16+$0x10];
	v8 =	vand.u32 $0x7FFFFFFF, v13;
	v15 =	vand.u32 $0x7FFFFFFF, v14;
	v3 =	vsub.f32 $0.0e+00, v3  }
0x9b: {  	v8 =	vsub.f32 $0.0e+00, v8;
	v2 =	vmul.f32 $1.442695020e+00, v2;
	(erf) = vpow2.f32 v0  }
0x9c: {  	s31 =	sadd.s32 $0x400, s16;
	v19 =	vmax.f32 v7, $0.0e+00;
	v4 =	vsub.f32 $0.0e+00, v4;
	v3 =	vmul.f32 $1.442695020e+00, v3  }
0x9d: {  	v7 =	vld [tilespmem:s31+$0xFFFFFFD0];
	v16 =	vsub.f32 $0.0e+00, v1;
	v8 =	vmul.f32 $1.442695020e+00, v8;
	(erf) = vpow2.f32 v2  }
0x9e: {  	v1 =	vld [tilespmem:s31+$0x20];
	v15 =	vsub.f32 $0.0e+00, v15;
	v17 =	vmul.f32 $1.442695020e+00, v4;
	(erf) = vpow2.f32 v3  }
0x9f: {  	v18 =	vand.u32 $0x7FFFFFFF, v9;
	v16 =	vmul.f32 $1.442695020e+00, v16;
	v4 =	vld [tilespmem:s31+$0xFFFFFFF0];
	(erf) = vpow2.f32 v8  }
0xa0: {  	v18 =	vsub.f32 $0.0e+00, v18;
	v15 =	vmul.f32 $1.442695020e+00, v15;
	v0 =	vld [tilespmem:s31+$0x30];
	(erf) = vpow2.f32 v17  }
0xa1: {  	v5 =	vmax.f32 v5, $0.0e+00;
	v2 =	vld [tilespmem:s31+$0x10];
	(erf) = vpow2.f32 v16  }
0xa2: {  	v20 =	vmax.f32 v14, $0.0e+00;
	v3 =	vld [tilespmem:s31+$0x0];
	v16 =	vmul.f32 $1.442695020e+00, v18;
	(erf) = vpow2.f32 v15  }
0xa3: {  	v22 =	vmax.f32 v10, $0.0e+00;
	v23 =	vmax.f32 v11, $0.0e+00;
	v29 =	vand.u32 $0x7FFFFFFF, v7;
	v8 =	vld [tilespmem:s31+$0xFFFFFFE0]  }
0xa4: {  	v17 =	vmax.f32 v9, $0.0e+00;
	v18 =	vmax.f32 v12, $0.0e+00;
	v21 =	vpop (erf);
	(erf) = vpow2.f32 v16  }
0xa5: {  	v9 =	vld [tilespmem:s31+$0xFFFFFFC0];
	v14 =	vand.u32 $0x7FFFFFFF, v0;
	v12 =	vand.u32 $0x7FFFFFFF, v4;
	v16 =	vmul.f32 $1.066843050e-01, v21  }
0xa6: {  	v15 =	vmax.f32 v13, $0.0e+00;
	v13 =	vand.u32 $0x7FFFFFFF, v1;
	v10 =	vand.u32 $0x7FFFFFFF, v2;
	v24 =	vpop (erf)  }
0xa7: {  	v14 =	vsub.f32 $0.0e+00, v14;
	v26 =	vmul.f32 $1.066843050e-01, v24;
	v27 =	vpop (erf);
	v16 =	vadd.f32 $-3.935345710e-01, v16  }
0xa8: {  	v11 =	vand.u32 $0x7FFFFFFF, v3;
	v13 =	vsub.f32 $0.0e+00, v13;
	v25 =	vand.u32 $0x7FFFFFFF, v8;
	v30 =	vpop (erf)  }
0xa9: {  	v26 =	vadd.f32 $-3.935345710e-01, v26;
	v31 =	vmul.f32 $1.066843050e-01, v30;
	v32 =	vpop (erf);
	v16 =	vmul.f32 v16, v21  }
0xaa: {  	v28 =	vand.u32 $0x7FFFFFFF, v9;
	v34 =	vmul.f32 $1.066843050e-01, v27;
	v33 =	vmul.f32 $1.066843050e-01, v32;
	v35 =	vpop (erf)  }
0xab: {  	v26 =	vmul.f32 v26, v24;
	v31 =	vadd.f32 $-3.935345710e-01, v31;
	v36 =	vpop (erf);
	v16 =	vadd.f32 $9.797525400e-01, v16  }
0xac: {  	v38 =	vmul.f32 $1.066843050e-01, v35;
	v33 =	vadd.f32 $-3.935345710e-01, v33;
	v37 =	vmul.f32 $1.066843050e-01, v36  }
0xad: {  	v47 =	vadd.f32 $9.797525400e-01, v26;
	v48 =	vmul.f32 v31, v30;
	v16 =	vmul.f32 v16, v21;
	v49 =	vpop (erf)  }
0xae: {  	v33 =	vmul.f32 v33, v32;
	v37 =	vadd.f32 $-3.935345710e-01, v37;
	v39 =	vmul.f32 $1.066843050e-01, v49  }
0xaf: {  	v21 =	vmul.f32 v47, v24;
	v50 =	vadd.f32 $9.797525400e-01, v48;
	v16 =	vadd.f32 v16, v22  }
0xb0: {  	v51 =	vadd.f32 $9.797525400e-01, v33;
	v52 =	vmul.f32 v37, v36;
	v53 =	vadd.f32 $-3.935345710e-01, v39  }
0xb1: {  	v54 =	vmul.f32 v50, v30;
	v6 =	vadd.f32 v16, v6;
	v16 =	vadd.f32 v21, v23  }
0xb2: {  	v57 =	vadd.f32 $-3.935345710e-01, v38;
	v55 =	vadd.f32 $9.797525400e-01, v52;
	v56 =	vmul.f32 v53, v49  }
0xb3: {  	v15 =	vadd.f32 v54, v15;
	v6 =	vadd.f32 v16, v6;
	v16 =	vmul.f32 v51, v32  }
0xb4: {  	v60 =	vadd.f32 $-3.935345710e-01, v34;
	v59 =	vmul.f32 v57, v35;
	v58 =	vadd.f32 $9.797525400e-01, v56  }
0xb5: {  	v6 =	vadd.f32 v15, v6;
	v15 =	vadd.f32 v16, v18;
	v16 =	vmul.f32 v55, v36  }
0xb6: {  	v62 =	vmul.f32 v60, v27;
	v61 =	vadd.f32 $9.797525400e-01, v59;
	v18 =	vsub.f32 $0.0e+00, v28  }
0xb7: {  	v6 =	vadd.f32 v15, v6;
	v15 =	vadd.f32 v16, v20;
	v16 =	vmul.f32 v58, v49  }
0xb8: {  	v63 =	vadd.f32 $9.797525400e-01, v62;
	v20 =	vmul.f32 $1.442695020e+00, v18;
	v18 =	vsub.f32 $0.0e+00, v29  }
0xb9: {  	v6 =	vadd.f32 v15, v6;
	v15 =	vadd.f32 v16, v17;
	v16 =	vmul.f32 v61, v35  }
0xba: {  	v17 =	vmul.f32 $1.442695020e+00, v18;
	v18 =	vsub.f32 $0.0e+00, v25;
	(erf) = vpow2.f32 v20  }
0xbb: {  	s16 =	simm.s32 $0x8;
	s17 =	sadd.s32 $0x400, s31;
	v6 =	vadd.f32 v15, v6;
	v15 =	vadd.f32 v16, v19;
	v16 =	vmul.f32 v63, v27  }
.LBB2_7:
0xbc: {  	v19 =	vld [tilespmem:s17+$0x30];
	v18 =	vmul.f32 $1.442695020e+00, v18;
	v12 =	vsub.f32 $0.0e+00, v12;
	v14 =	vmul.f32 $1.442695020e+00, v14  }
0xbd: {  	v20 =	vld [tilespmem:s17+$0x20];
	(erf) = vpow2.f32 v17;
	v6 =	vadd.f32 v15, v6;
	v5 =	vadd.f32 v16, v5  }
0xbe: {  	v11 =	vsub.f32 $0.0e+00, v11;
	v15 =	vld [tilespmem:s17+$0x10];
	v12 =	vmul.f32 $1.442695020e+00, v12;
	(erf) = vpow2.f32 v14  }
0xbf: {  	v13 =	vmul.f32 $1.442695020e+00, v13;
	v14 =	vld [tilespmem:s17+$0x0];
	(erf) = vpow2.f32 v18;
	v6 =	vadd.f32 v5, v6  }
0xc0: {  	v10 =	vsub.f32 $0.0e+00, v10;
	v11 =	vmul.f32 $1.442695020e+00, v11;
	v16 =	vld [tilespmem:s17+$0xFFFFFFF0];
	(erf) = vpow2.f32 v12  }
0xc1: {  	v21 =	vmax.f32 v1, $0.0e+00;
	v5 =	vmax.f32 v0, $0.0e+00;
	v17 =	vld [tilespmem:s17+$0xFFFFFFE0];
	(erf) = vpow2.f32 v13;
	v0 =	vmovc v19  }
0xc2: {  	v10 =	vmul.f32 $1.442695020e+00, v10;
	v19 =	vmax.f32 v2, $0.0e+00;
	v18 =	vld [tilespmem:s17+$0xFFFFFFD0];
	(erf) = vpow2.f32 v11;
	v1 =	vmovc v20  }
0xc3: {  	v22 =	vmax.f32 v8, $0.0e+00;
	v23 =	vmax.f32 v4, $0.0e+00;
	v24 =	vmax.f32 v3, $0.0e+00;
	v20 =	vld [tilespmem:s17+$0xFFFFFFC0];
	v25 =	vpop (erf)  }
0xc4: {  	v26 =	vmax.f32 v9, $0.0e+00;
	v27 =	vmax.f32 v7, $0.0e+00;
	v2 =	vmovc v15;
	(erf) = vpow2.f32 v10;
	v3 =	vmovc v14  }
0xc5: {  	v8 =	vand.u32 $0x7FFFFFFF, v0;
	v7 =	vand.u32 $0x7FFFFFFF, v1;
	v9 =	vmul.f32 $1.066843050e-01, v25;
	v4 =	vmovc v16  }
0xc6: {  	v10 =	vand.u32 $0x7FFFFFFF, v2;
	v11 =	vand.u32 $0x7FFFFFFF, v3;
	v12 =	vand.u32 $0x7FFFFFFF, v4;
	v15 =	vpop (erf)  }
0xc7: {  	v16 =	vand.u32 $0x7FFFFFFF, v17;
	v9 =	vadd.f32 $-3.935345710e-01, v9;
	v13 =	vmul.f32 $1.066843050e-01, v15;
	v28 =	vpop (erf)  }
0xc8: {  	v14 =	vsub.f32 $0.0e+00, v8;
	v30 =	vand.u32 $0x7FFFFFFF, v18;
	v29 =	vand.u32 $0x7FFFFFFF, v20;
	v31 =	vpop (erf)  }
0xc9: {  	v41 =	vmul.f32 v9, v25;
	v9 =	vadd.f32 $-3.935345710e-01, v13;
	v32 =	vmul.f32 $1.066843050e-01, v31;
	v33 =	vpop (erf)  }
0xca: {  	v34 =	vmul.f32 $1.066843050e-01, v28;
	v13 =	vsub.f32 $0.0e+00, v7;
	v42 =	vmul.f32 $1.066843050e-01, v33;
	v35 =	vpop (erf)  }
0xcb: {  	v36 =	vadd.f32 $9.797525400e-01, v41;
	v43 =	vmul.f32 v9, v15;
	v41 =	vadd.f32 $-3.935345710e-01, v32;
	v37 =	vpop (erf)  }
0xcc: {  	v8 =	vmovc v17;
	v7 =	vmovc v18;
	v40 =	vmul.f32 $1.066843050e-01, v35;
	v38 =	vadd.f32 $-3.935345710e-01, v42;
	v39 =	vmul.f32 $1.066843050e-01, v37  }
0xcd: {  	v17 =	vmul.f32 v36, v25;
	v18 =	vadd.f32 $9.797525400e-01, v43;
	v25 =	vmul.f32 v41, v31;
	v32 =	vpop (erf)  }
0xce: {  	v9 =	vmovc v20;
	v36 =	vmul.f32 v38, v33;
	v38 =	vadd.f32 $-3.935345710e-01, v39;
	v39 =	vmul.f32 $1.066843050e-01, v32  }
0xcf: {  	v17 =	vadd.f32 v17, v26;
	v15 =	vmul.f32 v18, v15;
	v18 =	vadd.f32 $9.797525400e-01, v25  }
0xd0: {  	v20 =	vadd.f32 $9.797525400e-01, v36;
	v25 =	vmul.f32 v38, v37;
	v26 =	vadd.f32 $-3.935345710e-01, v39  }
0xd1: {  	s16 =	sadd.s32 $0x8, s16;
	v6 =	vadd.f32 v17, v6;
	v15 =	vadd.f32 v15, v27;
	v17 =	vmul.f32 v18, v31  }
0xd2: {  	p0 =	slt.u32 s16, $0x18;
	v18 =	vadd.f32 $9.797525400e-01, v25;
	v25 =	vmul.f32 v26, v32;
	v26 =	vadd.f32 $-3.935345710e-01, v40  }
0xd3: {  	v6 =	vadd.f32 v15, v6;
	v15 =	vadd.f32 v17, v22;
	v17 =	vmul.f32 v20, v33  }
0xd4: {  	v20 =	vadd.f32 $9.797525400e-01, v25;
	v22 =	vmul.f32 v26, v35;
	v25 =	vadd.f32 $-3.935345710e-01, v34  }
0xd5: {  	v6 =	vadd.f32 v15, v6;
	v15 =	vadd.f32 v17, v23;
	v17 =	vmul.f32 v18, v37  }
0xd6: {  	v18 =	vsub.f32 $0.0e+00, v29;
	v22 =	vadd.f32 $9.797525400e-01, v22;
	v23 =	vmul.f32 v25, v28  }
.Ltmp2:
0xd7: {  	v6 =	vadd.f32 v15, v6;
	v15 =	vadd.f32 v17, v24;
	v17 =	vmul.f32 v20, v32;
	(pc) =	sbr.rel @p0 .LBB2_7-.Ltmp2, $4  }
0xd8: {  	v20 =	vmul.f32 $1.442695020e+00, v18;
	v18 =	vsub.f32 $0.0e+00, v30;
	v23 =	vadd.f32 $9.797525400e-01, v23  }
0xd9: {  	v6 =	vadd.f32 v15, v6;
	v15 =	vadd.f32 v17, v19;
	v19 =	vmul.f32 v22, v35  }
0xda: {  	v17 =	vmul.f32 $1.442695020e+00, v18;
	v18 =	vsub.f32 $0.0e+00, v16;
	(erf) = vpow2.f32 v20  }
0xdb: {  	s17 =	sadd.s32 $0x400, s17;
	v16 =	vmul.f32 v23, v28;
	v6 =	vadd.f32 v15, v6;
	v15 =	vadd.f32 v19, v21  }
0xdc: {  	v12 =	vsub.f32 $0.0e+00, v12;
	v14 =	vmul.f32 $1.442695020e+00, v14  }
0xdd: {  	v18 =	vmul.f32 $1.442695020e+00, v18;
	(erf) = vpow2.f32 v17  }
0xde: {  	v11 =	vsub.f32 $0.0e+00, v11;
	v12 =	vmul.f32 $1.442695020e+00, v12;
	(erf) = vpow2.f32 v14  }
0xdf: {  	v13 =	vmul.f32 $1.442695020e+00, v13;
	(erf) = vpow2.f32 v18  }
0xe0: {  	v10 =	vsub.f32 $0.0e+00, v10;
	v11 =	vmul.f32 $1.442695020e+00, v11;
	(erf) = vpow2.f32 v12  }
0xe1: {  	(erf) = vpow2.f32 v13  }
0xe2: {  	v10 =	vmul.f32 $1.442695020e+00, v10;
	(erf) = vpow2.f32 v11;
	_ =	sdelay $0x1  }
0xe3: {  	v40 =	vpop (erf);
	(erf) = vpow2.f32 v10  }
0xe4: {  	v6 =	vadd.f32 v15, v6;
	v5 =	vadd.f32 v16, v5;
	v41 =	vmul.f32 $1.066843050e-01, v40  }
0xe5: {  	v42 =	vpop (erf)  }
0xe6: {  	v5 =	vadd.f32 v5, v6;
	v6 =	vadd.f32 $-3.935345710e-01, v41;
	v43 =	vmul.f32 $1.066843050e-01, v42;
	v44 =	vpop (erf)  }
0xe7: {  	v8 =	vmax.f32 v8, $0.0e+00;
	v4 =	vmax.f32 v4, $0.0e+00;
	v9 =	vmax.f32 v9, $0.0e+00;
	v45 =	vpop (erf)  }
0xe8: {  	v6 =	vmul.f32 v6, v40;
	v10 =	vadd.f32 $-3.935345710e-01, v43;
	v46 =	vmul.f32 $1.066843050e-01, v45;
	v47 =	vpop (erf)  }
0xe9: {  	v7 =	vmax.f32 v7, $0.0e+00;
	v49 =	vmul.f32 $1.066843050e-01, v44;
	v48 =	vmul.f32 $1.066843050e-01, v47;
	v19 =	vpop (erf)  }
0xea: {  	v6 =	vadd.f32 $9.797525400e-01, v6;
	v10 =	vmul.f32 v10, v42;
	v15 =	vadd.f32 $-3.935345710e-01, v46;
	v20 =	vpop (erf)  }
0xeb: {  	v22 =	vmul.f32 $1.066843050e-01, v19;
	v17 =	vadd.f32 $-3.935345710e-01, v48;
	v21 =	vmul.f32 $1.066843050e-01, v20  }
0xec: {  	v6 =	vmul.f32 v6, v40;
	v10 =	vadd.f32 $9.797525400e-01, v10;
	v51 =	vpop (erf);
	v50 =	vmul.f32 v15, v45  }
0xed: {  	v23 =	vmul.f32 $1.066843050e-01, v51;
	v17 =	vmul.f32 v17, v47;
	v21 =	vadd.f32 $-3.935345710e-01, v21  }
0xee: {  	v6 =	vadd.f32 v6, v9;
	v52 =	vmul.f32 v10, v42;
	v53 =	vadd.f32 $9.797525400e-01, v50  }
0xef: {  	v56 =	vadd.f32 $-3.935345710e-01, v23;
	v54 =	vadd.f32 $9.797525400e-01, v17;
	v55 =	vmul.f32 v21, v20  }
0xf0: {  	v5 =	vadd.f32 v6, v5;
	v6 =	vadd.f32 v52, v7;
	v7 =	vmul.f32 v53, v45  }
0xf1: {  	v59 =	vadd.f32 $-3.935345710e-01, v22;
	v58 =	vmul.f32 v56, v51;
	v57 =	vadd.f32 $9.797525400e-01, v55  }
0xf2: {  	v5 =	vadd.f32 v6, v5;
	v6 =	vadd.f32 v7, v8;
	v7 =	vmul.f32 v54, v47  }
0xf3: {  	v61 =	vadd.f32 $-3.935345710e-01, v49;
	v60 =	vmul.f32 v59, v19;
	v8 =	vadd.f32 $9.797525400e-01, v58  }
0xf4: {  	v5 =	vadd.f32 v6, v5;
	v4 =	vadd.f32 v7, v4;
	v6 =	vmul.f32 v57, v20  }
0xf5: {  	v3 =	vmax.f32 v3, $0.0e+00;
	v62 =	vmul.f32 v61, v44;
	v7 =	vadd.f32 $9.797525400e-01, v60  }
0xf6: {  	v4 =	vadd.f32 v4, v5;
	v3 =	vadd.f32 v6, v3;
	v5 =	vmul.f32 v8, v51  }
0xf7: {  	v2 =	vmax.f32 v2, $0.0e+00;
	v6 =	vadd.f32 $9.797525400e-01, v62  }
0xf8: {  	s15 =	sadd.s32 $0x1, s15;
	v3 =	vadd.f32 v3, v4;
	v2 =	vadd.f32 v5, v2;
	v4 =	vmul.f32 v7, v19  }
0xf9: {  	v1 =	vmax.f32 v1, $0.0e+00;
	p0 =	sne.s32 s15, $0x28  }
.Ltmp3:
0xfa: {  	v63 =	vmul.f32 v6, v44;
	v2 =	vadd.f32 v2, v3;
	v1 =	vadd.f32 v4, v1;
	(pc) =	sbr.rel @p0 .LBB2_6-.Ltmp3, $3  }
0xfb: {  	v0 =	vmax.f32 v0, $0.0e+00  }
0xfc: {  	v0 =	vadd.f32 v63, v0;
	v1 =	vadd.f32 v1, v2;
	_ =	sdelay $0x1  }
0xfd: {  	s14 =	sadd.s32 $0x200, s14;
	s13 =	sadd.s32 $0x1, s13;
	v6 =	vadd.f32 v0, v1  }
0xfe: {  	s12 =	sadd.s32 $0x1, s12  }
0xff: {  	p0 =	sne.s32 s12, s6  }
.Ltmp4:
0x100: {  	[tilespmem:$0xA000] =	vst v6;
	(pc) =	sbr.rel @p0 .LBB2_1-.Ltmp4, $4  }
0x101: {  	[hbm4b:s5+s2] =	stream.linear.scatter [tilespmem:s10], [sflag:$0x3], $0x80, $0x38;
	[tilespmem:$0xA080] =	vst v63  }
0x102: {  	_ =	swait.ge [sflag:s11], $0x80  }
0x103: {  	[sflag:s11] =	ssyncset.done $0x0  }
0x104: {  	[sflag:s11] =	ssyncadd.s32 $0xFFFFFF80  }
0x105: {  	_ =	sfence.sel $0x180000  }
0x106: {  	[bflag:$0x0] =	sbarrier.arrive $0xFFFF  }
0x107: {  	p0 =	sne.s32 s0, $0x0;
	_ =	strace $0x9000004A  }
0x108: {  	s0 =	sadd.s32 @!p0 $0x100000, s1;
	[bflag:$0x2] =	sbarrier.arrive $0xFFFF  }
0x109: {  	[sflag:s0] =	ssyncadd.tile.s32 @!p0 $0x1;
	_ =	shalt  }
.Lfunc_end2:
_tile_overlayer_lowered:
.L_overlay_start_2:
0x10a: {  	(tag) =	ssettag $0x2  }
0x10b: {  	s0 =	rddreg [dreg:$0x0];
	s2 =	stileid.u32  }
0x10c: {  	s1 =	rddreg [dreg:$0x1];
	p0 =	sne.s32 s2, $0x0  }
0x10d: {  	s3 =	rddreg [dreg:$0x2];
	[bflag:$0x3] =	sbarrier.arrive $0xFFFF;
	s2 =	simm.s32 @!p0 $0x1C03  }
0x10e: {  	[timem:s3], [sflag:s2] =	dma.local @!p0 [hbm:s0], s1  }
0x10f: {  	s0 =	simm.s32 @!p0 $0x3  }
0x110: {  	_ =	swait.ge @!p0 [sflag:s0], s1  }
0x111: {  	s1 =	ssub.s32 @!p0 $0x0, s1;
	[sflag:s0] =	ssyncset.done @!p0 $0x0  }
0x112: {  	[sflag:s0] =	ssyncadd.s32 @!p0 s1  }
0x113: {  	[bflag:$0x3] =	sbarrier.arrive $0xFFFF  }
0x114: {  	_ =	shalt  }

</sc_bundles>
